<compile_context>
chip_gen: v7x
topology: tpu7x:2x2x1
jax: 0.10.2.dev20260603
libtpu: 0.0.44.dev20260713+nightly
codegen_flags: <defaults>
</compile_context>

<pallas_src>
import jax
import jax.numpy as jnp
from jax import lax
from jax.experimental import pallas as pl
from jax.experimental.pallas import tpu as pltpu
from jax.experimental.pallas import tpu_sc as plsc

VOCAB = 1000000
EMBED = 64
B = 1024
L = 200
N = B * L

_INFO = plsc.get_sparse_core_info()
NC = _INFO.num_cores
NS = _INFO.num_subcores
NW = NC * NS
PER_W = N // NW
SUB = 128
CH = 640
NG = CH // SUB
NCH = PER_W // CH
IROWS = PER_W // SUB

TC_GRID = 32
RPB = B // TC_GRID
EPB = RPB * L


def _gather_kernel(ids_hbm, table_hbm, out_hbm, idx_v, rows0, rows1,
                   sg0, sg1, so0, so1):
    wid = lax.axis_index("s") * NC + lax.axis_index("c")
    base = wid * PER_W
    rows = (rows0, rows1)
    sg = (sg0, sg1)
    so = (so0, so1)

    pltpu.sync_copy(ids_hbm.at[pl.ds(wid * IROWS, IROWS)], idx_v)

    def gather_cp(b, c, g):
        return pltpu.make_async_copy(
            table_hbm.at[idx_v.at[c * NG + g]],
            rows[b].at[pl.ds(g * SUB, SUB)], sg[b])

    def fire(b, c):
        for g in range(NG):
            gather_cp(b, c, g).start()

    def wait_gather(b, c):
        for g in range(NG):
            gather_cp(b, c, g).wait()

    def out_cp(b, c):
        return pltpu.make_async_copy(
            rows[b],
            out_hbm.at[pl.ds(base + c * CH, CH), pl.ds(0, EMBED)], so[b])

    fire(0, 0)
    for c in range(NCH):
        b = c & 1
        if c + 1 < NCH:
            if c >= 1:
                out_cp(1 - b, c - 1).wait()
            fire(1 - b, c + 1)
        wait_gather(b, c)
        out_cp(b, c).start()
    out_cp(NCH & 1, NCH - 2).wait()
    out_cp(1 - (NCH & 1), NCH - 1).wait()


def _ln_kernel(g_ref, gamma_ref, beta_ref, out_ref):
    x = g_ref[...][:, :EMBED]
    mean = jnp.mean(x, axis=-1, keepdims=True)
    d = x - mean
    var = jnp.mean(d * d, axis=-1, keepdims=True)
    normed = d * lax.rsqrt(var + 1e-12)
    y = normed * gamma_ref[0] + beta_ref[0]
    out_ref[...] = y.reshape(RPB, L, EMBED)


@jax.jit
def _run(ids2d, table, gamma, beta):
    ids128 = jnp.minimum(ids2d, VOCAB - 1).reshape(N // SUB, SUB)
    mesh = plsc.VectorSubcoreMesh(core_axis_name="c", subcore_axis_name="s")
    gathered = pl.kernel(
        _gather_kernel,
        mesh=mesh,
        out_type=jax.ShapeDtypeStruct((N, 2 * EMBED), jnp.float32),
        scratch_types=[
            pltpu.VMEM((IROWS, SUB), jnp.int32),
            pltpu.VMEM((CH, EMBED), jnp.float32),
            pltpu.VMEM((CH, EMBED), jnp.float32),
            pltpu.SemaphoreType.DMA,
            pltpu.SemaphoreType.DMA,
            pltpu.SemaphoreType.DMA,
            pltpu.SemaphoreType.DMA,
        ],
        compiler_params=pltpu.CompilerParams(
            needs_layout_passes=False, use_tc_tiling_on_sc=False,
            skip_device_barrier=True),
    )(ids128, table)

    out = pl.pallas_call(
        _ln_kernel,
        grid=(TC_GRID,),
        in_specs=[
            pl.BlockSpec((EPB, 2 * EMBED), lambda b: (b, 0)),
            pl.BlockSpec((1, EMBED), lambda b: (0, 0)),
            pl.BlockSpec((1, EMBED), lambda b: (0, 0)),
        ],
        out_specs=pl.BlockSpec((RPB, L, EMBED), lambda b: (b, 0, 0)),
        out_shape=jax.ShapeDtypeStruct((B, L, EMBED), jnp.float32),
        compiler_params=pltpu.CompilerParams(
            dimension_semantics=("parallel",)),
    )(gathered, gamma.reshape(1, EMBED), beta.reshape(1, EMBED))
    return out


def kernel(input_ids, word_table, ln_gamma, ln_beta):
    return _run(input_ids.astype(jnp.int32), word_table, ln_gamma, ln_beta)

# --- scband reference (transcript-rebuilt; emitter-appended) ---
"""Pipeline reference for scband-embeddings-68126771249561 (READ-ONLY COPY).

The authoritative reference and input builder live on the scoring server;
editing this copy changes nothing except your own understanding.
"""

import jax, jax.numpy as jnp
import numpy as np

VOCAB = 1000000
EMBED = 64
B = 1024
L = 200

def setup_inputs(seed: int = 0) -> dict:
    key = jax.random.key(seed)
    k1, k2 = jax.random.split(key)
    input_ids = jax.random.randint(k1, (B, L), 0, VOCAB, dtype=jnp.int64) if jax.config.jax_enable_x64 else jax.random.randint(k1, (B, L), 0, VOCAB, dtype=jnp.int32)
    word_table = jax.random.normal(k2, (VOCAB, EMBED), dtype=jnp.float32) * 0.02
    ln_gamma = jnp.ones((EMBED,), dtype=jnp.float32)
    ln_beta = jnp.zeros((EMBED,), dtype=jnp.float32)
    return {"input_ids": input_ids, "word_table": word_table, "ln_gamma": ln_gamma, "ln_beta": ln_beta}

def reference(input_ids, word_table, ln_gamma, ln_beta):
    # nn.Embedding lookup (gather)
    emb = jnp.take(word_table, input_ids, axis=0)  # [B, L, EMBED]
    # nn.LayerNorm(embed_dim, eps=1e-12)
    mean = jnp.mean(emb, axis=-1, keepdims=True)
    var = jnp.mean((emb - mean) ** 2, axis=-1, keepdims=True)
    normed = (emb - mean) / jnp.sqrt(var + 1e-12)
    out = normed * ln_gamma + ln_beta
    # nn.Dropout(p=0.1) is identity in eval mode
    return out

if __name__ == "__main__":
    import jax
    _d = setup_inputs()
    print(jax.jit(kernel)(*tuple(_d.values())))

</pallas_src>

<mosaic_0001>
#map = affine_map<(d0, d1) -> (0, 0)>
module attributes {stable_mosaic.version = 14 : i64} {
  func.func @_gather_kernel(%arg0: i32, %arg1: i32, %arg2: memref<1600x128xi32, #tpu.memory_space<hbm>>, %arg3: memref<1000000x64xf32, #tpu.memory_space<hbm>>, %arg4: memref<204800x128xf32, #tpu.memory_space<hbm>>, %arg5: memref<50x128xi32, #tpu.memory_space<vmem>>, %arg6: memref<640x64xf32, #tpu.memory_space<vmem>>, %arg7: memref<640x64xf32, #tpu.memory_space<vmem>>, %arg8: memref<!tpu.dma_semaphore, #tpu.memory_space<semaphore_mem>>, %arg9: memref<!tpu.dma_semaphore, #tpu.memory_space<semaphore_mem>>, %arg10: memref<!tpu.dma_semaphore, #tpu.memory_space<semaphore_mem>>, %arg11: memref<!tpu.dma_semaphore, #tpu.memory_space<semaphore_mem>>) attributes {dimension_semantics = [#tpu.dimension_semantics<core_parallel>, #tpu.dimension_semantics<subcore_parallel>], iteration_bounds = array<i64: 2, 16>, scalar_prefetch = 0 : i64, scratch_operands = 7 : i64, tpu.core_type = #tpu.core_type<sc_vector_subcore>, window_params = [{transform_indices = #map}, {transform_indices = #map}, {transform_indices = #map}]} {
    %mul3A = arith.constant 2 : i32
    %mul3A_0 = arith.muli %arg1, %mul3A : i32
    %add3A = arith.addi %mul3A_0, %arg0 : i32
    %mul3A_1 = arith.constant 6400 : i32
    %mul3A_2 = arith.muli %add3A, %mul3A_1 : i32
    %mul3A_3 = arith.constant 50 : i32
    %mul3A_4 = arith.muli %add3A, %mul3A_3 : i32
    "tpu.region"() ({
      %run_scoped3A = tpu.sem_alloc : memref<!tpu.dma_semaphore, #tpu.memory_space<semaphore_mem>>
      %dma_start3A_1123 = arith.constant 0 : i32
      %dma_start3A_1124 = tpu.memref_slice %arg2[%mul3A_4, %dma_start3A_1123] : memref<1600x128xi32, #tpu.memory_space<hbm>> -> memref<50x128xi32, #tpu.memory_space<hbm>>
      %dma_start3A_1125 = arith.constant 0 : i32
      %dma_start3A_1126 = tpu.memref_slice %arg2[%mul3A_4, %dma_start3A_1125] : memref<1600x128xi32, #tpu.memory_space<hbm>> -> memref<50x128xi32, #tpu.memory_space<hbm>>
      tpu.enqueue_dma source(%dma_start3A_1126 : memref<50x128xi32, #tpu.memory_space<hbm>>) target(%arg5 : memref<50x128xi32, #tpu.memory_space<vmem>>) target_semaphore(%run_scoped3A : memref<!tpu.dma_semaphore, #tpu.memory_space<semaphore_mem>>)
      %dma_wait3A_1127 = arith.constant 0 : i32
      %dma_wait3A_1128 = tpu.memref_slice %arg2[%mul3A_4, %dma_wait3A_1127] : memref<1600x128xi32, #tpu.memory_space<hbm>> -> memref<50x128xi32, #tpu.memory_space<hbm>>
      %dma_wait3A_1129 = arith.constant 0 : i32
      %dma_wait3A_1130 = tpu.memref_slice %arg2[%mul3A_4, %dma_wait3A_1129] : memref<1600x128xi32, #tpu.memory_space<hbm>> -> memref<50x128xi32, #tpu.memory_space<hbm>>
      tpu.wait_dma2 semaphore(%run_scoped3A : memref<!tpu.dma_semaphore, #tpu.memory_space<semaphore_mem>>) src(%dma_wait3A_1130 : memref<50x128xi32, #tpu.memory_space<hbm>>) dst(%arg5 : memref<50x128xi32, #tpu.memory_space<vmem>>)
      tpu.yield
    }) : () -> ()
    %dma_start3A = arith.constant 0 : i32
    %dma_start3A_5 = arith.constant 0 : i32
    %dma_start3A_6 = arith.constant 0 : i32
    %dma_start3A_7 = tpu.memref_slice %arg6[%dma_start3A_5, %dma_start3A_6] : memref<640x64xf32, #tpu.memory_space<vmem>> -> memref<128x64xf32, #tpu.memory_space<vmem>>
    %dma_start3A_8 = arith.constant 0 : i32
    %dma_start3A_9 = tpu.memref_slice %arg5[%dma_start3A, %dma_start3A_8] : memref<50x128xi32, #tpu.memory_space<vmem>> -> memref<1x128xi32, #tpu.memory_space<vmem>>
    %dma_start3A_10 = tpu.memref_squeeze %dma_start3A_9 : memref<1x128xi32, #tpu.memory_space<vmem>> -> memref<128xi32, #tpu.memory_space<vmem>>
    %dma_start3A_11 = arith.constant 0 : i32
    %dma_start3A_12 = arith.constant 0 : i32
    %dma_start3A_13 = tpu.memref_slice %arg3[%dma_start3A_11, %dma_start3A_12] : memref<1000000x64xf32, #tpu.memory_space<hbm>> -> memref<1000000x64xf32, #tpu.memory_space<hbm>>
    tpu.enqueue_indirect_dma source(%dma_start3A_13 : memref<1000000x64xf32, #tpu.memory_space<hbm>>) target(%dma_start3A_7 : memref<128x64xf32, #tpu.memory_space<vmem>>) offsets(%dma_start3A_10 : memref<128xi32, #tpu.memory_space<vmem>>) semaphore(%arg8 : memref<!tpu.dma_semaphore, #tpu.memory_space<semaphore_mem>>)
    %dma_start3A_14 = arith.constant 1 : i32
    %dma_start3A_15 = arith.constant 128 : i32
    %dma_start3A_16 = arith.constant 0 : i32
    %dma_start3A_17 = tpu.memref_slice %arg6[%dma_start3A_15, %dma_start3A_16] : memref<640x64xf32, #tpu.memory_space<vmem>> -> memref<128x64xf32, #tpu.memory_space<vmem>>
    %dma_start3A_18 = arith.constant 0 : i32
    %dma_start3A_19 = tpu.memref_slice %arg5[%dma_start3A_14, %dma_start3A_18] : memref<50x128xi32, #tpu.memory_space<vmem>> -> memref<1x128xi32, #tpu.memory_space<vmem>>
    %dma_start3A_20 = tpu.memref_squeeze %dma_start3A_19 : memref<1x128xi32, #tpu.memory_space<vmem>> -> memref<128xi32, #tpu.memory_space<vmem>>
    %dma_start3A_21 = arith.constant 0 : i32
    %dma_start3A_22 = arith.constant 0 : i32
    %dma_start3A_23 = tpu.memref_slice %arg3[%dma_start3A_21, %dma_start3A_22] : memref<1000000x64xf32, #tpu.memory_space<hbm>> -> memref<1000000x64xf32, #tpu.memory_space<hbm>>
    tpu.enqueue_indirect_dma source(%dma_start3A_23 : memref<1000000x64xf32, #tpu.memory_space<hbm>>) target(%dma_start3A_17 : memref<128x64xf32, #tpu.memory_space<vmem>>) offsets(%dma_start3A_20 : memref<128xi32, #tpu.memory_space<vmem>>) semaphore(%arg8 : memref<!tpu.dma_semaphore, #tpu.memory_space<semaphore_mem>>)
    %dma_start3A_24 = arith.constant 2 : i32
    %dma_start3A_25 = arith.constant 256 : i32
    %dma_start3A_26 = arith.constant 0 : i32
    %dma_start3A_27 = tpu.memref_slice %arg6[%dma_start3A_25, %dma_start3A_26] : memref<640x64xf32, #tpu.memory_space<vmem>> -> memref<128x64xf32, #tpu.memory_space<vmem>>
    %dma_start3A_28 = arith.constant 0 : i32
    %dma_start3A_29 = tpu.memref_slice %arg5[%dma_start3A_24, %dma_start3A_28] : memref<50x128xi32, #tpu.memory_space<vmem>> -> memref<1x128xi32, #tpu.memory_space<vmem>>
    %dma_start3A_30 = tpu.memref_squeeze %dma_start3A_29 : memref<1x128xi32, #tpu.memory_space<vmem>> -> memref<128xi32, #tpu.memory_space<vmem>>
    %dma_start3A_31 = arith.constant 0 : i32
    %dma_start3A_32 = arith.constant 0 : i32
    %dma_start3A_33 = tpu.memref_slice %arg3[%dma_start3A_31, %dma_start3A_32] : memref<1000000x64xf32, #tpu.memory_space<hbm>> -> memref<1000000x64xf32, #tpu.memory_space<hbm>>
    tpu.enqueue_indirect_dma source(%dma_start3A_33 : memref<1000000x64xf32, #tpu.memory_space<hbm>>) target(%dma_start3A_27 : memref<128x64xf32, #tpu.memory_space<vmem>>) offsets(%dma_start3A_30 : memref<128xi32, #tpu.memory_space<vmem>>) semaphore(%arg8 : memref<!tpu.dma_semaphore, #tpu.memory_space<semaphore_mem>>)
    %dma_start3A_34 = arith.constant 3 : i32
    %dma_start3A_35 = arith.constant 384 : i32
    %dma_start3A_36 = arith.constant 0 : i32
    %dma_start3A_37 = tpu.memref_slice %arg6[%dma_start3A_35, %dma_start3A_36] : memref<640x64xf32, #tpu.memory_space<vmem>> -> memref<128x64xf32, #tpu.memory_space<vmem>>
    %dma_start3A_38 = arith.constant 0 : i32
    %dma_start3A_39 = tpu.memref_slice %arg5[%dma_start3A_34, %dma_start3A_38] : memref<50x128xi32, #tpu.memory_space<vmem>> -> memref<1x128xi32, #tpu.memory_space<vmem>>
    %dma_start3A_40 = tpu.memref_squeeze %dma_start3A_39 : memref<1x128xi32, #tpu.memory_space<vmem>> -> memref<128xi32, #tpu.memory_space<vmem>>
    %dma_start3A_41 = arith.constant 0 : i32
    %dma_start3A_42 = arith.constant 0 : i32
    %dma_start3A_43 = tpu.memref_slice %arg3[%dma_start3A_41, %dma_start3A_42] : memref<1000000x64xf32, #tpu.memory_space<hbm>> -> memref<1000000x64xf32, #tpu.memory_space<hbm>>
    tpu.enqueue_indirect_dma source(%dma_start3A_43 : memref<1000000x64xf32, #tpu.memory_space<hbm>>) target(%dma_start3A_37 : memref<128x64xf32, #tpu.memory_space<vmem>>) offsets(%dma_start3A_40 : memref<128xi32, #tpu.memory_space<vmem>>) semaphore(%arg8 : memref<!tpu.dma_semaphore, #tpu.memory_space<semaphore_mem>>)
    %dma_start3A_44 = arith.constant 4 : i32
    %dma_start3A_45 = arith.constant 512 : i32
    %dma_start3A_46 = arith.constant 0 : i32
    %dma_start3A_47 = tpu.memref_slice %arg6[%dma_start3A_45, %dma_start3A_46] : memref<640x64xf32, #tpu.memory_space<vmem>> -> memref<128x64xf32, #tpu.memory_space<vmem>>
    %dma_start3A_48 = arith.constant 0 : i32
    %dma_start3A_49 = tpu.memref_slice %arg5[%dma_start3A_44, %dma_start3A_48] : memref<50x128xi32, #tpu.memory_space<vmem>> -> memref<1x128xi32, #tpu.memory_space<vmem>>
    %dma_start3A_50 = tpu.memref_squeeze %dma_start3A_49 : memref<1x128xi32, #tpu.memory_space<vmem>> -> memref<128xi32, #tpu.memory_space<vmem>>
    %dma_start3A_51 = arith.constant 0 : i32
    %dma_start3A_52 = arith.constant 0 : i32
    %dma_start3A_53 = tpu.memref_slice %arg3[%dma_start3A_51, %dma_start3A_52] : memref<1000000x64xf32, #tpu.memory_space<hbm>> -> memref<1000000x64xf32, #tpu.memory_space<hbm>>
    tpu.enqueue_indirect_dma source(%dma_start3A_53 : memref<1000000x64xf32, #tpu.memory_space<hbm>>) target(%dma_start3A_47 : memref<128x64xf32, #tpu.memory_space<vmem>>) offsets(%dma_start3A_50 : memref<128xi32, #tpu.memory_space<vmem>>) semaphore(%arg8 : memref<!tpu.dma_semaphore, #tpu.memory_space<semaphore_mem>>)
    %dma_start3A_54 = arith.constant 5 : i32
    %dma_start3A_55 = arith.constant 0 : i32
    %dma_start3A_56 = arith.constant 0 : i32
    %dma_start3A_57 = tpu.memref_slice %arg7[%dma_start3A_55, %dma_start3A_56] : memref<640x64xf32, #tpu.memory_space<vmem>> -> memref<128x64xf32, #tpu.memory_space<vmem>>
    %dma_start3A_58 = arith.constant 0 : i32
    %dma_start3A_59 = tpu.memref_slice %arg5[%dma_start3A_54, %dma_start3A_58] : memref<50x128xi32, #tpu.memory_space<vmem>> -> memref<1x128xi32, #tpu.memory_space<vmem>>
    %dma_start3A_60 = tpu.memref_squeeze %dma_start3A_59 : memref<1x128xi32, #tpu.memory_space<vmem>> -> memref<128xi32, #tpu.memory_space<vmem>>
    %dma_start3A_61 = arith.constant 0 : i32
    %dma_start3A_62 = arith.constant 0 : i32
    %dma_start3A_63 = tpu.memref_slice %arg3[%dma_start3A_61, %dma_start3A_62] : memref<1000000x64xf32, #tpu.memory_space<hbm>> -> memref<1000000x64xf32, #tpu.memory_space<hbm>>
    tpu.enqueue_indirect_dma source(%dma_start3A_63 : memref<1000000x64xf32, #tpu.memory_space<hbm>>) target(%dma_start3A_57 : memref<128x64xf32, #tpu.memory_space<vmem>>) offsets(%dma_start3A_60 : memref<128xi32, #tpu.memory_space<vmem>>) semaphore(%arg9 : memref<!tpu.dma_semaphore, #tpu.memory_space<semaphore_mem>>)
    %dma_start3A_64 = arith.constant 6 : i32
    %dma_start3A_65 = arith.constant 128 : i32
    %dma_start3A_66 = arith.constant 0 : i32
    %dma_start3A_67 = tpu.memref_slice %arg7[%dma_start3A_65, %dma_start3A_66] : memref<640x64xf32, #tpu.memory_space<vmem>> -> memref<128x64xf32, #tpu.memory_space<vmem>>
    %dma_start3A_68 = arith.constant 0 : i32
    %dma_start3A_69 = tpu.memref_slice %arg5[%dma_start3A_64, %dma_start3A_68] : memref<50x128xi32, #tpu.memory_space<vmem>> -> memref<1x128xi32, #tpu.memory_space<vmem>>
    %dma_start3A_70 = tpu.memref_squeeze %dma_start3A_69 : memref<1x128xi32, #tpu.memory_space<vmem>> -> memref<128xi32, #tpu.memory_space<vmem>>
    %dma_start3A_71 = arith.constant 0 : i32
    %dma_start3A_72 = arith.constant 0 : i32
    %dma_start3A_73 = tpu.memref_slice %arg3[%dma_start3A_71, %dma_start3A_72] : memref<1000000x64xf32, #tpu.memory_space<hbm>> -> memref<1000000x64xf32, #tpu.memory_space<hbm>>
    tpu.enqueue_indirect_dma source(%dma_start3A_73 : memref<1000000x64xf32, #tpu.memory_space<hbm>>) target(%dma_start3A_67 : memref<128x64xf32, #tpu.memory_space<vmem>>) offsets(%dma_start3A_70 : memref<128xi32, #tpu.memory_space<vmem>>) semaphore(%arg9 : memref<!tpu.dma_semaphore, #tpu.memory_space<semaphore_mem>>)
    %dma_start3A_74 = arith.constant 7 : i32
    %dma_start3A_75 = arith.constant 256 : i32
    %dma_start3A_76 = arith.constant 0 : i32
    %dma_start3A_77 = tpu.memref_slice %arg7[%dma_start3A_75, %dma_start3A_76] : memref<640x64xf32, #tpu.memory_space<vmem>> -> memref<128x64xf32, #tpu.memory_space<vmem>>
    %dma_start3A_78 = arith.constant 0 : i32
    %dma_start3A_79 = tpu.memref_slice %arg5[%dma_start3A_74, %dma_start3A_78] : memref<50x128xi32, #tpu.memory_space<vmem>> -> memref<1x128xi32, #tpu.memory_space<vmem>>
    %dma_start3A_80 = tpu.memref_squeeze %dma_start3A_79 : memref<1x128xi32, #tpu.memory_space<vmem>> -> memref<128xi32, #tpu.memory_space<vmem>>
    %dma_start3A_81 = arith.constant 0 : i32
    %dma_start3A_82 = arith.constant 0 : i32
    %dma_start3A_83 = tpu.memref_slice %arg3[%dma_start3A_81, %dma_start3A_82] : memref<1000000x64xf32, #tpu.memory_space<hbm>> -> memref<1000000x64xf32, #tpu.memory_space<hbm>>
    tpu.enqueue_indirect_dma source(%dma_start3A_83 : memref<1000000x64xf32, #tpu.memory_space<hbm>>) target(%dma_start3A_77 : memref<128x64xf32, #tpu.memory_space<vmem>>) offsets(%dma_start3A_80 : memref<128xi32, #tpu.memory_space<vmem>>) semaphore(%arg9 : memref<!tpu.dma_semaphore, #tpu.memory_space<semaphore_mem>>)
    %dma_start3A_84 = arith.constant 8 : i32
    %dma_start3A_85 = arith.constant 384 : i32
    %dma_start3A_86 = arith.constant 0 : i32
    %dma_start3A_87 = tpu.memref_slice %arg7[%dma_start3A_85, %dma_start3A_86] : memref<640x64xf32, #tpu.memory_space<vmem>> -> memref<128x64xf32, #tpu.memory_space<vmem>>
    %dma_start3A_88 = arith.constant 0 : i32
    %dma_start3A_89 = tpu.memref_slice %arg5[%dma_start3A_84, %dma_start3A_88] : memref<50x128xi32, #tpu.memory_space<vmem>> -> memref<1x128xi32, #tpu.memory_space<vmem>>
    %dma_start3A_90 = tpu.memref_squeeze %dma_start3A_89 : memref<1x128xi32, #tpu.memory_space<vmem>> -> memref<128xi32, #tpu.memory_space<vmem>>
    %dma_start3A_91 = arith.constant 0 : i32
    %dma_start3A_92 = arith.constant 0 : i32
    %dma_start3A_93 = tpu.memref_slice %arg3[%dma_start3A_91, %dma_start3A_92] : memref<1000000x64xf32, #tpu.memory_space<hbm>> -> memref<1000000x64xf32, #tpu.memory_space<hbm>>
    tpu.enqueue_indirect_dma source(%dma_start3A_93 : memref<1000000x64xf32, #tpu.memory_space<hbm>>) target(%dma_start3A_87 : memref<128x64xf32, #tpu.memory_space<vmem>>) offsets(%dma_start3A_90 : memref<128xi32, #tpu.memory_space<vmem>>) semaphore(%arg9 : memref<!tpu.dma_semaphore, #tpu.memory_space<semaphore_mem>>)
    %dma_start3A_94 = arith.constant 9 : i32
    %dma_start3A_95 = arith.constant 512 : i32
    %dma_start3A_96 = arith.constant 0 : i32
    %dma_start3A_97 = tpu.memref_slice %arg7[%dma_start3A_95, %dma_start3A_96] : memref<640x64xf32, #tpu.memory_space<vmem>> -> memref<128x64xf32, #tpu.memory_space<vmem>>
    %dma_start3A_98 = arith.constant 0 : i32
    %dma_start3A_99 = tpu.memref_slice %arg5[%dma_start3A_94, %dma_start3A_98] : memref<50x128xi32, #tpu.memory_space<vmem>> -> memref<1x128xi32, #tpu.memory_space<vmem>>
    %dma_start3A_100 = tpu.memref_squeeze %dma_start3A_99 : memref<1x128xi32, #tpu.memory_space<vmem>> -> memref<128xi32, #tpu.memory_space<vmem>>
    %dma_start3A_101 = arith.constant 0 : i32
    %dma_start3A_102 = arith.constant 0 : i32
    %dma_start3A_103 = tpu.memref_slice %arg3[%dma_start3A_101, %dma_start3A_102] : memref<1000000x64xf32, #tpu.memory_space<hbm>> -> memref<1000000x64xf32, #tpu.memory_space<hbm>>
    tpu.enqueue_indirect_dma source(%dma_start3A_103 : memref<1000000x64xf32, #tpu.memory_space<hbm>>) target(%dma_start3A_97 : memref<128x64xf32, #tpu.memory_space<vmem>>) offsets(%dma_start3A_100 : memref<128xi32, #tpu.memory_space<vmem>>) semaphore(%arg9 : memref<!tpu.dma_semaphore, #tpu.memory_space<semaphore_mem>>)
    %dma_wait3A = arith.constant 0 : i32
    %dma_wait3A_104 = arith.constant 0 : i32
    %dma_wait3A_105 = arith.constant 0 : i32
    %dma_wait3A_106 = tpu.memref_slice %arg6[%dma_wait3A_104, %dma_wait3A_105] : memref<640x64xf32, #tpu.memory_space<vmem>> -> memref<128x64xf32, #tpu.memory_space<vmem>>
    %dma_wait3A_107 = arith.constant 0 : i32
    %dma_wait3A_108 = tpu.memref_slice %arg5[%dma_wait3A, %dma_wait3A_107] : memref<50x128xi32, #tpu.memory_space<vmem>> -> memref<1x128xi32, #tpu.memory_space<vmem>>
    %dma_wait3A_109 = tpu.memref_squeeze %dma_wait3A_108 : memref<1x128xi32, #tpu.memory_space<vmem>> -> memref<128xi32, #tpu.memory_space<vmem>>
    %dma_wait3A_110 = arith.constant 0 : i32
    %dma_wait3A_111 = arith.constant 0 : i32
    %dma_wait3A_112 = tpu.memref_slice %arg3[%dma_wait3A_110, %dma_wait3A_111] : memref<1000000x64xf32, #tpu.memory_space<hbm>> -> memref<1000000x64xf32, #tpu.memory_space<hbm>>
    tpu.wait_indirect_dma semaphore(%arg8 : memref<!tpu.dma_semaphore, #tpu.memory_space<semaphore_mem>>) src(%dma_wait3A_112 : memref<1000000x64xf32, #tpu.memory_space<hbm>>) dst(%dma_wait3A_106 : memref<128x64xf32, #tpu.memory_space<vmem>>)
    %dma_wait3A_113 = arith.constant 1 : i32
    %dma_wait3A_114 = arith.constant 128 : i32
    %dma_wait3A_115 = arith.constant 0 : i32
    %dma_wait3A_116 = tpu.memref_slice %arg6[%dma_wait3A_114, %dma_wait3A_115] : memref<640x64xf32, #tpu.memory_space<vmem>> -> memref<128x64xf32, #tpu.memory_space<vmem>>
    %dma_wait3A_117 = arith.constant 0 : i32
    %dma_wait3A_118 = tpu.memref_slice %arg5[%dma_wait3A_113, %dma_wait3A_117] : memref<50x128xi32, #tpu.memory_space<vmem>> -> memref<1x128xi32, #tpu.memory_space<vmem>>
    %dma_wait3A_119 = tpu.memref_squeeze %dma_wait3A_118 : memref<1x128xi32, #tpu.memory_space<vmem>> -> memref<128xi32, #tpu.memory_space<vmem>>
    %dma_wait3A_120 = arith.constant 0 : i32
    %dma_wait3A_121 = arith.constant 0 : i32
    %dma_wait3A_122 = tpu.memref_slice %arg3[%dma_wait3A_120, %dma_wait3A_121] : memref<1000000x64xf32, #tpu.memory_space<hbm>> -> memref<1000000x64xf32, #tpu.memory_space<hbm>>
    tpu.wait_indirect_dma semaphore(%arg8 : memref<!tpu.dma_semaphore, #tpu.memory_space<semaphore_mem>>) src(%dma_wait3A_122 : memref<1000000x64xf32, #tpu.memory_space<hbm>>) dst(%dma_wait3A_116 : memref<128x64xf32, #tpu.memory_space<vmem>>)
    %dma_wait3A_123 = arith.constant 2 : i32
    %dma_wait3A_124 = arith.constant 256 : i32
    %dma_wait3A_125 = arith.constant 0 : i32
    %dma_wait3A_126 = tpu.memref_slice %arg6[%dma_wait3A_124, %dma_wait3A_125] : memref<640x64xf32, #tpu.memory_space<vmem>> -> memref<128x64xf32, #tpu.memory_space<vmem>>
    %dma_wait3A_127 = arith.constant 0 : i32
    %dma_wait3A_128 = tpu.memref_slice %arg5[%dma_wait3A_123, %dma_wait3A_127] : memref<50x128xi32, #tpu.memory_space<vmem>> -> memref<1x128xi32, #tpu.memory_space<vmem>>
    %dma_wait3A_129 = tpu.memref_squeeze %dma_wait3A_128 : memref<1x128xi32, #tpu.memory_space<vmem>> -> memref<128xi32, #tpu.memory_space<vmem>>
    %dma_wait3A_130 = arith.constant 0 : i32
    %dma_wait3A_131 = arith.constant 0 : i32
    %dma_wait3A_132 = tpu.memref_slice %arg3[%dma_wait3A_130, %dma_wait3A_131] : memref<1000000x64xf32, #tpu.memory_space<hbm>> -> memref<1000000x64xf32, #tpu.memory_space<hbm>>
    tpu.wait_indirect_dma semaphore(%arg8 : memref<!tpu.dma_semaphore, #tpu.memory_space<semaphore_mem>>) src(%dma_wait3A_132 : memref<1000000x64xf32, #tpu.memory_space<hbm>>) dst(%dma_wait3A_126 : memref<128x64xf32, #tpu.memory_space<vmem>>)
    %dma_wait3A_133 = arith.constant 3 : i32
    %dma_wait3A_134 = arith.constant 384 : i32
    %dma_wait3A_135 = arith.constant 0 : i32
    %dma_wait3A_136 = tpu.memref_slice %arg6[%dma_wait3A_134, %dma_wait3A_135] : memref<640x64xf32, #tpu.memory_space<vmem>> -> memref<128x64xf32, #tpu.memory_space<vmem>>
    %dma_wait3A_137 = arith.constant 0 : i32
    %dma_wait3A_138 = tpu.memref_slice %arg5[%dma_wait3A_133, %dma_wait3A_137] : memref<50x128xi32, #tpu.memory_space<vmem>> -> memref<1x128xi32, #tpu.memory_space<vmem>>
    %dma_wait3A_139 = tpu.memref_squeeze %dma_wait3A_138 : memref<1x128xi32, #tpu.memory_space<vmem>> -> memref<128xi32, #tpu.memory_space<vmem>>
    %dma_wait3A_140 = arith.constant 0 : i32
    %dma_wait3A_141 = arith.constant 0 : i32
    %dma_wait3A_142 = tpu.memref_slice %arg3[%dma_wait3A_140, %dma_wait3A_141] : memref<1000000x64xf32, #tpu.memory_space<hbm>> -> memref<1000000x64xf32, #tpu.memory_space<hbm>>
    tpu.wait_indirect_dma semaphore(%arg8 : memref<!tpu.dma_semaphore, #tpu.memory_space<semaphore_mem>>) src(%dma_wait3A_142 : memref<1000000x64xf32, #tpu.memory_space<hbm>>) dst(%dma_wait3A_136 : memref<128x64xf32, #tpu.memory_space<vmem>>)
    %dma_wait3A_143 = arith.constant 4 : i32
    %dma_wait3A_144 = arith.constant 512 : i32
    %dma_wait3A_145 = arith.constant 0 : i32
    %dma_wait3A_146 = tpu.memref_slice %arg6[%dma_wait3A_144, %dma_wait3A_145] : memref<640x64xf32, #tpu.memory_space<vmem>> -> memref<128x64xf32, #tpu.memory_space<vmem>>
    %dma_wait3A_147 = arith.constant 0 : i32
    %dma_wait3A_148 = tpu.memref_slice %arg5[%dma_wait3A_143, %dma_wait3A_147] : memref<50x128xi32, #tpu.memory_space<vmem>> -> memref<1x128xi32, #tpu.memory_space<vmem>>
    %dma_wait3A_149 = tpu.memref_squeeze %dma_wait3A_148 : memref<1x128xi32, #tpu.memory_space<vmem>> -> memref<128xi32, #tpu.memory_space<vmem>>
    %dma_wait3A_150 = arith.constant 0 : i32
    %dma_wait3A_151 = arith.constant 0 : i32
    %dma_wait3A_152 = tpu.memref_slice %arg3[%dma_wait3A_150, %dma_wait3A_151] : memref<1000000x64xf32, #tpu.memory_space<hbm>> -> memref<1000000x64xf32, #tpu.memory_space<hbm>>
    tpu.wait_indirect_dma semaphore(%arg8 : memref<!tpu.dma_semaphore, #tpu.memory_space<semaphore_mem>>) src(%dma_wait3A_152 : memref<1000000x64xf32, #tpu.memory_space<hbm>>) dst(%dma_wait3A_146 : memref<128x64xf32, #tpu.memory_space<vmem>>)
    %add3A_153 = arith.constant 0 : i32
    %add3A_154 = arith.addi %mul3A_2, %add3A_153 : i32
    %dma_start3A_155 = arith.constant 0 : i32
    %dma_start3A_156 = tpu.memref_slice %arg4[%add3A_154, %dma_start3A_155] : memref<204800x128xf32, #tpu.memory_space<hbm>> -> memref<640x64xf32, #tpu.memory_space<hbm>>
    %dma_start3A_157 = arith.constant 0 : i32
    %dma_start3A_158 = tpu.memref_slice %arg4[%add3A_154, %dma_start3A_157] : memref<204800x128xf32, #tpu.memory_space<hbm>> -> memref<640x64xf32, #tpu.memory_space<hbm>>
    tpu.enqueue_dma source(%arg6 : memref<640x64xf32, #tpu.memory_space<vmem>>) target(%dma_start3A_158 : memref<640x64xf32, #tpu.memory_space<hbm>>) target_semaphore(%arg10 : memref<!tpu.dma_semaphore, #tpu.memory_space<semaphore_mem>>)
    %add3A_159 = arith.constant 0 : i32
    %add3A_160 = arith.addi %mul3A_2, %add3A_159 : i32
    %dma_wait3A_161 = arith.constant 0 : i32
    %dma_wait3A_162 = tpu.memref_slice %arg4[%add3A_160, %dma_wait3A_161] : memref<204800x128xf32, #tpu.memory_space<hbm>> -> memref<640x64xf32, #tpu.memory_space<hbm>>
    %dma_wait3A_163 = arith.constant 0 : i32
    %dma_wait3A_164 = tpu.memref_slice %arg4[%add3A_160, %dma_wait3A_163] : memref<204800x128xf32, #tpu.memory_space<hbm>> -> memref<640x64xf32, #tpu.memory_space<hbm>>
    tpu.wait_dma2 semaphore(%arg10 : memref<!tpu.dma_semaphore, #tpu.memory_space<semaphore_mem>>) src(%arg6 : memref<640x64xf32, #tpu.memory_space<vmem>>) dst(%dma_wait3A_164 : memref<640x64xf32, #tpu.memory_space<hbm>>)
    %dma_start3A_165 = arith.constant 10 : i32
    %dma_start3A_166 = arith.constant 0 : i32
    %dma_start3A_167 = arith.constant 0 : i32
    %dma_start3A_168 = tpu.memref_slice %arg6[%dma_start3A_166, %dma_start3A_167] : memref<640x64xf32, #tpu.memory_space<vmem>> -> memref<128x64xf32, #tpu.memory_space<vmem>>
    %dma_start3A_169 = arith.constant 0 : i32
    %dma_start3A_170 = tpu.memref_slice %arg5[%dma_start3A_165, %dma_start3A_169] : memref<50x128xi32, #tpu.memory_space<vmem>> -> memref<1x128xi32, #tpu.memory_space<vmem>>
    %dma_start3A_171 = tpu.memref_squeeze %dma_start3A_170 : memref<1x128xi32, #tpu.memory_space<vmem>> -> memref<128xi32, #tpu.memory_space<vmem>>
    %dma_start3A_172 = arith.constant 0 : i32
    %dma_start3A_173 = arith.constant 0 : i32
    %dma_start3A_174 = tpu.memref_slice %arg3[%dma_start3A_172, %dma_start3A_173] : memref<1000000x64xf32, #tpu.memory_space<hbm>> -> memref<1000000x64xf32, #tpu.memory_space<hbm>>
    tpu.enqueue_indirect_dma source(%dma_start3A_174 : memref<1000000x64xf32, #tpu.memory_space<hbm>>) target(%dma_start3A_168 : memref<128x64xf32, #tpu.memory_space<vmem>>) offsets(%dma_start3A_171 : memref<128xi32, #tpu.memory_space<vmem>>) semaphore(%arg8 : memref<!tpu.dma_semaphore, #tpu.memory_space<semaphore_mem>>)
    %dma_start3A_175 = arith.constant 11 : i32
    %dma_start3A_176 = arith.constant 128 : i32
    %dma_start3A_177 = arith.constant 0 : i32
    %dma_start3A_178 = tpu.memref_slice %arg6[%dma_start3A_176, %dma_start3A_177] : memref<640x64xf32, #tpu.memory_space<vmem>> -> memref<128x64xf32, #tpu.memory_space<vmem>>
    %dma_start3A_179 = arith.constant 0 : i32
    %dma_start3A_180 = tpu.memref_slice %arg5[%dma_start3A_175, %dma_start3A_179] : memref<50x128xi32, #tpu.memory_space<vmem>> -> memref<1x128xi32, #tpu.memory_space<vmem>>
    %dma_start3A_181 = tpu.memref_squeeze %dma_start3A_180 : memref<1x128xi32, #tpu.memory_space<vmem>> -> memref<128xi32, #tpu.memory_space<vmem>>
    %dma_start3A_182 = arith.constant 0 : i32
    %dma_start3A_183 = arith.constant 0 : i32
    %dma_start3A_184 = tpu.memref_slice %arg3[%dma_start3A_182, %dma_start3A_183] : memref<1000000x64xf32, #tpu.memory_space<hbm>> -> memref<1000000x64xf32, #tpu.memory_space<hbm>>
    tpu.enqueue_indirect_dma source(%dma_start3A_184 : memref<1000000x64xf32, #tpu.memory_space<hbm>>) target(%dma_start3A_178 : memref<128x64xf32, #tpu.memory_space<vmem>>) offsets(%dma_start3A_181 : memref<128xi32, #tpu.memory_space<vmem>>) semaphore(%arg8 : memref<!tpu.dma_semaphore, #tpu.memory_space<semaphore_mem>>)
    %dma_start3A_185 = arith.constant 12 : i32
    %dma_start3A_186 = arith.constant 256 : i32
    %dma_start3A_187 = arith.constant 0 : i32
    %dma_start3A_188 = tpu.memref_slice %arg6[%dma_start3A_186, %dma_start3A_187] : memref<640x64xf32, #tpu.memory_space<vmem>> -> memref<128x64xf32, #tpu.memory_space<vmem>>
    %dma_start3A_189 = arith.constant 0 : i32
    %dma_start3A_190 = tpu.memref_slice %arg5[%dma_start3A_185, %dma_start3A_189] : memref<50x128xi32, #tpu.memory_space<vmem>> -> memref<1x128xi32, #tpu.memory_space<vmem>>
    %dma_start3A_191 = tpu.memref_squeeze %dma_start3A_190 : memref<1x128xi32, #tpu.memory_space<vmem>> -> memref<128xi32, #tpu.memory_space<vmem>>
    %dma_start3A_192 = arith.constant 0 : i32
    %dma_start3A_193 = arith.constant 0 : i32
    %dma_start3A_194 = tpu.memref_slice %arg3[%dma_start3A_192, %dma_start3A_193] : memref<1000000x64xf32, #tpu.memory_space<hbm>> -> memref<1000000x64xf32, #tpu.memory_space<hbm>>
    tpu.enqueue_indirect_dma source(%dma_start3A_194 : memref<1000000x64xf32, #tpu.memory_space<hbm>>) target(%dma_start3A_188 : memref<128x64xf32, #tpu.memory_space<vmem>>) offsets(%dma_start3A_191 : memref<128xi32, #tpu.memory_space<vmem>>) semaphore(%arg8 : memref<!tpu.dma_semaphore, #tpu.memory_space<semaphore_mem>>)
    %dma_start3A_195 = arith.constant 13 : i32
    %dma_start3A_196 = arith.constant 384 : i32
    %dma_start3A_197 = arith.constant 0 : i32
    %dma_start3A_198 = tpu.memref_slice %arg6[%dma_start3A_196, %dma_start3A_197] : memref<640x64xf32, #tpu.memory_space<vmem>> -> memref<128x64xf32, #tpu.memory_space<vmem>>
    %dma_start3A_199 = arith.constant 0 : i32
    %dma_start3A_200 = tpu.memref_slice %arg5[%dma_start3A_195, %dma_start3A_199] : memref<50x128xi32, #tpu.memory_space<vmem>> -> memref<1x128xi32, #tpu.memory_space<vmem>>
    %dma_start3A_201 = tpu.memref_squeeze %dma_start3A_200 : memref<1x128xi32, #tpu.memory_space<vmem>> -> memref<128xi32, #tpu.memory_space<vmem>>
    %dma_start3A_202 = arith.constant 0 : i32
    %dma_start3A_203 = arith.constant 0 : i32
    %dma_start3A_204 = tpu.memref_slice %arg3[%dma_start3A_202, %dma_start3A_203] : memref<1000000x64xf32, #tpu.memory_space<hbm>> -> memref<1000000x64xf32, #tpu.memory_space<hbm>>
    tpu.enqueue_indirect_dma source(%dma_start3A_204 : memref<1000000x64xf32, #tpu.memory_space<hbm>>) target(%dma_start3A_198 : memref<128x64xf32, #tpu.memory_space<vmem>>) offsets(%dma_start3A_201 : memref<128xi32, #tpu.memory_space<vmem>>) semaphore(%arg8 : memref<!tpu.dma_semaphore, #tpu.memory_space<semaphore_mem>>)
    %dma_start3A_205 = arith.constant 14 : i32
    %dma_start3A_206 = arith.constant 512 : i32
    %dma_start3A_207 = arith.constant 0 : i32
    %dma_start3A_208 = tpu.memref_slice %arg6[%dma_start3A_206, %dma_start3A_207] : memref<640x64xf32, #tpu.memory_space<vmem>> -> memref<128x64xf32, #tpu.memory_space<vmem>>
    %dma_start3A_209 = arith.constant 0 : i32
    %dma_start3A_210 = tpu.memref_slice %arg5[%dma_start3A_205, %dma_start3A_209] : memref<50x128xi32, #tpu.memory_space<vmem>> -> memref<1x128xi32, #tpu.memory_space<vmem>>
    %dma_start3A_211 = tpu.memref_squeeze %dma_start3A_210 : memref<1x128xi32, #tpu.memory_space<vmem>> -> memref<128xi32, #tpu.memory_space<vmem>>
    %dma_start3A_212 = arith.constant 0 : i32
    %dma_start3A_213 = arith.constant 0 : i32
    %dma_start3A_214 = tpu.memref_slice %arg3[%dma_start3A_212, %dma_start3A_213] : memref<1000000x64xf32, #tpu.memory_space<hbm>> -> memref<1000000x64xf32, #tpu.memory_space<hbm>>
    tpu.enqueue_indirect_dma source(%dma_start3A_214 : memref<1000000x64xf32, #tpu.memory_space<hbm>>) target(%dma_start3A_208 : memref<128x64xf32, #tpu.memory_space<vmem>>) offsets(%dma_start3A_211 : memref<128xi32, #tpu.memory_space<vmem>>) semaphore(%arg8 : memref<!tpu.dma_semaphore, #tpu.memory_space<semaphore_mem>>)
    %dma_wait3A_215 = arith.constant 5 : i32
    %dma_wait3A_216 = arith.constant 0 : i32
    %dma_wait3A_217 = arith.constant 0 : i32
    %dma_wait3A_218 = tpu.memref_slice %arg7[%dma_wait3A_216, %dma_wait3A_217] : memref<640x64xf32, #tpu.memory_space<vmem>> -> memref<128x64xf32, #tpu.memory_space<vmem>>
    %dma_wait3A_219 = arith.constant 0 : i32
    %dma_wait3A_220 = tpu.memref_slice %arg5[%dma_wait3A_215, %dma_wait3A_219] : memref<50x128xi32, #tpu.memory_space<vmem>> -> memref<1x128xi32, #tpu.memory_space<vmem>>
    %dma_wait3A_221 = tpu.memref_squeeze %dma_wait3A_220 : memref<1x128xi32, #tpu.memory_space<vmem>> -> memref<128xi32, #tpu.memory_space<vmem>>
    %dma_wait3A_222 = arith.constant 0 : i32
    %dma_wait3A_223 = arith.constant 0 : i32
    %dma_wait3A_224 = tpu.memref_slice %arg3[%dma_wait3A_222, %dma_wait3A_223] : memref<1000000x64xf32, #tpu.memory_space<hbm>> -> memref<1000000x64xf32, #tpu.memory_space<hbm>>
    tpu.wait_indirect_dma semaphore(%arg9 : memref<!tpu.dma_semaphore, #tpu.memory_space<semaphore_mem>>) src(%dma_wait3A_224 : memref<1000000x64xf32, #tpu.memory_space<hbm>>) dst(%dma_wait3A_218 : memref<128x64xf32, #tpu.memory_space<vmem>>)
    %dma_wait3A_225 = arith.constant 6 : i32
    %dma_wait3A_226 = arith.constant 128 : i32
    %dma_wait3A_227 = arith.constant 0 : i32
    %dma_wait3A_228 = tpu.memref_slice %arg7[%dma_wait3A_226, %dma_wait3A_227] : memref<640x64xf32, #tpu.memory_space<vmem>> -> memref<128x64xf32, #tpu.memory_space<vmem>>
    %dma_wait3A_229 = arith.constant 0 : i32
    %dma_wait3A_230 = tpu.memref_slice %arg5[%dma_wait3A_225, %dma_wait3A_229] : memref<50x128xi32, #tpu.memory_space<vmem>> -> memref<1x128xi32, #tpu.memory_space<vmem>>
    %dma_wait3A_231 = tpu.memref_squeeze %dma_wait3A_230 : memref<1x128xi32, #tpu.memory_space<vmem>> -> memref<128xi32, #tpu.memory_space<vmem>>
    %dma_wait3A_232 = arith.constant 0 : i32
    %dma_wait3A_233 = arith.constant 0 : i32
    %dma_wait3A_234 = tpu.memref_slice %arg3[%dma_wait3A_232, %dma_wait3A_233] : memref<1000000x64xf32, #tpu.memory_space<hbm>> -> memref<1000000x64xf32, #tpu.memory_space<hbm>>
    tpu.wait_indirect_dma semaphore(%arg9 : memref<!tpu.dma_semaphore, #tpu.memory_space<semaphore_mem>>) src(%dma_wait3A_234 : memref<1000000x64xf32, #tpu.memory_space<hbm>>) dst(%dma_wait3A_228 : memref<128x64xf32, #tpu.memory_space<vmem>>)
    %dma_wait3A_235 = arith.constant 7 : i32
    %dma_wait3A_236 = arith.constant 256 : i32
    %dma_wait3A_237 = arith.constant 0 : i32
    %dma_wait3A_238 = tpu.memref_slice %arg7[%dma_wait3A_236, %dma_wait3A_237] : memref<640x64xf32, #tpu.memory_space<vmem>> -> memref<128x64xf32, #tpu.memory_space<vmem>>
    %dma_wait3A_239 = arith.constant 0 : i32
    %dma_wait3A_240 = tpu.memref_slice %arg5[%dma_wait3A_235, %dma_wait3A_239] : memref<50x128xi32, #tpu.memory_space<vmem>> -> memref<1x128xi32, #tpu.memory_space<vmem>>
    %dma_wait3A_241 = tpu.memref_squeeze %dma_wait3A_240 : memref<1x128xi32, #tpu.memory_space<vmem>> -> memref<128xi32, #tpu.memory_space<vmem>>
    %dma_wait3A_242 = arith.constant 0 : i32
    %dma_wait3A_243 = arith.constant 0 : i32
    %dma_wait3A_244 = tpu.memref_slice %arg3[%dma_wait3A_242, %dma_wait3A_243] : memref<1000000x64xf32, #tpu.memory_space<hbm>> -> memref<1000000x64xf32, #tpu.memory_space<hbm>>
    tpu.wait_indirect_dma semaphore(%arg9 : memref<!tpu.dma_semaphore, #tpu.memory_space<semaphore_mem>>) src(%dma_wait3A_244 : memref<1000000x64xf32, #tpu.memory_space<hbm>>) dst(%dma_wait3A_238 : memref<128x64xf32, #tpu.memory_space<vmem>>)
    %dma_wait3A_245 = arith.constant 8 : i32
    %dma_wait3A_246 = arith.constant 384 : i32
    %dma_wait3A_247 = arith.constant 0 : i32
    %dma_wait3A_248 = tpu.memref_slice %arg7[%dma_wait3A_246, %dma_wait3A_247] : memref<640x64xf32, #tpu.memory_space<vmem>> -> memref<128x64xf32, #tpu.memory_space<vmem>>
    %dma_wait3A_249 = arith.constant 0 : i32
    %dma_wait3A_250 = tpu.memref_slice %arg5[%dma_wait3A_245, %dma_wait3A_249] : memref<50x128xi32, #tpu.memory_space<vmem>> -> memref<1x128xi32, #tpu.memory_space<vmem>>
    %dma_wait3A_251 = tpu.memref_squeeze %dma_wait3A_250 : memref<1x128xi32, #tpu.memory_space<vmem>> -> memref<128xi32, #tpu.memory_space<vmem>>
    %dma_wait3A_252 = arith.constant 0 : i32
    %dma_wait3A_253 = arith.constant 0 : i32
    %dma_wait3A_254 = tpu.memref_slice %arg3[%dma_wait3A_252, %dma_wait3A_253] : memref<1000000x64xf32, #tpu.memory_space<hbm>> -> memref<1000000x64xf32, #tpu.memory_space<hbm>>
    tpu.wait_indirect_dma semaphore(%arg9 : memref<!tpu.dma_semaphore, #tpu.memory_space<semaphore_mem>>) src(%dma_wait3A_254 : memref<1000000x64xf32, #tpu.memory_space<hbm>>) dst(%dma_wait3A_248 : memref<128x64xf32, #tpu.memory_space<vmem>>)
    %dma_wait3A_255 = arith.constant 9 : i32
    %dma_wait3A_256 = arith.constant 512 : i32
    %dma_wait3A_257 = arith.constant 0 : i32
    %dma_wait3A_258 = tpu.memref_slice %arg7[%dma_wait3A_256, %dma_wait3A_257] : memref<640x64xf32, #tpu.memory_space<vmem>> -> memref<128x64xf32, #tpu.memory_space<vmem>>
    %dma_wait3A_259 = arith.constant 0 : i32
    %dma_wait3A_260 = tpu.memref_slice %arg5[%dma_wait3A_255, %dma_wait3A_259] : memref<50x128xi32, #tpu.memory_space<vmem>> -> memref<1x128xi32, #tpu.memory_space<vmem>>
    %dma_wait3A_261 = tpu.memref_squeeze %dma_wait3A_260 : memref<1x128xi32, #tpu.memory_space<vmem>> -> memref<128xi32, #tpu.memory_space<vmem>>
    %dma_wait3A_262 = arith.constant 0 : i32
    %dma_wait3A_263 = arith.constant 0 : i32
    %dma_wait3A_264 = tpu.memref_slice %arg3[%dma_wait3A_262, %dma_wait3A_263] : memref<1000000x64xf32, #tpu.memory_space<hbm>> -> memref<1000000x64xf32, #tpu.memory_space<hbm>>
    tpu.wait_indirect_dma semaphore(%arg9 : memref<!tpu.dma_semaphore, #tpu.memory_space<semaphore_mem>>) src(%dma_wait3A_264 : memref<1000000x64xf32, #tpu.memory_space<hbm>>) dst(%dma_wait3A_258 : memref<128x64xf32, #tpu.memory_space<vmem>>)
    %add3A_265 = arith.constant 640 : i32
    %add3A_266 = arith.addi %mul3A_2, %add3A_265 : i32
    %dma_start3A_267 = arith.constant 0 : i32
    %dma_start3A_268 = tpu.memref_slice %arg4[%add3A_266, %dma_start3A_267] : memref<204800x128xf32, #tpu.memory_space<hbm>> -> memref<640x64xf32, #tpu.memory_space<hbm>>
    %dma_start3A_269 = arith.constant 0 : i32
    %dma_start3A_270 = tpu.memref_slice %arg4[%add3A_266, %dma_start3A_269] : memref<204800x128xf32, #tpu.memory_space<hbm>> -> memref<640x64xf32, #tpu.memory_space<hbm>>
    tpu.enqueue_dma source(%arg7 : memref<640x64xf32, #tpu.memory_space<vmem>>) target(%dma_start3A_270 : memref<640x64xf32, #tpu.memory_space<hbm>>) target_semaphore(%arg11 : memref<!tpu.dma_semaphore, #tpu.memory_space<semaphore_mem>>)
    %add3A_271 = arith.constant 640 : i32
    %add3A_272 = arith.addi %mul3A_2, %add3A_271 : i32
    %dma_wait3A_273 = arith.constant 0 : i32
    %dma_wait3A_274 = tpu.memref_slice %arg4[%add3A_272, %dma_wait3A_273] : memref<204800x128xf32, #tpu.memory_space<hbm>> -> memref<640x64xf32, #tpu.memory_space<hbm>>
    %dma_wait3A_275 = arith.constant 0 : i32
    %dma_wait3A_276 = tpu.memref_slice %arg4[%add3A_272, %dma_wait3A_275] : memref<204800x128xf32, #tpu.memory_space<hbm>> -> memref<640x64xf32, #tpu.memory_space<hbm>>
    tpu.wait_dma2 semaphore(%arg11 : memref<!tpu.dma_semaphore, #tpu.memory_space<semaphore_mem>>) src(%arg7 : memref<640x64xf32, #tpu.memory_space<vmem>>) dst(%dma_wait3A_276 : memref<640x64xf32, #tpu.memory_space<hbm>>)
    %dma_start3A_277 = arith.constant 15 : i32
    %dma_start3A_278 = arith.constant 0 : i32
    %dma_start3A_279 = arith.constant 0 : i32
    %dma_start3A_280 = tpu.memref_slice %arg7[%dma_start3A_278, %dma_start3A_279] : memref<640x64xf32, #tpu.memory_space<vmem>> -> memref<128x64xf32, #tpu.memory_space<vmem>>
    %dma_start3A_281 = arith.constant 0 : i32
    %dma_start3A_282 = tpu.memref_slice %arg5[%dma_start3A_277, %dma_start3A_281] : memref<50x128xi32, #tpu.memory_space<vmem>> -> memref<1x128xi32, #tpu.memory_space<vmem>>
    %dma_start3A_283 = tpu.memref_squeeze %dma_start3A_282 : memref<1x128xi32, #tpu.memory_space<vmem>> -> memref<128xi32, #tpu.memory_space<vmem>>
    %dma_start3A_284 = arith.constant 0 : i32
    %dma_start3A_285 = arith.constant 0 : i32
    %dma_start3A_286 = tpu.memref_slice %arg3[%dma_start3A_284, %dma_start3A_285] : memref<1000000x64xf32, #tpu.memory_space<hbm>> -> memref<1000000x64xf32, #tpu.memory_space<hbm>>
    tpu.enqueue_indirect_dma source(%dma_start3A_286 : memref<1000000x64xf32, #tpu.memory_space<hbm>>) target(%dma_start3A_280 : memref<128x64xf32, #tpu.memory_space<vmem>>) offsets(%dma_start3A_283 : memref<128xi32, #tpu.memory_space<vmem>>) semaphore(%arg9 : memref<!tpu.dma_semaphore, #tpu.memory_space<semaphore_mem>>)
    %dma_start3A_287 = arith.constant 16 : i32
    %dma_start3A_288 = arith.constant 128 : i32
    %dma_start3A_289 = arith.constant 0 : i32
    %dma_start3A_290 = tpu.memref_slice %arg7[%dma_start3A_288, %dma_start3A_289] : memref<640x64xf32, #tpu.memory_space<vmem>> -> memref<128x64xf32, #tpu.memory_space<vmem>>
    %dma_start3A_291 = arith.constant 0 : i32
    %dma_start3A_292 = tpu.memref_slice %arg5[%dma_start3A_287, %dma_start3A_291] : memref<50x128xi32, #tpu.memory_space<vmem>> -> memref<1x128xi32, #tpu.memory_space<vmem>>
    %dma_start3A_293 = tpu.memref_squeeze %dma_start3A_292 : memref<1x128xi32, #tpu.memory_space<vmem>> -> memref<128xi32, #tpu.memory_space<vmem>>
    %dma_start3A_294 = arith.constant 0 : i32
    %dma_start3A_295 = arith.constant 0 : i32
    %dma_start3A_296 = tpu.memref_slice %arg3[%dma_start3A_294, %dma_start3A_295] : memref<1000000x64xf32, #tpu.memory_space<hbm>> -> memref<1000000x64xf32, #tpu.memory_space<hbm>>
    tpu.enqueue_indirect_dma source(%dma_start3A_296 : memref<1000000x64xf32, #tpu.memory_space<hbm>>) target(%dma_start3A_290 : memref<128x64xf32, #tpu.memory_space<vmem>>) offsets(%dma_start3A_293 : memref<128xi32, #tpu.memory_space<vmem>>) semaphore(%arg9 : memref<!tpu.dma_semaphore, #tpu.memory_space<semaphore_mem>>)
    %dma_start3A_297 = arith.constant 17 : i32
    %dma_start3A_298 = arith.constant 256 : i32
    %dma_start3A_299 = arith.constant 0 : i32
    %dma_start3A_300 = tpu.memref_slice %arg7[%dma_start3A_298, %dma_start3A_299] : memref<640x64xf32, #tpu.memory_space<vmem>> -> memref<128x64xf32, #tpu.memory_space<vmem>>
    %dma_start3A_301 = arith.constant 0 : i32
    %dma_start3A_302 = tpu.memref_slice %arg5[%dma_start3A_297, %dma_start3A_301] : memref<50x128xi32, #tpu.memory_space<vmem>> -> memref<1x128xi32, #tpu.memory_space<vmem>>
    %dma_start3A_303 = tpu.memref_squeeze %dma_start3A_302 : memref<1x128xi32, #tpu.memory_space<vmem>> -> memref<128xi32, #tpu.memory_space<vmem>>
    %dma_start3A_304 = arith.constant 0 : i32
    %dma_start3A_305 = arith.constant 0 : i32
    %dma_start3A_306 = tpu.memref_slice %arg3[%dma_start3A_304, %dma_start3A_305] : memref<1000000x64xf32, #tpu.memory_space<hbm>> -> memref<1000000x64xf32, #tpu.memory_space<hbm>>
    tpu.enqueue_indirect_dma source(%dma_start3A_306 : memref<1000000x64xf32, #tpu.memory_space<hbm>>) target(%dma_start3A_300 : memref<128x64xf32, #tpu.memory_space<vmem>>) offsets(%dma_start3A_303 : memref<128xi32, #tpu.memory_space<vmem>>) semaphore(%arg9 : memref<!tpu.dma_semaphore, #tpu.memory_space<semaphore_mem>>)
    %dma_start3A_307 = arith.constant 18 : i32
    %dma_start3A_308 = arith.constant 384 : i32
    %dma_start3A_309 = arith.constant 0 : i32
    %dma_start3A_310 = tpu.memref_slice %arg7[%dma_start3A_308, %dma_start3A_309] : memref<640x64xf32, #tpu.memory_space<vmem>> -> memref<128x64xf32, #tpu.memory_space<vmem>>
    %dma_start3A_311 = arith.constant 0 : i32
    %dma_start3A_312 = tpu.memref_slice %arg5[%dma_start3A_307, %dma_start3A_311] : memref<50x128xi32, #tpu.memory_space<vmem>> -> memref<1x128xi32, #tpu.memory_space<vmem>>
    %dma_start3A_313 = tpu.memref_squeeze %dma_start3A_312 : memref<1x128xi32, #tpu.memory_space<vmem>> -> memref<128xi32, #tpu.memory_space<vmem>>
    %dma_start3A_314 = arith.constant 0 : i32
    %dma_start3A_315 = arith.constant 0 : i32
    %dma_start3A_316 = tpu.memref_slice %arg3[%dma_start3A_314, %dma_start3A_315] : memref<1000000x64xf32, #tpu.memory_space<hbm>> -> memref<1000000x64xf32, #tpu.memory_space<hbm>>
    tpu.enqueue_indirect_dma source(%dma_start3A_316 : memref<1000000x64xf32, #tpu.memory_space<hbm>>) target(%dma_start3A_310 : memref<128x64xf32, #tpu.memory_space<vmem>>) offsets(%dma_start3A_313 : memref<128xi32, #tpu.memory_space<vmem>>) semaphore(%arg9 : memref<!tpu.dma_semaphore, #tpu.memory_space<semaphore_mem>>)
    %dma_start3A_317 = arith.constant 19 : i32
    %dma_start3A_318 = arith.constant 512 : i32
    %dma_start3A_319 = arith.constant 0 : i32
    %dma_start3A_320 = tpu.memref_slice %arg7[%dma_start3A_318, %dma_start3A_319] : memref<640x64xf32, #tpu.memory_space<vmem>> -> memref<128x64xf32, #tpu.memory_space<vmem>>
    %dma_start3A_321 = arith.constant 0 : i32
    %dma_start3A_322 = tpu.memref_slice %arg5[%dma_start3A_317, %dma_start3A_321] : memref<50x128xi32, #tpu.memory_space<vmem>> -> memref<1x128xi32, #tpu.memory_space<vmem>>
    %dma_start3A_323 = tpu.memref_squeeze %dma_start3A_322 : memref<1x128xi32, #tpu.memory_space<vmem>> -> memref<128xi32, #tpu.memory_space<vmem>>
    %dma_start3A_324 = arith.constant 0 : i32
    %dma_start3A_325 = arith.constant 0 : i32
    %dma_start3A_326 = tpu.memref_slice %arg3[%dma_start3A_324, %dma_start3A_325] : memref<1000000x64xf32, #tpu.memory_space<hbm>> -> memref<1000000x64xf32, #tpu.memory_space<hbm>>
    tpu.enqueue_indirect_dma source(%dma_start3A_326 : memref<1000000x64xf32, #tpu.memory_space<hbm>>) target(%dma_start3A_320 : memref<128x64xf32, #tpu.memory_space<vmem>>) offsets(%dma_start3A_323 : memref<128xi32, #tpu.memory_space<vmem>>) semaphore(%arg9 : memref<!tpu.dma_semaphore, #tpu.memory_space<semaphore_mem>>)
    %dma_wait3A_327 = arith.constant 10 : i32
    %dma_wait3A_328 = arith.constant 0 : i32
    %dma_wait3A_329 = arith.constant 0 : i32
    %dma_wait3A_330 = tpu.memref_slice %arg6[%dma_wait3A_328, %dma_wait3A_329] : memref<640x64xf32, #tpu.memory_space<vmem>> -> memref<128x64xf32, #tpu.memory_space<vmem>>
    %dma_wait3A_331 = arith.constant 0 : i32
    %dma_wait3A_332 = tpu.memref_slice %arg5[%dma_wait3A_327, %dma_wait3A_331] : memref<50x128xi32, #tpu.memory_space<vmem>> -> memref<1x128xi32, #tpu.memory_space<vmem>>
    %dma_wait3A_333 = tpu.memref_squeeze %dma_wait3A_332 : memref<1x128xi32, #tpu.memory_space<vmem>> -> memref<128xi32, #tpu.memory_space<vmem>>
    %dma_wait3A_334 = arith.constant 0 : i32
    %dma_wait3A_335 = arith.constant 0 : i32
    %dma_wait3A_336 = tpu.memref_slice %arg3[%dma_wait3A_334, %dma_wait3A_335] : memref<1000000x64xf32, #tpu.memory_space<hbm>> -> memref<1000000x64xf32, #tpu.memory_space<hbm>>
    tpu.wait_indirect_dma semaphore(%arg8 : memref<!tpu.dma_semaphore, #tpu.memory_space<semaphore_mem>>) src(%dma_wait3A_336 : memref<1000000x64xf32, #tpu.memory_space<hbm>>) dst(%dma_wait3A_330 : memref<128x64xf32, #tpu.memory_space<vmem>>)
    %dma_wait3A_337 = arith.constant 11 : i32
    %dma_wait3A_338 = arith.constant 128 : i32
    %dma_wait3A_339 = arith.constant 0 : i32
    %dma_wait3A_340 = tpu.memref_slice %arg6[%dma_wait3A_338, %dma_wait3A_339] : memref<640x64xf32, #tpu.memory_space<vmem>> -> memref<128x64xf32, #tpu.memory_space<vmem>>
    %dma_wait3A_341 = arith.constant 0 : i32
    %dma_wait3A_342 = tpu.memref_slice %arg5[%dma_wait3A_337, %dma_wait3A_341] : memref<50x128xi32, #tpu.memory_space<vmem>> -> memref<1x128xi32, #tpu.memory_space<vmem>>
    %dma_wait3A_343 = tpu.memref_squeeze %dma_wait3A_342 : memref<1x128xi32, #tpu.memory_space<vmem>> -> memref<128xi32, #tpu.memory_space<vmem>>
    %dma_wait3A_344 = arith.constant 0 : i32
    %dma_wait3A_345 = arith.constant 0 : i32
    %dma_wait3A_346 = tpu.memref_slice %arg3[%dma_wait3A_344, %dma_wait3A_345] : memref<1000000x64xf32, #tpu.memory_space<hbm>> -> memref<1000000x64xf32, #tpu.memory_space<hbm>>
    tpu.wait_indirect_dma semaphore(%arg8 : memref<!tpu.dma_semaphore, #tpu.memory_space<semaphore_mem>>) src(%dma_wait3A_346 : memref<1000000x64xf32, #tpu.memory_space<hbm>>) dst(%dma_wait3A_340 : memref<128x64xf32, #tpu.memory_space<vmem>>)
    %dma_wait3A_347 = arith.constant 12 : i32
    %dma_wait3A_348 = arith.constant 256 : i32
    %dma_wait3A_349 = arith.constant 0 : i32
    %dma_wait3A_350 = tpu.memref_slice %arg6[%dma_wait3A_348, %dma_wait3A_349] : memref<640x64xf32, #tpu.memory_space<vmem>> -> memref<128x64xf32, #tpu.memory_space<vmem>>
    %dma_wait3A_351 = arith.constant 0 : i32
    %dma_wait3A_352 = tpu.memref_slice %arg5[%dma_wait3A_347, %dma_wait3A_351] : memref<50x128xi32, #tpu.memory_space<vmem>> -> memref<1x128xi32, #tpu.memory_space<vmem>>
    %dma_wait3A_353 = tpu.memref_squeeze %dma_wait3A_352 : memref<1x128xi32, #tpu.memory_space<vmem>> -> memref<128xi32, #tpu.memory_space<vmem>>
    %dma_wait3A_354 = arith.constant 0 : i32
    %dma_wait3A_355 = arith.constant 0 : i32
    %dma_wait3A_356 = tpu.memref_slice %arg3[%dma_wait3A_354, %dma_wait3A_355] : memref<1000000x64xf32, #tpu.memory_space<hbm>> -> memref<1000000x64xf32, #tpu.memory_space<hbm>>
    tpu.wait_indirect_dma semaphore(%arg8 : memref<!tpu.dma_semaphore, #tpu.memory_space<semaphore_mem>>) src(%dma_wait3A_356 : memref<1000000x64xf32, #tpu.memory_space<hbm>>) dst(%dma_wait3A_350 : memref<128x64xf32, #tpu.memory_space<vmem>>)
    %dma_wait3A_357 = arith.constant 13 : i32
    %dma_wait3A_358 = arith.constant 384 : i32
    %dma_wait3A_359 = arith.constant 0 : i32
    %dma_wait3A_360 = tpu.memref_slice %arg6[%dma_wait3A_358, %dma_wait3A_359] : memref<640x64xf32, #tpu.memory_space<vmem>> -> memref<128x64xf32, #tpu.memory_space<vmem>>
    %dma_wait3A_361 = arith.constant 0 : i32
    %dma_wait3A_362 = tpu.memref_slice %arg5[%dma_wait3A_357, %dma_wait3A_361] : memref<50x128xi32, #tpu.memory_space<vmem>> -> memref<1x128xi32, #tpu.memory_space<vmem>>
    %dma_wait3A_363 = tpu.memref_squeeze %dma_wait3A_362 : memref<1x128xi32, #tpu.memory_space<vmem>> -> memref<128xi32, #tpu.memory_space<vmem>>
    %dma_wait3A_364 = arith.constant 0 : i32
    %dma_wait3A_365 = arith.constant 0 : i32
    %dma_wait3A_366 = tpu.memref_slice %arg3[%dma_wait3A_364, %dma_wait3A_365] : memref<1000000x64xf32, #tpu.memory_space<hbm>> -> memref<1000000x64xf32, #tpu.memory_space<hbm>>
    tpu.wait_indirect_dma semaphore(%arg8 : memref<!tpu.dma_semaphore, #tpu.memory_space<semaphore_mem>>) src(%dma_wait3A_366 : memref<1000000x64xf32, #tpu.memory_space<hbm>>) dst(%dma_wait3A_360 : memref<128x64xf32, #tpu.memory_space<vmem>>)
    %dma_wait3A_367 = arith.constant 14 : i32
    %dma_wait3A_368 = arith.constant 512 : i32
    %dma_wait3A_369 = arith.constant 0 : i32
    %dma_wait3A_370 = tpu.memref_slice %arg6[%dma_wait3A_368, %dma_wait3A_369] : memref<640x64xf32, #tpu.memory_space<vmem>> -> memref<128x64xf32, #tpu.memory_space<vmem>>
    %dma_wait3A_371 = arith.constant 0 : i32
    %dma_wait3A_372 = tpu.memref_slice %arg5[%dma_wait3A_367, %dma_wait3A_371] : memref<50x128xi32, #tpu.memory_space<vmem>> -> memref<1x128xi32, #tpu.memory_space<vmem>>
    %dma_wait3A_373 = tpu.memref_squeeze %dma_wait3A_372 : memref<1x128xi32, #tpu.memory_space<vmem>> -> memref<128xi32, #tpu.memory_space<vmem>>
    %dma_wait3A_374 = arith.constant 0 : i32
    %dma_wait3A_375 = arith.constant 0 : i32
    %dma_wait3A_376 = tpu.memref_slice %arg3[%dma_wait3A_374, %dma_wait3A_375] : memref<1000000x64xf32, #tpu.memory_space<hbm>> -> memref<1000000x64xf32, #tpu.memory_space<hbm>>
    tpu.wait_indirect_dma semaphore(%arg8 : memref<!tpu.dma_semaphore, #tpu.memory_space<semaphore_mem>>) src(%dma_wait3A_376 : memref<1000000x64xf32, #tpu.memory_space<hbm>>) dst(%dma_wait3A_370 : memref<128x64xf32, #tpu.memory_space<vmem>>)
    %add3A_377 = arith.constant 1280 : i32
    %add3A_378 = arith.addi %mul3A_2, %add3A_377 : i32
    %dma_start3A_379 = arith.constant 0 : i32
    %dma_start3A_380 = tpu.memref_slice %arg4[%add3A_378, %dma_start3A_379] : memref<204800x128xf32, #tpu.memory_space<hbm>> -> memref<640x64xf32, #tpu.memory_space<hbm>>
    %dma_start3A_381 = arith.constant 0 : i32
    %dma_start3A_382 = tpu.memref_slice %arg4[%add3A_378, %dma_start3A_381] : memref<204800x128xf32, #tpu.memory_space<hbm>> -> memref<640x64xf32, #tpu.memory_space<hbm>>
    tpu.enqueue_dma source(%arg6 : memref<640x64xf32, #tpu.memory_space<vmem>>) target(%dma_start3A_382 : memref<640x64xf32, #tpu.memory_space<hbm>>) target_semaphore(%arg10 : memref<!tpu.dma_semaphore, #tpu.memory_space<semaphore_mem>>)
    %add3A_383 = arith.constant 1280 : i32
    %add3A_384 = arith.addi %mul3A_2, %add3A_383 : i32
    %dma_wait3A_385 = arith.constant 0 : i32
    %dma_wait3A_386 = tpu.memref_slice %arg4[%add3A_384, %dma_wait3A_385] : memref<204800x128xf32, #tpu.memory_space<hbm>> -> memref<640x64xf32, #tpu.memory_space<hbm>>
    %dma_wait3A_387 = arith.constant 0 : i32
    %dma_wait3A_388 = tpu.memref_slice %arg4[%add3A_384, %dma_wait3A_387] : memref<204800x128xf32, #tpu.memory_space<hbm>> -> memref<640x64xf32, #tpu.memory_space<hbm>>
    tpu.wait_dma2 semaphore(%arg10 : memref<!tpu.dma_semaphore, #tpu.memory_space<semaphore_mem>>) src(%arg6 : memref<640x64xf32, #tpu.memory_space<vmem>>) dst(%dma_wait3A_388 : memref<640x64xf32, #tpu.memory_space<hbm>>)
    %dma_start3A_389 = arith.constant 20 : i32
    %dma_start3A_390 = arith.constant 0 : i32
    %dma_start3A_391 = arith.constant 0 : i32
    %dma_start3A_392 = tpu.memref_slice %arg6[%dma_start3A_390, %dma_start3A_391] : memref<640x64xf32, #tpu.memory_space<vmem>> -> memref<128x64xf32, #tpu.memory_space<vmem>>
    %dma_start3A_393 = arith.constant 0 : i32
    %dma_start3A_394 = tpu.memref_slice %arg5[%dma_start3A_389, %dma_start3A_393] : memref<50x128xi32, #tpu.memory_space<vmem>> -> memref<1x128xi32, #tpu.memory_space<vmem>>
    %dma_start3A_395 = tpu.memref_squeeze %dma_start3A_394 : memref<1x128xi32, #tpu.memory_space<vmem>> -> memref<128xi32, #tpu.memory_space<vmem>>
    %dma_start3A_396 = arith.constant 0 : i32
    %dma_start3A_397 = arith.constant 0 : i32
    %dma_start3A_398 = tpu.memref_slice %arg3[%dma_start3A_396, %dma_start3A_397] : memref<1000000x64xf32, #tpu.memory_space<hbm>> -> memref<1000000x64xf32, #tpu.memory_space<hbm>>
    tpu.enqueue_indirect_dma source(%dma_start3A_398 : memref<1000000x64xf32, #tpu.memory_space<hbm>>) target(%dma_start3A_392 : memref<128x64xf32, #tpu.memory_space<vmem>>) offsets(%dma_start3A_395 : memref<128xi32, #tpu.memory_space<vmem>>) semaphore(%arg8 : memref<!tpu.dma_semaphore, #tpu.memory_space<semaphore_mem>>)
    %dma_start3A_399 = arith.constant 21 : i32
    %dma_start3A_400 = arith.constant 128 : i32
    %dma_start3A_401 = arith.constant 0 : i32
    %dma_start3A_402 = tpu.memref_slice %arg6[%dma_start3A_400, %dma_start3A_401] : memref<640x64xf32, #tpu.memory_space<vmem>> -> memref<128x64xf32, #tpu.memory_space<vmem>>
    %dma_start3A_403 = arith.constant 0 : i32
    %dma_start3A_404 = tpu.memref_slice %arg5[%dma_start3A_399, %dma_start3A_403] : memref<50x128xi32, #tpu.memory_space<vmem>> -> memref<1x128xi32, #tpu.memory_space<vmem>>
    %dma_start3A_405 = tpu.memref_squeeze %dma_start3A_404 : memref<1x128xi32, #tpu.memory_space<vmem>> -> memref<128xi32, #tpu.memory_space<vmem>>
    %dma_start3A_406 = arith.constant 0 : i32
    %dma_start3A_407 = arith.constant 0 : i32
    %dma_start3A_408 = tpu.memref_slice %arg3[%dma_start3A_406, %dma_start3A_407] : memref<1000000x64xf32, #tpu.memory_space<hbm>> -> memref<1000000x64xf32, #tpu.memory_space<hbm>>
    tpu.enqueue_indirect_dma source(%dma_start3A_408 : memref<1000000x64xf32, #tpu.memory_space<hbm>>) target(%dma_start3A_402 : memref<128x64xf32, #tpu.memory_space<vmem>>) offsets(%dma_start3A_405 : memref<128xi32, #tpu.memory_space<vmem>>) semaphore(%arg8 : memref<!tpu.dma_semaphore, #tpu.memory_space<semaphore_mem>>)
    %dma_start3A_409 = arith.constant 22 : i32
    %dma_start3A_410 = arith.constant 256 : i32
    %dma_start3A_411 = arith.constant 0 : i32
    %dma_start3A_412 = tpu.memref_slice %arg6[%dma_start3A_410, %dma_start3A_411] : memref<640x64xf32, #tpu.memory_space<vmem>> -> memref<128x64xf32, #tpu.memory_space<vmem>>
    %dma_start3A_413 = arith.constant 0 : i32
    %dma_start3A_414 = tpu.memref_slice %arg5[%dma_start3A_409, %dma_start3A_413] : memref<50x128xi32, #tpu.memory_space<vmem>> -> memref<1x128xi32, #tpu.memory_space<vmem>>
    %dma_start3A_415 = tpu.memref_squeeze %dma_start3A_414 : memref<1x128xi32, #tpu.memory_space<vmem>> -> memref<128xi32, #tpu.memory_space<vmem>>
    %dma_start3A_416 = arith.constant 0 : i32
    %dma_start3A_417 = arith.constant 0 : i32
    %dma_start3A_418 = tpu.memref_slice %arg3[%dma_start3A_416, %dma_start3A_417] : memref<1000000x64xf32, #tpu.memory_space<hbm>> -> memref<1000000x64xf32, #tpu.memory_space<hbm>>
    tpu.enqueue_indirect_dma source(%dma_start3A_418 : memref<1000000x64xf32, #tpu.memory_space<hbm>>) target(%dma_start3A_412 : memref<128x64xf32, #tpu.memory_space<vmem>>) offsets(%dma_start3A_415 : memref<128xi32, #tpu.memory_space<vmem>>) semaphore(%arg8 : memref<!tpu.dma_semaphore, #tpu.memory_space<semaphore_mem>>)
    %dma_start3A_419 = arith.constant 23 : i32
    %dma_start3A_420 = arith.constant 384 : i32
    %dma_start3A_421 = arith.constant 0 : i32
    %dma_start3A_422 = tpu.memref_slice %arg6[%dma_start3A_420, %dma_start3A_421] : memref<640x64xf32, #tpu.memory_space<vmem>> -> memref<128x64xf32, #tpu.memory_space<vmem>>
    %dma_start3A_423 = arith.constant 0 : i32
    %dma_start3A_424 = tpu.memref_slice %arg5[%dma_start3A_419, %dma_start3A_423] : memref<50x128xi32, #tpu.memory_space<vmem>> -> memref<1x128xi32, #tpu.memory_space<vmem>>
    %dma_start3A_425 = tpu.memref_squeeze %dma_start3A_424 : memref<1x128xi32, #tpu.memory_space<vmem>> -> memref<128xi32, #tpu.memory_space<vmem>>
    %dma_start3A_426 = arith.constant 0 : i32
    %dma_start3A_427 = arith.constant 0 : i32
    %dma_start3A_428 = tpu.memref_slice %arg3[%dma_start3A_426, %dma_start3A_427] : memref<1000000x64xf32, #tpu.memory_space<hbm>> -> memref<1000000x64xf32, #tpu.memory_space<hbm>>
    tpu.enqueue_indirect_dma source(%dma_start3A_428 : memref<1000000x64xf32, #tpu.memory_space<hbm>>) target(%dma_start3A_422 : memref<128x64xf32, #tpu.memory_space<vmem>>) offsets(%dma_start3A_425 : memref<128xi32, #tpu.memory_space<vmem>>) semaphore(%arg8 : memref<!tpu.dma_semaphore, #tpu.memory_space<semaphore_mem>>)
    %dma_start3A_429 = arith.constant 24 : i32
    %dma_start3A_430 = arith.constant 512 : i32
    %dma_start3A_431 = arith.constant 0 : i32
    %dma_start3A_432 = tpu.memref_slice %arg6[%dma_start3A_430, %dma_start3A_431] : memref<640x64xf32, #tpu.memory_space<vmem>> -> memref<128x64xf32, #tpu.memory_space<vmem>>
    %dma_start3A_433 = arith.constant 0 : i32
    %dma_start3A_434 = tpu.memref_slice %arg5[%dma_start3A_429, %dma_start3A_433] : memref<50x128xi32, #tpu.memory_space<vmem>> -> memref<1x128xi32, #tpu.memory_space<vmem>>
    %dma_start3A_435 = tpu.memref_squeeze %dma_start3A_434 : memref<1x128xi32, #tpu.memory_space<vmem>> -> memref<128xi32, #tpu.memory_space<vmem>>
    %dma_start3A_436 = arith.constant 0 : i32
    %dma_start3A_437 = arith.constant 0 : i32
    %dma_start3A_438 = tpu.memref_slice %arg3[%dma_start3A_436, %dma_start3A_437] : memref<1000000x64xf32, #tpu.memory_space<hbm>> -> memref<1000000x64xf32, #tpu.memory_space<hbm>>
    tpu.enqueue_indirect_dma source(%dma_start3A_438 : memref<1000000x64xf32, #tpu.memory_space<hbm>>) target(%dma_start3A_432 : memref<128x64xf32, #tpu.memory_space<vmem>>) offsets(%dma_start3A_435 : memref<128xi32, #tpu.memory_space<vmem>>) semaphore(%arg8 : memref<!tpu.dma_semaphore, #tpu.memory_space<semaphore_mem>>)
    %dma_wait3A_439 = arith.constant 15 : i32
    %dma_wait3A_440 = arith.constant 0 : i32
    %dma_wait3A_441 = arith.constant 0 : i32
    %dma_wait3A_442 = tpu.memref_slice %arg7[%dma_wait3A_440, %dma_wait3A_441] : memref<640x64xf32, #tpu.memory_space<vmem>> -> memref<128x64xf32, #tpu.memory_space<vmem>>
    %dma_wait3A_443 = arith.constant 0 : i32
    %dma_wait3A_444 = tpu.memref_slice %arg5[%dma_wait3A_439, %dma_wait3A_443] : memref<50x128xi32, #tpu.memory_space<vmem>> -> memref<1x128xi32, #tpu.memory_space<vmem>>
    %dma_wait3A_445 = tpu.memref_squeeze %dma_wait3A_444 : memref<1x128xi32, #tpu.memory_space<vmem>> -> memref<128xi32, #tpu.memory_space<vmem>>
    %dma_wait3A_446 = arith.constant 0 : i32
    %dma_wait3A_447 = arith.constant 0 : i32
    %dma_wait3A_448 = tpu.memref_slice %arg3[%dma_wait3A_446, %dma_wait3A_447] : memref<1000000x64xf32, #tpu.memory_space<hbm>> -> memref<1000000x64xf32, #tpu.memory_space<hbm>>
    tpu.wait_indirect_dma semaphore(%arg9 : memref<!tpu.dma_semaphore, #tpu.memory_space<semaphore_mem>>) src(%dma_wait3A_448 : memref<1000000x64xf32, #tpu.memory_space<hbm>>) dst(%dma_wait3A_442 : memref<128x64xf32, #tpu.memory_space<vmem>>)
    %dma_wait3A_449 = arith.constant 16 : i32
    %dma_wait3A_450 = arith.constant 128 : i32
    %dma_wait3A_451 = arith.constant 0 : i32
    %dma_wait3A_452 = tpu.memref_slice %arg7[%dma_wait3A_450, %dma_wait3A_451] : memref<640x64xf32, #tpu.memory_space<vmem>> -> memref<128x64xf32, #tpu.memory_space<vmem>>
    %dma_wait3A_453 = arith.constant 0 : i32
    %dma_wait3A_454 = tpu.memref_slice %arg5[%dma_wait3A_449, %dma_wait3A_453] : memref<50x128xi32, #tpu.memory_space<vmem>> -> memref<1x128xi32, #tpu.memory_space<vmem>>
    %dma_wait3A_455 = tpu.memref_squeeze %dma_wait3A_454 : memref<1x128xi32, #tpu.memory_space<vmem>> -> memref<128xi32, #tpu.memory_space<vmem>>
    %dma_wait3A_456 = arith.constant 0 : i32
    %dma_wait3A_457 = arith.constant 0 : i32
    %dma_wait3A_458 = tpu.memref_slice %arg3[%dma_wait3A_456, %dma_wait3A_457] : memref<1000000x64xf32, #tpu.memory_space<hbm>> -> memref<1000000x64xf32, #tpu.memory_space<hbm>>
    tpu.wait_indirect_dma semaphore(%arg9 : memref<!tpu.dma_semaphore, #tpu.memory_space<semaphore_mem>>) src(%dma_wait3A_458 : memref<1000000x64xf32, #tpu.memory_space<hbm>>) dst(%dma_wait3A_452 : memref<128x64xf32, #tpu.memory_space<vmem>>)
    %dma_wait3A_459 = arith.constant 17 : i32
    %dma_wait3A_460 = arith.constant 256 : i32
    %dma_wait3A_461 = arith.constant 0 : i32
    %dma_wait3A_462 = tpu.memref_slice %arg7[%dma_wait3A_460, %dma_wait3A_461] : memref<640x64xf32, #tpu.memory_space<vmem>> -> memref<128x64xf32, #tpu.memory_space<vmem>>
    %dma_wait3A_463 = arith.constant 0 : i32
    %dma_wait3A_464 = tpu.memref_slice %arg5[%dma_wait3A_459, %dma_wait3A_463] : memref<50x128xi32, #tpu.memory_space<vmem>> -> memref<1x128xi32, #tpu.memory_space<vmem>>
    %dma_wait3A_465 = tpu.memref_squeeze %dma_wait3A_464 : memref<1x128xi32, #tpu.memory_space<vmem>> -> memref<128xi32, #tpu.memory_space<vmem>>
    %dma_wait3A_466 = arith.constant 0 : i32
    %dma_wait3A_467 = arith.constant 0 : i32
    %dma_wait3A_468 = tpu.memref_slice %arg3[%dma_wait3A_466, %dma_wait3A_467] : memref<1000000x64xf32, #tpu.memory_space<hbm>> -> memref<1000000x64xf32, #tpu.memory_space<hbm>>
    tpu.wait_indirect_dma semaphore(%arg9 : memref<!tpu.dma_semaphore, #tpu.memory_space<semaphore_mem>>) src(%dma_wait3A_468 : memref<1000000x64xf32, #tpu.memory_space<hbm>>) dst(%dma_wait3A_462 : memref<128x64xf32, #tpu.memory_space<vmem>>)
    %dma_wait3A_469 = arith.constant 18 : i32
    %dma_wait3A_470 = arith.constant 384 : i32
    %dma_wait3A_471 = arith.constant 0 : i32
    %dma_wait3A_472 = tpu.memref_slice %arg7[%dma_wait3A_470, %dma_wait3A_471] : memref<640x64xf32, #tpu.memory_space<vmem>> -> memref<128x64xf32, #tpu.memory_space<vmem>>
    %dma_wait3A_473 = arith.constant 0 : i32
    %dma_wait3A_474 = tpu.memref_slice %arg5[%dma_wait3A_469, %dma_wait3A_473] : memref<50x128xi32, #tpu.memory_space<vmem>> -> memref<1x128xi32, #tpu.memory_space<vmem>>
    %dma_wait3A_475 = tpu.memref_squeeze %dma_wait3A_474 : memref<1x128xi32, #tpu.memory_space<vmem>> -> memref<128xi32, #tpu.memory_space<vmem>>
    %dma_wait3A_476 = arith.constant 0 : i32
    %dma_wait3A_477 = arith.constant 0 : i32
    %dma_wait3A_478 = tpu.memref_slice %arg3[%dma_wait3A_476, %dma_wait3A_477] : memref<1000000x64xf32, #tpu.memory_space<hbm>> -> memref<1000000x64xf32, #tpu.memory_space<hbm>>
    tpu.wait_indirect_dma semaphore(%arg9 : memref<!tpu.dma_semaphore, #tpu.memory_space<semaphore_mem>>) src(%dma_wait3A_478 : memref<1000000x64xf32, #tpu.memory_space<hbm>>) dst(%dma_wait3A_472 : memref<128x64xf32, #tpu.memory_space<vmem>>)
    %dma_wait3A_479 = arith.constant 19 : i32
    %dma_wait3A_480 = arith.constant 512 : i32
    %dma_wait3A_481 = arith.constant 0 : i32
    %dma_wait3A_482 = tpu.memref_slice %arg7[%dma_wait3A_480, %dma_wait3A_481] : memref<640x64xf32, #tpu.memory_space<vmem>> -> memref<128x64xf32, #tpu.memory_space<vmem>>
    %dma_wait3A_483 = arith.constant 0 : i32
    %dma_wait3A_484 = tpu.memref_slice %arg5[%dma_wait3A_479, %dma_wait3A_483] : memref<50x128xi32, #tpu.memory_space<vmem>> -> memref<1x128xi32, #tpu.memory_space<vmem>>
    %dma_wait3A_485 = tpu.memref_squeeze %dma_wait3A_484 : memref<1x128xi32, #tpu.memory_space<vmem>> -> memref<128xi32, #tpu.memory_space<vmem>>
    %dma_wait3A_486 = arith.constant 0 : i32
    %dma_wait3A_487 = arith.constant 0 : i32
    %dma_wait3A_488 = tpu.memref_slice %arg3[%dma_wait3A_486, %dma_wait3A_487] : memref<1000000x64xf32, #tpu.memory_space<hbm>> -> memref<1000000x64xf32, #tpu.memory_space<hbm>>
    tpu.wait_indirect_dma semaphore(%arg9 : memref<!tpu.dma_semaphore, #tpu.memory_space<semaphore_mem>>) src(%dma_wait3A_488 : memref<1000000x64xf32, #tpu.memory_space<hbm>>) dst(%dma_wait3A_482 : memref<128x64xf32, #tpu.memory_space<vmem>>)
    %add3A_489 = arith.constant 1920 : i32
    %add3A_490 = arith.addi %mul3A_2, %add3A_489 : i32
    %dma_start3A_491 = arith.constant 0 : i32
    %dma_start3A_492 = tpu.memref_slice %arg4[%add3A_490, %dma_start3A_491] : memref<204800x128xf32, #tpu.memory_space<hbm>> -> memref<640x64xf32, #tpu.memory_space<hbm>>
    %dma_start3A_493 = arith.constant 0 : i32
    %dma_start3A_494 = tpu.memref_slice %arg4[%add3A_490, %dma_start3A_493] : memref<204800x128xf32, #tpu.memory_space<hbm>> -> memref<640x64xf32, #tpu.memory_space<hbm>>
    tpu.enqueue_dma source(%arg7 : memref<640x64xf32, #tpu.memory_space<vmem>>) target(%dma_start3A_494 : memref<640x64xf32, #tpu.memory_space<hbm>>) target_semaphore(%arg11 : memref<!tpu.dma_semaphore, #tpu.memory_space<semaphore_mem>>)
    %add3A_495 = arith.constant 1920 : i32
    %add3A_496 = arith.addi %mul3A_2, %add3A_495 : i32
    %dma_wait3A_497 = arith.constant 0 : i32
    %dma_wait3A_498 = tpu.memref_slice %arg4[%add3A_496, %dma_wait3A_497] : memref<204800x128xf32, #tpu.memory_space<hbm>> -> memref<640x64xf32, #tpu.memory_space<hbm>>
    %dma_wait3A_499 = arith.constant 0 : i32
    %dma_wait3A_500 = tpu.memref_slice %arg4[%add3A_496, %dma_wait3A_499] : memref<204800x128xf32, #tpu.memory_space<hbm>> -> memref<640x64xf32, #tpu.memory_space<hbm>>
    tpu.wait_dma2 semaphore(%arg11 : memref<!tpu.dma_semaphore, #tpu.memory_space<semaphore_mem>>) src(%arg7 : memref<640x64xf32, #tpu.memory_space<vmem>>) dst(%dma_wait3A_500 : memref<640x64xf32, #tpu.memory_space<hbm>>)
    %dma_start3A_501 = arith.constant 25 : i32
    %dma_start3A_502 = arith.constant 0 : i32
    %dma_start3A_503 = arith.constant 0 : i32
    %dma_start3A_504 = tpu.memref_slice %arg7[%dma_start3A_502, %dma_start3A_503] : memref<640x64xf32, #tpu.memory_space<vmem>> -> memref<128x64xf32, #tpu.memory_space<vmem>>
    %dma_start3A_505 = arith.constant 0 : i32
    %dma_start3A_506 = tpu.memref_slice %arg5[%dma_start3A_501, %dma_start3A_505] : memref<50x128xi32, #tpu.memory_space<vmem>> -> memref<1x128xi32, #tpu.memory_space<vmem>>
    %dma_start3A_507 = tpu.memref_squeeze %dma_start3A_506 : memref<1x128xi32, #tpu.memory_space<vmem>> -> memref<128xi32, #tpu.memory_space<vmem>>
    %dma_start3A_508 = arith.constant 0 : i32
    %dma_start3A_509 = arith.constant 0 : i32
    %dma_start3A_510 = tpu.memref_slice %arg3[%dma_start3A_508, %dma_start3A_509] : memref<1000000x64xf32, #tpu.memory_space<hbm>> -> memref<1000000x64xf32, #tpu.memory_space<hbm>>
    tpu.enqueue_indirect_dma source(%dma_start3A_510 : memref<1000000x64xf32, #tpu.memory_space<hbm>>) target(%dma_start3A_504 : memref<128x64xf32, #tpu.memory_space<vmem>>) offsets(%dma_start3A_507 : memref<128xi32, #tpu.memory_space<vmem>>) semaphore(%arg9 : memref<!tpu.dma_semaphore, #tpu.memory_space<semaphore_mem>>)
    %dma_start3A_511 = arith.constant 26 : i32
    %dma_start3A_512 = arith.constant 128 : i32
    %dma_start3A_513 = arith.constant 0 : i32
    %dma_start3A_514 = tpu.memref_slice %arg7[%dma_start3A_512, %dma_start3A_513] : memref<640x64xf32, #tpu.memory_space<vmem>> -> memref<128x64xf32, #tpu.memory_space<vmem>>
    %dma_start3A_515 = arith.constant 0 : i32
    %dma_start3A_516 = tpu.memref_slice %arg5[%dma_start3A_511, %dma_start3A_515] : memref<50x128xi32, #tpu.memory_space<vmem>> -> memref<1x128xi32, #tpu.memory_space<vmem>>
    %dma_start3A_517 = tpu.memref_squeeze %dma_start3A_516 : memref<1x128xi32, #tpu.memory_space<vmem>> -> memref<128xi32, #tpu.memory_space<vmem>>
    %dma_start3A_518 = arith.constant 0 : i32
    %dma_start3A_519 = arith.constant 0 : i32
    %dma_start3A_520 = tpu.memref_slice %arg3[%dma_start3A_518, %dma_start3A_519] : memref<1000000x64xf32, #tpu.memory_space<hbm>> -> memref<1000000x64xf32, #tpu.memory_space<hbm>>
    tpu.enqueue_indirect_dma source(%dma_start3A_520 : memref<1000000x64xf32, #tpu.memory_space<hbm>>) target(%dma_start3A_514 : memref<128x64xf32, #tpu.memory_space<vmem>>) offsets(%dma_start3A_517 : memref<128xi32, #tpu.memory_space<vmem>>) semaphore(%arg9 : memref<!tpu.dma_semaphore, #tpu.memory_space<semaphore_mem>>)
    %dma_start3A_521 = arith.constant 27 : i32
    %dma_start3A_522 = arith.constant 256 : i32
    %dma_start3A_523 = arith.constant 0 : i32
    %dma_start3A_524 = tpu.memref_slice %arg7[%dma_start3A_522, %dma_start3A_523] : memref<640x64xf32, #tpu.memory_space<vmem>> -> memref<128x64xf32, #tpu.memory_space<vmem>>
    %dma_start3A_525 = arith.constant 0 : i32
    %dma_start3A_526 = tpu.memref_slice %arg5[%dma_start3A_521, %dma_start3A_525] : memref<50x128xi32, #tpu.memory_space<vmem>> -> memref<1x128xi32, #tpu.memory_space<vmem>>
    %dma_start3A_527 = tpu.memref_squeeze %dma_start3A_526 : memref<1x128xi32, #tpu.memory_space<vmem>> -> memref<128xi32, #tpu.memory_space<vmem>>
    %dma_start3A_528 = arith.constant 0 : i32
    %dma_start3A_529 = arith.constant 0 : i32
    %dma_start3A_530 = tpu.memref_slice %arg3[%dma_start3A_528, %dma_start3A_529] : memref<1000000x64xf32, #tpu.memory_space<hbm>> -> memref<1000000x64xf32, #tpu.memory_space<hbm>>
    tpu.enqueue_indirect_dma source(%dma_start3A_530 : memref<1000000x64xf32, #tpu.memory_space<hbm>>) target(%dma_start3A_524 : memref<128x64xf32, #tpu.memory_space<vmem>>) offsets(%dma_start3A_527 : memref<128xi32, #tpu.memory_space<vmem>>) semaphore(%arg9 : memref<!tpu.dma_semaphore, #tpu.memory_space<semaphore_mem>>)
    %dma_start3A_531 = arith.constant 28 : i32
    %dma_start3A_532 = arith.constant 384 : i32
    %dma_start3A_533 = arith.constant 0 : i32
    %dma_start3A_534 = tpu.memref_slice %arg7[%dma_start3A_532, %dma_start3A_533] : memref<640x64xf32, #tpu.memory_space<vmem>> -> memref<128x64xf32, #tpu.memory_space<vmem>>
    %dma_start3A_535 = arith.constant 0 : i32
    %dma_start3A_536 = tpu.memref_slice %arg5[%dma_start3A_531, %dma_start3A_535] : memref<50x128xi32, #tpu.memory_space<vmem>> -> memref<1x128xi32, #tpu.memory_space<vmem>>
    %dma_start3A_537 = tpu.memref_squeeze %dma_start3A_536 : memref<1x128xi32, #tpu.memory_space<vmem>> -> memref<128xi32, #tpu.memory_space<vmem>>
    %dma_start3A_538 = arith.constant 0 : i32
    %dma_start3A_539 = arith.constant 0 : i32
    %dma_start3A_540 = tpu.memref_slice %arg3[%dma_start3A_538, %dma_start3A_539] : memref<1000000x64xf32, #tpu.memory_space<hbm>> -> memref<1000000x64xf32, #tpu.memory_space<hbm>>
    tpu.enqueue_indirect_dma source(%dma_start3A_540 : memref<1000000x64xf32, #tpu.memory_space<hbm>>) target(%dma_start3A_534 : memref<128x64xf32, #tpu.memory_space<vmem>>) offsets(%dma_start3A_537 : memref<128xi32, #tpu.memory_space<vmem>>) semaphore(%arg9 : memref<!tpu.dma_semaphore, #tpu.memory_space<semaphore_mem>>)
    %dma_start3A_541 = arith.constant 29 : i32
    %dma_start3A_542 = arith.constant 512 : i32
    %dma_start3A_543 = arith.constant 0 : i32
    %dma_start3A_544 = tpu.memref_slice %arg7[%dma_start3A_542, %dma_start3A_543] : memref<640x64xf32, #tpu.memory_space<vmem>> -> memref<128x64xf32, #tpu.memory_space<vmem>>
    %dma_start3A_545 = arith.constant 0 : i32
    %dma_start3A_546 = tpu.memref_slice %arg5[%dma_start3A_541, %dma_start3A_545] : memref<50x128xi32, #tpu.memory_space<vmem>> -> memref<1x128xi32, #tpu.memory_space<vmem>>
    %dma_start3A_547 = tpu.memref_squeeze %dma_start3A_546 : memref<1x128xi32, #tpu.memory_space<vmem>> -> memref<128xi32, #tpu.memory_space<vmem>>
    %dma_start3A_548 = arith.constant 0 : i32
    %dma_start3A_549 = arith.constant 0 : i32
    %dma_start3A_550 = tpu.memref_slice %arg3[%dma_start3A_548, %dma_start3A_549] : memref<1000000x64xf32, #tpu.memory_space<hbm>> -> memref<1000000x64xf32, #tpu.memory_space<hbm>>
    tpu.enqueue_indirect_dma source(%dma_start3A_550 : memref<1000000x64xf32, #tpu.memory_space<hbm>>) target(%dma_start3A_544 : memref<128x64xf32, #tpu.memory_space<vmem>>) offsets(%dma_start3A_547 : memref<128xi32, #tpu.memory_space<vmem>>) semaphore(%arg9 : memref<!tpu.dma_semaphore, #tpu.memory_space<semaphore_mem>>)
    %dma_wait3A_551 = arith.constant 20 : i32
    %dma_wait3A_552 = arith.constant 0 : i32
    %dma_wait3A_553 = arith.constant 0 : i32
    %dma_wait3A_554 = tpu.memref_slice %arg6[%dma_wait3A_552, %dma_wait3A_553] : memref<640x64xf32, #tpu.memory_space<vmem>> -> memref<128x64xf32, #tpu.memory_space<vmem>>
    %dma_wait3A_555 = arith.constant 0 : i32
    %dma_wait3A_556 = tpu.memref_slice %arg5[%dma_wait3A_551, %dma_wait3A_555] : memref<50x128xi32, #tpu.memory_space<vmem>> -> memref<1x128xi32, #tpu.memory_space<vmem>>
    %dma_wait3A_557 = tpu.memref_squeeze %dma_wait3A_556 : memref<1x128xi32, #tpu.memory_space<vmem>> -> memref<128xi32, #tpu.memory_space<vmem>>
    %dma_wait3A_558 = arith.constant 0 : i32
    %dma_wait3A_559 = arith.constant 0 : i32
    %dma_wait3A_560 = tpu.memref_slice %arg3[%dma_wait3A_558, %dma_wait3A_559] : memref<1000000x64xf32, #tpu.memory_space<hbm>> -> memref<1000000x64xf32, #tpu.memory_space<hbm>>
    tpu.wait_indirect_dma semaphore(%arg8 : memref<!tpu.dma_semaphore, #tpu.memory_space<semaphore_mem>>) src(%dma_wait3A_560 : memref<1000000x64xf32, #tpu.memory_space<hbm>>) dst(%dma_wait3A_554 : memref<128x64xf32, #tpu.memory_space<vmem>>)
    %dma_wait3A_561 = arith.constant 21 : i32
    %dma_wait3A_562 = arith.constant 128 : i32
    %dma_wait3A_563 = arith.constant 0 : i32
    %dma_wait3A_564 = tpu.memref_slice %arg6[%dma_wait3A_562, %dma_wait3A_563] : memref<640x64xf32, #tpu.memory_space<vmem>> -> memref<128x64xf32, #tpu.memory_space<vmem>>
    %dma_wait3A_565 = arith.constant 0 : i32
    %dma_wait3A_566 = tpu.memref_slice %arg5[%dma_wait3A_561, %dma_wait3A_565] : memref<50x128xi32, #tpu.memory_space<vmem>> -> memref<1x128xi32, #tpu.memory_space<vmem>>
    %dma_wait3A_567 = tpu.memref_squeeze %dma_wait3A_566 : memref<1x128xi32, #tpu.memory_space<vmem>> -> memref<128xi32, #tpu.memory_space<vmem>>
    %dma_wait3A_568 = arith.constant 0 : i32
    %dma_wait3A_569 = arith.constant 0 : i32
    %dma_wait3A_570 = tpu.memref_slice %arg3[%dma_wait3A_568, %dma_wait3A_569] : memref<1000000x64xf32, #tpu.memory_space<hbm>> -> memref<1000000x64xf32, #tpu.memory_space<hbm>>
    tpu.wait_indirect_dma semaphore(%arg8 : memref<!tpu.dma_semaphore, #tpu.memory_space<semaphore_mem>>) src(%dma_wait3A_570 : memref<1000000x64xf32, #tpu.memory_space<hbm>>) dst(%dma_wait3A_564 : memref<128x64xf32, #tpu.memory_space<vmem>>)
    %dma_wait3A_571 = arith.constant 22 : i32
    %dma_wait3A_572 = arith.constant 256 : i32
    %dma_wait3A_573 = arith.constant 0 : i32
    %dma_wait3A_574 = tpu.memref_slice %arg6[%dma_wait3A_572, %dma_wait3A_573] : memref<640x64xf32, #tpu.memory_space<vmem>> -> memref<128x64xf32, #tpu.memory_space<vmem>>
    %dma_wait3A_575 = arith.constant 0 : i32
    %dma_wait3A_576 = tpu.memref_slice %arg5[%dma_wait3A_571, %dma_wait3A_575] : memref<50x128xi32, #tpu.memory_space<vmem>> -> memref<1x128xi32, #tpu.memory_space<vmem>>
    %dma_wait3A_577 = tpu.memref_squeeze %dma_wait3A_576 : memref<1x128xi32, #tpu.memory_space<vmem>> -> memref<128xi32, #tpu.memory_space<vmem>>
    %dma_wait3A_578 = arith.constant 0 : i32
    %dma_wait3A_579 = arith.constant 0 : i32
    %dma_wait3A_580 = tpu.memref_slice %arg3[%dma_wait3A_578, %dma_wait3A_579] : memref<1000000x64xf32, #tpu.memory_space<hbm>> -> memref<1000000x64xf32, #tpu.memory_space<hbm>>
    tpu.wait_indirect_dma semaphore(%arg8 : memref<!tpu.dma_semaphore, #tpu.memory_space<semaphore_mem>>) src(%dma_wait3A_580 : memref<1000000x64xf32, #tpu.memory_space<hbm>>) dst(%dma_wait3A_574 : memref<128x64xf32, #tpu.memory_space<vmem>>)
    %dma_wait3A_581 = arith.constant 23 : i32
    %dma_wait3A_582 = arith.constant 384 : i32
    %dma_wait3A_583 = arith.constant 0 : i32
    %dma_wait3A_584 = tpu.memref_slice %arg6[%dma_wait3A_582, %dma_wait3A_583] : memref<640x64xf32, #tpu.memory_space<vmem>> -> memref<128x64xf32, #tpu.memory_space<vmem>>
    %dma_wait3A_585 = arith.constant 0 : i32
    %dma_wait3A_586 = tpu.memref_slice %arg5[%dma_wait3A_581, %dma_wait3A_585] : memref<50x128xi32, #tpu.memory_space<vmem>> -> memref<1x128xi32, #tpu.memory_space<vmem>>
    %dma_wait3A_587 = tpu.memref_squeeze %dma_wait3A_586 : memref<1x128xi32, #tpu.memory_space<vmem>> -> memref<128xi32, #tpu.memory_space<vmem>>
    %dma_wait3A_588 = arith.constant 0 : i32
    %dma_wait3A_589 = arith.constant 0 : i32
    %dma_wait3A_590 = tpu.memref_slice %arg3[%dma_wait3A_588, %dma_wait3A_589] : memref<1000000x64xf32, #tpu.memory_space<hbm>> -> memref<1000000x64xf32, #tpu.memory_space<hbm>>
    tpu.wait_indirect_dma semaphore(%arg8 : memref<!tpu.dma_semaphore, #tpu.memory_space<semaphore_mem>>) src(%dma_wait3A_590 : memref<1000000x64xf32, #tpu.memory_space<hbm>>) dst(%dma_wait3A_584 : memref<128x64xf32, #tpu.memory_space<vmem>>)
    %dma_wait3A_591 = arith.constant 24 : i32
    %dma_wait3A_592 = arith.constant 512 : i32
    %dma_wait3A_593 = arith.constant 0 : i32
    %dma_wait3A_594 = tpu.memref_slice %arg6[%dma_wait3A_592, %dma_wait3A_593] : memref<640x64xf32, #tpu.memory_space<vmem>> -> memref<128x64xf32, #tpu.memory_space<vmem>>
    %dma_wait3A_595 = arith.constant 0 : i32
    %dma_wait3A_596 = tpu.memref_slice %arg5[%dma_wait3A_591, %dma_wait3A_595] : memref<50x128xi32, #tpu.memory_space<vmem>> -> memref<1x128xi32, #tpu.memory_space<vmem>>
    %dma_wait3A_597 = tpu.memref_squeeze %dma_wait3A_596 : memref<1x128xi32, #tpu.memory_space<vmem>> -> memref<128xi32, #tpu.memory_space<vmem>>
    %dma_wait3A_598 = arith.constant 0 : i32
    %dma_wait3A_599 = arith.constant 0 : i32
    %dma_wait3A_600 = tpu.memref_slice %arg3[%dma_wait3A_598, %dma_wait3A_599] : memref<1000000x64xf32, #tpu.memory_space<hbm>> -> memref<1000000x64xf32, #tpu.memory_space<hbm>>
    tpu.wait_indirect_dma semaphore(%arg8 : memref<!tpu.dma_semaphore, #tpu.memory_space<semaphore_mem>>) src(%dma_wait3A_600 : memref<1000000x64xf32, #tpu.memory_space<hbm>>) dst(%dma_wait3A_594 : memref<128x64xf32, #tpu.memory_space<vmem>>)
    %add3A_601 = arith.constant 2560 : i32
    %add3A_602 = arith.addi %mul3A_2, %add3A_601 : i32
    %dma_start3A_603 = arith.constant 0 : i32
    %dma_start3A_604 = tpu.memref_slice %arg4[%add3A_602, %dma_start3A_603] : memref<204800x128xf32, #tpu.memory_space<hbm>> -> memref<640x64xf32, #tpu.memory_space<hbm>>
    %dma_start3A_605 = arith.constant 0 : i32
    %dma_start3A_606 = tpu.memref_slice %arg4[%add3A_602, %dma_start3A_605] : memref<204800x128xf32, #tpu.memory_space<hbm>> -> memref<640x64xf32, #tpu.memory_space<hbm>>
    tpu.enqueue_dma source(%arg6 : memref<640x64xf32, #tpu.memory_space<vmem>>) target(%dma_start3A_606 : memref<640x64xf32, #tpu.memory_space<hbm>>) target_semaphore(%arg10 : memref<!tpu.dma_semaphore, #tpu.memory_space<semaphore_mem>>)
    %add3A_607 = arith.constant 2560 : i32
    %add3A_608 = arith.addi %mul3A_2, %add3A_607 : i32
    %dma_wait3A_609 = arith.constant 0 : i32
    %dma_wait3A_610 = tpu.memref_slice %arg4[%add3A_608, %dma_wait3A_609] : memref<204800x128xf32, #tpu.memory_space<hbm>> -> memref<640x64xf32, #tpu.memory_space<hbm>>
    %dma_wait3A_611 = arith.constant 0 : i32
    %dma_wait3A_612 = tpu.memref_slice %arg4[%add3A_608, %dma_wait3A_611] : memref<204800x128xf32, #tpu.memory_space<hbm>> -> memref<640x64xf32, #tpu.memory_space<hbm>>
    tpu.wait_dma2 semaphore(%arg10 : memref<!tpu.dma_semaphore, #tpu.memory_space<semaphore_mem>>) src(%arg6 : memref<640x64xf32, #tpu.memory_space<vmem>>) dst(%dma_wait3A_612 : memref<640x64xf32, #tpu.memory_space<hbm>>)
    %dma_start3A_613 = arith.constant 30 : i32
    %dma_start3A_614 = arith.constant 0 : i32
    %dma_start3A_615 = arith.constant 0 : i32
    %dma_start3A_616 = tpu.memref_slice %arg6[%dma_start3A_614, %dma_start3A_615] : memref<640x64xf32, #tpu.memory_space<vmem>> -> memref<128x64xf32, #tpu.memory_space<vmem>>
    %dma_start3A_617 = arith.constant 0 : i32
    %dma_start3A_618 = tpu.memref_slice %arg5[%dma_start3A_613, %dma_start3A_617] : memref<50x128xi32, #tpu.memory_space<vmem>> -> memref<1x128xi32, #tpu.memory_space<vmem>>
    %dma_start3A_619 = tpu.memref_squeeze %dma_start3A_618 : memref<1x128xi32, #tpu.memory_space<vmem>> -> memref<128xi32, #tpu.memory_space<vmem>>
    %dma_start3A_620 = arith.constant 0 : i32
    %dma_start3A_621 = arith.constant 0 : i32
    %dma_start3A_622 = tpu.memref_slice %arg3[%dma_start3A_620, %dma_start3A_621] : memref<1000000x64xf32, #tpu.memory_space<hbm>> -> memref<1000000x64xf32, #tpu.memory_space<hbm>>
    tpu.enqueue_indirect_dma source(%dma_start3A_622 : memref<1000000x64xf32, #tpu.memory_space<hbm>>) target(%dma_start3A_616 : memref<128x64xf32, #tpu.memory_space<vmem>>) offsets(%dma_start3A_619 : memref<128xi32, #tpu.memory_space<vmem>>) semaphore(%arg8 : memref<!tpu.dma_semaphore, #tpu.memory_space<semaphore_mem>>)
    %dma_start3A_623 = arith.constant 31 : i32
    %dma_start3A_624 = arith.constant 128 : i32
    %dma_start3A_625 = arith.constant 0 : i32
    %dma_start3A_626 = tpu.memref_slice %arg6[%dma_start3A_624, %dma_start3A_625] : memref<640x64xf32, #tpu.memory_space<vmem>> -> memref<128x64xf32, #tpu.memory_space<vmem>>
    %dma_start3A_627 = arith.constant 0 : i32
    %dma_start3A_628 = tpu.memref_slice %arg5[%dma_start3A_623, %dma_start3A_627] : memref<50x128xi32, #tpu.memory_space<vmem>> -> memref<1x128xi32, #tpu.memory_space<vmem>>
    %dma_start3A_629 = tpu.memref_squeeze %dma_start3A_628 : memref<1x128xi32, #tpu.memory_space<vmem>> -> memref<128xi32, #tpu.memory_space<vmem>>
    %dma_start3A_630 = arith.constant 0 : i32
    %dma_start3A_631 = arith.constant 0 : i32
    %dma_start3A_632 = tpu.memref_slice %arg3[%dma_start3A_630, %dma_start3A_631] : memref<1000000x64xf32, #tpu.memory_space<hbm>> -> memref<1000000x64xf32, #tpu.memory_space<hbm>>
    tpu.enqueue_indirect_dma source(%dma_start3A_632 : memref<1000000x64xf32, #tpu.memory_space<hbm>>) target(%dma_start3A_626 : memref<128x64xf32, #tpu.memory_space<vmem>>) offsets(%dma_start3A_629 : memref<128xi32, #tpu.memory_space<vmem>>) semaphore(%arg8 : memref<!tpu.dma_semaphore, #tpu.memory_space<semaphore_mem>>)
    %dma_start3A_633 = arith.constant 32 : i32
    %dma_start3A_634 = arith.constant 256 : i32
    %dma_start3A_635 = arith.constant 0 : i32
    %dma_start3A_636 = tpu.memref_slice %arg6[%dma_start3A_634, %dma_start3A_635] : memref<640x64xf32, #tpu.memory_space<vmem>> -> memref<128x64xf32, #tpu.memory_space<vmem>>
    %dma_start3A_637 = arith.constant 0 : i32
    %dma_start3A_638 = tpu.memref_slice %arg5[%dma_start3A_633, %dma_start3A_637] : memref<50x128xi32, #tpu.memory_space<vmem>> -> memref<1x128xi32, #tpu.memory_space<vmem>>
    %dma_start3A_639 = tpu.memref_squeeze %dma_start3A_638 : memref<1x128xi32, #tpu.memory_space<vmem>> -> memref<128xi32, #tpu.memory_space<vmem>>
    %dma_start3A_640 = arith.constant 0 : i32
    %dma_start3A_641 = arith.constant 0 : i32
    %dma_start3A_642 = tpu.memref_slice %arg3[%dma_start3A_640, %dma_start3A_641] : memref<1000000x64xf32, #tpu.memory_space<hbm>> -> memref<1000000x64xf32, #tpu.memory_space<hbm>>
    tpu.enqueue_indirect_dma source(%dma_start3A_642 : memref<1000000x64xf32, #tpu.memory_space<hbm>>) target(%dma_start3A_636 : memref<128x64xf32, #tpu.memory_space<vmem>>) offsets(%dma_start3A_639 : memref<128xi32, #tpu.memory_space<vmem>>) semaphore(%arg8 : memref<!tpu.dma_semaphore, #tpu.memory_space<semaphore_mem>>)
    %dma_start3A_643 = arith.constant 33 : i32
    %dma_start3A_644 = arith.constant 384 : i32
    %dma_start3A_645 = arith.constant 0 : i32
    %dma_start3A_646 = tpu.memref_slice %arg6[%dma_start3A_644, %dma_start3A_645] : memref<640x64xf32, #tpu.memory_space<vmem>> -> memref<128x64xf32, #tpu.memory_space<vmem>>
    %dma_start3A_647 = arith.constant 0 : i32
    %dma_start3A_648 = tpu.memref_slice %arg5[%dma_start3A_643, %dma_start3A_647] : memref<50x128xi32, #tpu.memory_space<vmem>> -> memref<1x128xi32, #tpu.memory_space<vmem>>
    %dma_start3A_649 = tpu.memref_squeeze %dma_start3A_648 : memref<1x128xi32, #tpu.memory_space<vmem>> -> memref<128xi32, #tpu.memory_space<vmem>>
    %dma_start3A_650 = arith.constant 0 : i32
    %dma_start3A_651 = arith.constant 0 : i32
    %dma_start3A_652 = tpu.memref_slice %arg3[%dma_start3A_650, %dma_start3A_651] : memref<1000000x64xf32, #tpu.memory_space<hbm>> -> memref<1000000x64xf32, #tpu.memory_space<hbm>>
    tpu.enqueue_indirect_dma source(%dma_start3A_652 : memref<1000000x64xf32, #tpu.memory_space<hbm>>) target(%dma_start3A_646 : memref<128x64xf32, #tpu.memory_space<vmem>>) offsets(%dma_start3A_649 : memref<128xi32, #tpu.memory_space<vmem>>) semaphore(%arg8 : memref<!tpu.dma_semaphore, #tpu.memory_space<semaphore_mem>>)
    %dma_start3A_653 = arith.constant 34 : i32
    %dma_start3A_654 = arith.constant 512 : i32
    %dma_start3A_655 = arith.constant 0 : i32
    %dma_start3A_656 = tpu.memref_slice %arg6[%dma_start3A_654, %dma_start3A_655] : memref<640x64xf32, #tpu.memory_space<vmem>> -> memref<128x64xf32, #tpu.memory_space<vmem>>
    %dma_start3A_657 = arith.constant 0 : i32
    %dma_start3A_658 = tpu.memref_slice %arg5[%dma_start3A_653, %dma_start3A_657] : memref<50x128xi32, #tpu.memory_space<vmem>> -> memref<1x128xi32, #tpu.memory_space<vmem>>
    %dma_start3A_659 = tpu.memref_squeeze %dma_start3A_658 : memref<1x128xi32, #tpu.memory_space<vmem>> -> memref<128xi32, #tpu.memory_space<vmem>>
    %dma_start3A_660 = arith.constant 0 : i32
    %dma_start3A_661 = arith.constant 0 : i32
    %dma_start3A_662 = tpu.memref_slice %arg3[%dma_start3A_660, %dma_start3A_661] : memref<1000000x64xf32, #tpu.memory_space<hbm>> -> memref<1000000x64xf32, #tpu.memory_space<hbm>>
    tpu.enqueue_indirect_dma source(%dma_start3A_662 : memref<1000000x64xf32, #tpu.memory_space<hbm>>) target(%dma_start3A_656 : memref<128x64xf32, #tpu.memory_space<vmem>>) offsets(%dma_start3A_659 : memref<128xi32, #tpu.memory_space<vmem>>) semaphore(%arg8 : memref<!tpu.dma_semaphore, #tpu.memory_space<semaphore_mem>>)
    %dma_wait3A_663 = arith.constant 25 : i32
    %dma_wait3A_664 = arith.constant 0 : i32
    %dma_wait3A_665 = arith.constant 0 : i32
    %dma_wait3A_666 = tpu.memref_slice %arg7[%dma_wait3A_664, %dma_wait3A_665] : memref<640x64xf32, #tpu.memory_space<vmem>> -> memref<128x64xf32, #tpu.memory_space<vmem>>
    %dma_wait3A_667 = arith.constant 0 : i32
    %dma_wait3A_668 = tpu.memref_slice %arg5[%dma_wait3A_663, %dma_wait3A_667] : memref<50x128xi32, #tpu.memory_space<vmem>> -> memref<1x128xi32, #tpu.memory_space<vmem>>
    %dma_wait3A_669 = tpu.memref_squeeze %dma_wait3A_668 : memref<1x128xi32, #tpu.memory_space<vmem>> -> memref<128xi32, #tpu.memory_space<vmem>>
    %dma_wait3A_670 = arith.constant 0 : i32
    %dma_wait3A_671 = arith.constant 0 : i32
    %dma_wait3A_672 = tpu.memref_slice %arg3[%dma_wait3A_670, %dma_wait3A_671] : memref<1000000x64xf32, #tpu.memory_space<hbm>> -> memref<1000000x64xf32, #tpu.memory_space<hbm>>
    tpu.wait_indirect_dma semaphore(%arg9 : memref<!tpu.dma_semaphore, #tpu.memory_space<semaphore_mem>>) src(%dma_wait3A_672 : memref<1000000x64xf32, #tpu.memory_space<hbm>>) dst(%dma_wait3A_666 : memref<128x64xf32, #tpu.memory_space<vmem>>)
    %dma_wait3A_673 = arith.constant 26 : i32
    %dma_wait3A_674 = arith.constant 128 : i32
    %dma_wait3A_675 = arith.constant 0 : i32
    %dma_wait3A_676 = tpu.memref_slice %arg7[%dma_wait3A_674, %dma_wait3A_675] : memref<640x64xf32, #tpu.memory_space<vmem>> -> memref<128x64xf32, #tpu.memory_space<vmem>>
    %dma_wait3A_677 = arith.constant 0 : i32
    %dma_wait3A_678 = tpu.memref_slice %arg5[%dma_wait3A_673, %dma_wait3A_677] : memref<50x128xi32, #tpu.memory_space<vmem>> -> memref<1x128xi32, #tpu.memory_space<vmem>>
    %dma_wait3A_679 = tpu.memref_squeeze %dma_wait3A_678 : memref<1x128xi32, #tpu.memory_space<vmem>> -> memref<128xi32, #tpu.memory_space<vmem>>
    %dma_wait3A_680 = arith.constant 0 : i32
    %dma_wait3A_681 = arith.constant 0 : i32
    %dma_wait3A_682 = tpu.memref_slice %arg3[%dma_wait3A_680, %dma_wait3A_681] : memref<1000000x64xf32, #tpu.memory_space<hbm>> -> memref<1000000x64xf32, #tpu.memory_space<hbm>>
    tpu.wait_indirect_dma semaphore(%arg9 : memref<!tpu.dma_semaphore, #tpu.memory_space<semaphore_mem>>) src(%dma_wait3A_682 : memref<1000000x64xf32, #tpu.memory_space<hbm>>) dst(%dma_wait3A_676 : memref<128x64xf32, #tpu.memory_space<vmem>>)
    %dma_wait3A_683 = arith.constant 27 : i32
    %dma_wait3A_684 = arith.constant 256 : i32
    %dma_wait3A_685 = arith.constant 0 : i32
    %dma_wait3A_686 = tpu.memref_slice %arg7[%dma_wait3A_684, %dma_wait3A_685] : memref<640x64xf32, #tpu.memory_space<vmem>> -> memref<128x64xf32, #tpu.memory_space<vmem>>
    %dma_wait3A_687 = arith.constant 0 : i32
    %dma_wait3A_688 = tpu.memref_slice %arg5[%dma_wait3A_683, %dma_wait3A_687] : memref<50x128xi32, #tpu.memory_space<vmem>> -> memref<1x128xi32, #tpu.memory_space<vmem>>
    %dma_wait3A_689 = tpu.memref_squeeze %dma_wait3A_688 : memref<1x128xi32, #tpu.memory_space<vmem>> -> memref<128xi32, #tpu.memory_space<vmem>>
    %dma_wait3A_690 = arith.constant 0 : i32
    %dma_wait3A_691 = arith.constant 0 : i32
    %dma_wait3A_692 = tpu.memref_slice %arg3[%dma_wait3A_690, %dma_wait3A_691] : memref<1000000x64xf32, #tpu.memory_space<hbm>> -> memref<1000000x64xf32, #tpu.memory_space<hbm>>
    tpu.wait_indirect_dma semaphore(%arg9 : memref<!tpu.dma_semaphore, #tpu.memory_space<semaphore_mem>>) src(%dma_wait3A_692 : memref<1000000x64xf32, #tpu.memory_space<hbm>>) dst(%dma_wait3A_686 : memref<128x64xf32, #tpu.memory_space<vmem>>)
    %dma_wait3A_693 = arith.constant 28 : i32
    %dma_wait3A_694 = arith.constant 384 : i32
    %dma_wait3A_695 = arith.constant 0 : i32
    %dma_wait3A_696 = tpu.memref_slice %arg7[%dma_wait3A_694, %dma_wait3A_695] : memref<640x64xf32, #tpu.memory_space<vmem>> -> memref<128x64xf32, #tpu.memory_space<vmem>>
    %dma_wait3A_697 = arith.constant 0 : i32
    %dma_wait3A_698 = tpu.memref_slice %arg5[%dma_wait3A_693, %dma_wait3A_697] : memref<50x128xi32, #tpu.memory_space<vmem>> -> memref<1x128xi32, #tpu.memory_space<vmem>>
    %dma_wait3A_699 = tpu.memref_squeeze %dma_wait3A_698 : memref<1x128xi32, #tpu.memory_space<vmem>> -> memref<128xi32, #tpu.memory_space<vmem>>
    %dma_wait3A_700 = arith.constant 0 : i32
    %dma_wait3A_701 = arith.constant 0 : i32
    %dma_wait3A_702 = tpu.memref_slice %arg3[%dma_wait3A_700, %dma_wait3A_701] : memref<1000000x64xf32, #tpu.memory_space<hbm>> -> memref<1000000x64xf32, #tpu.memory_space<hbm>>
    tpu.wait_indirect_dma semaphore(%arg9 : memref<!tpu.dma_semaphore, #tpu.memory_space<semaphore_mem>>) src(%dma_wait3A_702 : memref<1000000x64xf32, #tpu.memory_space<hbm>>) dst(%dma_wait3A_696 : memref<128x64xf32, #tpu.memory_space<vmem>>)
    %dma_wait3A_703 = arith.constant 29 : i32
    %dma_wait3A_704 = arith.constant 512 : i32
    %dma_wait3A_705 = arith.constant 0 : i32
    %dma_wait3A_706 = tpu.memref_slice %arg7[%dma_wait3A_704, %dma_wait3A_705] : memref<640x64xf32, #tpu.memory_space<vmem>> -> memref<128x64xf32, #tpu.memory_space<vmem>>
    %dma_wait3A_707 = arith.constant 0 : i32
    %dma_wait3A_708 = tpu.memref_slice %arg5[%dma_wait3A_703, %dma_wait3A_707] : memref<50x128xi32, #tpu.memory_space<vmem>> -> memref<1x128xi32, #tpu.memory_space<vmem>>
    %dma_wait3A_709 = tpu.memref_squeeze %dma_wait3A_708 : memref<1x128xi32, #tpu.memory_space<vmem>> -> memref<128xi32, #tpu.memory_space<vmem>>
    %dma_wait3A_710 = arith.constant 0 : i32
    %dma_wait3A_711 = arith.constant 0 : i32
    %dma_wait3A_712 = tpu.memref_slice %arg3[%dma_wait3A_710, %dma_wait3A_711] : memref<1000000x64xf32, #tpu.memory_space<hbm>> -> memref<1000000x64xf32, #tpu.memory_space<hbm>>
    tpu.wait_indirect_dma semaphore(%arg9 : memref<!tpu.dma_semaphore, #tpu.memory_space<semaphore_mem>>) src(%dma_wait3A_712 : memref<1000000x64xf32, #tpu.memory_space<hbm>>) dst(%dma_wait3A_706 : memref<128x64xf32, #tpu.memory_space<vmem>>)
    %add3A_713 = arith.constant 3200 : i32
    %add3A_714 = arith.addi %mul3A_2, %add3A_713 : i32
    %dma_start3A_715 = arith.constant 0 : i32
    %dma_start3A_716 = tpu.memref_slice %arg4[%add3A_714, %dma_start3A_715] : memref<204800x128xf32, #tpu.memory_space<hbm>> -> memref<640x64xf32, #tpu.memory_space<hbm>>
    %dma_start3A_717 = arith.constant 0 : i32
    %dma_start3A_718 = tpu.memref_slice %arg4[%add3A_714, %dma_start3A_717] : memref<204800x128xf32, #tpu.memory_space<hbm>> -> memref<640x64xf32, #tpu.memory_space<hbm>>
    tpu.enqueue_dma source(%arg7 : memref<640x64xf32, #tpu.memory_space<vmem>>) target(%dma_start3A_718 : memref<640x64xf32, #tpu.memory_space<hbm>>) target_semaphore(%arg11 : memref<!tpu.dma_semaphore, #tpu.memory_space<semaphore_mem>>)
    %add3A_719 = arith.constant 3200 : i32
    %add3A_720 = arith.addi %mul3A_2, %add3A_719 : i32
    %dma_wait3A_721 = arith.constant 0 : i32
    %dma_wait3A_722 = tpu.memref_slice %arg4[%add3A_720, %dma_wait3A_721] : memref<204800x128xf32, #tpu.memory_space<hbm>> -> memref<640x64xf32, #tpu.memory_space<hbm>>
    %dma_wait3A_723 = arith.constant 0 : i32
    %dma_wait3A_724 = tpu.memref_slice %arg4[%add3A_720, %dma_wait3A_723] : memref<204800x128xf32, #tpu.memory_space<hbm>> -> memref<640x64xf32, #tpu.memory_space<hbm>>
    tpu.wait_dma2 semaphore(%arg11 : memref<!tpu.dma_semaphore, #tpu.memory_space<semaphore_mem>>) src(%arg7 : memref<640x64xf32, #tpu.memory_space<vmem>>) dst(%dma_wait3A_724 : memref<640x64xf32, #tpu.memory_space<hbm>>)
    %dma_start3A_725 = arith.constant 35 : i32
    %dma_start3A_726 = arith.constant 0 : i32
    %dma_start3A_727 = arith.constant 0 : i32
    %dma_start3A_728 = tpu.memref_slice %arg7[%dma_start3A_726, %dma_start3A_727] : memref<640x64xf32, #tpu.memory_space<vmem>> -> memref<128x64xf32, #tpu.memory_space<vmem>>
    %dma_start3A_729 = arith.constant 0 : i32
    %dma_start3A_730 = tpu.memref_slice %arg5[%dma_start3A_725, %dma_start3A_729] : memref<50x128xi32, #tpu.memory_space<vmem>> -> memref<1x128xi32, #tpu.memory_space<vmem>>
    %dma_start3A_731 = tpu.memref_squeeze %dma_start3A_730 : memref<1x128xi32, #tpu.memory_space<vmem>> -> memref<128xi32, #tpu.memory_space<vmem>>
    %dma_start3A_732 = arith.constant 0 : i32
    %dma_start3A_733 = arith.constant 0 : i32
    %dma_start3A_734 = tpu.memref_slice %arg3[%dma_start3A_732, %dma_start3A_733] : memref<1000000x64xf32, #tpu.memory_space<hbm>> -> memref<1000000x64xf32, #tpu.memory_space<hbm>>
    tpu.enqueue_indirect_dma source(%dma_start3A_734 : memref<1000000x64xf32, #tpu.memory_space<hbm>>) target(%dma_start3A_728 : memref<128x64xf32, #tpu.memory_space<vmem>>) offsets(%dma_start3A_731 : memref<128xi32, #tpu.memory_space<vmem>>) semaphore(%arg9 : memref<!tpu.dma_semaphore, #tpu.memory_space<semaphore_mem>>)
    %dma_start3A_735 = arith.constant 36 : i32
    %dma_start3A_736 = arith.constant 128 : i32
    %dma_start3A_737 = arith.constant 0 : i32
    %dma_start3A_738 = tpu.memref_slice %arg7[%dma_start3A_736, %dma_start3A_737] : memref<640x64xf32, #tpu.memory_space<vmem>> -> memref<128x64xf32, #tpu.memory_space<vmem>>
    %dma_start3A_739 = arith.constant 0 : i32
    %dma_start3A_740 = tpu.memref_slice %arg5[%dma_start3A_735, %dma_start3A_739] : memref<50x128xi32, #tpu.memory_space<vmem>> -> memref<1x128xi32, #tpu.memory_space<vmem>>
    %dma_start3A_741 = tpu.memref_squeeze %dma_start3A_740 : memref<1x128xi32, #tpu.memory_space<vmem>> -> memref<128xi32, #tpu.memory_space<vmem>>
    %dma_start3A_742 = arith.constant 0 : i32
    %dma_start3A_743 = arith.constant 0 : i32
    %dma_start3A_744 = tpu.memref_slice %arg3[%dma_start3A_742, %dma_start3A_743] : memref<1000000x64xf32, #tpu.memory_space<hbm>> -> memref<1000000x64xf32, #tpu.memory_space<hbm>>
    tpu.enqueue_indirect_dma source(%dma_start3A_744 : memref<1000000x64xf32, #tpu.memory_space<hbm>>) target(%dma_start3A_738 : memref<128x64xf32, #tpu.memory_space<vmem>>) offsets(%dma_start3A_741 : memref<128xi32, #tpu.memory_space<vmem>>) semaphore(%arg9 : memref<!tpu.dma_semaphore, #tpu.memory_space<semaphore_mem>>)
    %dma_start3A_745 = arith.constant 37 : i32
    %dma_start3A_746 = arith.constant 256 : i32
    %dma_start3A_747 = arith.constant 0 : i32
    %dma_start3A_748 = tpu.memref_slice %arg7[%dma_start3A_746, %dma_start3A_747] : memref<640x64xf32, #tpu.memory_space<vmem>> -> memref<128x64xf32, #tpu.memory_space<vmem>>
    %dma_start3A_749 = arith.constant 0 : i32
    %dma_start3A_750 = tpu.memref_slice %arg5[%dma_start3A_745, %dma_start3A_749] : memref<50x128xi32, #tpu.memory_space<vmem>> -> memref<1x128xi32, #tpu.memory_space<vmem>>
    %dma_start3A_751 = tpu.memref_squeeze %dma_start3A_750 : memref<1x128xi32, #tpu.memory_space<vmem>> -> memref<128xi32, #tpu.memory_space<vmem>>
    %dma_start3A_752 = arith.constant 0 : i32
    %dma_start3A_753 = arith.constant 0 : i32
    %dma_start3A_754 = tpu.memref_slice %arg3[%dma_start3A_752, %dma_start3A_753] : memref<1000000x64xf32, #tpu.memory_space<hbm>> -> memref<1000000x64xf32, #tpu.memory_space<hbm>>
    tpu.enqueue_indirect_dma source(%dma_start3A_754 : memref<1000000x64xf32, #tpu.memory_space<hbm>>) target(%dma_start3A_748 : memref<128x64xf32, #tpu.memory_space<vmem>>) offsets(%dma_start3A_751 : memref<128xi32, #tpu.memory_space<vmem>>) semaphore(%arg9 : memref<!tpu.dma_semaphore, #tpu.memory_space<semaphore_mem>>)
    %dma_start3A_755 = arith.constant 38 : i32
    %dma_start3A_756 = arith.constant 384 : i32
    %dma_start3A_757 = arith.constant 0 : i32
    %dma_start3A_758 = tpu.memref_slice %arg7[%dma_start3A_756, %dma_start3A_757] : memref<640x64xf32, #tpu.memory_space<vmem>> -> memref<128x64xf32, #tpu.memory_space<vmem>>
    %dma_start3A_759 = arith.constant 0 : i32
    %dma_start3A_760 = tpu.memref_slice %arg5[%dma_start3A_755, %dma_start3A_759] : memref<50x128xi32, #tpu.memory_space<vmem>> -> memref<1x128xi32, #tpu.memory_space<vmem>>
    %dma_start3A_761 = tpu.memref_squeeze %dma_start3A_760 : memref<1x128xi32, #tpu.memory_space<vmem>> -> memref<128xi32, #tpu.memory_space<vmem>>
    %dma_start3A_762 = arith.constant 0 : i32
    %dma_start3A_763 = arith.constant 0 : i32
    %dma_start3A_764 = tpu.memref_slice %arg3[%dma_start3A_762, %dma_start3A_763] : memref<1000000x64xf32, #tpu.memory_space<hbm>> -> memref<1000000x64xf32, #tpu.memory_space<hbm>>
    tpu.enqueue_indirect_dma source(%dma_start3A_764 : memref<1000000x64xf32, #tpu.memory_space<hbm>>) target(%dma_start3A_758 : memref<128x64xf32, #tpu.memory_space<vmem>>) offsets(%dma_start3A_761 : memref<128xi32, #tpu.memory_space<vmem>>) semaphore(%arg9 : memref<!tpu.dma_semaphore, #tpu.memory_space<semaphore_mem>>)
    %dma_start3A_765 = arith.constant 39 : i32
    %dma_start3A_766 = arith.constant 512 : i32
    %dma_start3A_767 = arith.constant 0 : i32
    %dma_start3A_768 = tpu.memref_slice %arg7[%dma_start3A_766, %dma_start3A_767] : memref<640x64xf32, #tpu.memory_space<vmem>> -> memref<128x64xf32, #tpu.memory_space<vmem>>
    %dma_start3A_769 = arith.constant 0 : i32
    %dma_start3A_770 = tpu.memref_slice %arg5[%dma_start3A_765, %dma_start3A_769] : memref<50x128xi32, #tpu.memory_space<vmem>> -> memref<1x128xi32, #tpu.memory_space<vmem>>
    %dma_start3A_771 = tpu.memref_squeeze %dma_start3A_770 : memref<1x128xi32, #tpu.memory_space<vmem>> -> memref<128xi32, #tpu.memory_space<vmem>>
    %dma_start3A_772 = arith.constant 0 : i32
    %dma_start3A_773 = arith.constant 0 : i32
    %dma_start3A_774 = tpu.memref_slice %arg3[%dma_start3A_772, %dma_start3A_773] : memref<1000000x64xf32, #tpu.memory_space<hbm>> -> memref<1000000x64xf32, #tpu.memory_space<hbm>>
    tpu.enqueue_indirect_dma source(%dma_start3A_774 : memref<1000000x64xf32, #tpu.memory_space<hbm>>) target(%dma_start3A_768 : memref<128x64xf32, #tpu.memory_space<vmem>>) offsets(%dma_start3A_771 : memref<128xi32, #tpu.memory_space<vmem>>) semaphore(%arg9 : memref<!tpu.dma_semaphore, #tpu.memory_space<semaphore_mem>>)
    %dma_wait3A_775 = arith.constant 30 : i32
    %dma_wait3A_776 = arith.constant 0 : i32
    %dma_wait3A_777 = arith.constant 0 : i32
    %dma_wait3A_778 = tpu.memref_slice %arg6[%dma_wait3A_776, %dma_wait3A_777] : memref<640x64xf32, #tpu.memory_space<vmem>> -> memref<128x64xf32, #tpu.memory_space<vmem>>
    %dma_wait3A_779 = arith.constant 0 : i32
    %dma_wait3A_780 = tpu.memref_slice %arg5[%dma_wait3A_775, %dma_wait3A_779] : memref<50x128xi32, #tpu.memory_space<vmem>> -> memref<1x128xi32, #tpu.memory_space<vmem>>
    %dma_wait3A_781 = tpu.memref_squeeze %dma_wait3A_780 : memref<1x128xi32, #tpu.memory_space<vmem>> -> memref<128xi32, #tpu.memory_space<vmem>>
    %dma_wait3A_782 = arith.constant 0 : i32
    %dma_wait3A_783 = arith.constant 0 : i32
    %dma_wait3A_784 = tpu.memref_slice %arg3[%dma_wait3A_782, %dma_wait3A_783] : memref<1000000x64xf32, #tpu.memory_space<hbm>> -> memref<1000000x64xf32, #tpu.memory_space<hbm>>
    tpu.wait_indirect_dma semaphore(%arg8 : memref<!tpu.dma_semaphore, #tpu.memory_space<semaphore_mem>>) src(%dma_wait3A_784 : memref<1000000x64xf32, #tpu.memory_space<hbm>>) dst(%dma_wait3A_778 : memref<128x64xf32, #tpu.memory_space<vmem>>)
    %dma_wait3A_785 = arith.constant 31 : i32
    %dma_wait3A_786 = arith.constant 128 : i32
    %dma_wait3A_787 = arith.constant 0 : i32
    %dma_wait3A_788 = tpu.memref_slice %arg6[%dma_wait3A_786, %dma_wait3A_787] : memref<640x64xf32, #tpu.memory_space<vmem>> -> memref<128x64xf32, #tpu.memory_space<vmem>>
    %dma_wait3A_789 = arith.constant 0 : i32
    %dma_wait3A_790 = tpu.memref_slice %arg5[%dma_wait3A_785, %dma_wait3A_789] : memref<50x128xi32, #tpu.memory_space<vmem>> -> memref<1x128xi32, #tpu.memory_space<vmem>>
    %dma_wait3A_791 = tpu.memref_squeeze %dma_wait3A_790 : memref<1x128xi32, #tpu.memory_space<vmem>> -> memref<128xi32, #tpu.memory_space<vmem>>
    %dma_wait3A_792 = arith.constant 0 : i32
    %dma_wait3A_793 = arith.constant 0 : i32
    %dma_wait3A_794 = tpu.memref_slice %arg3[%dma_wait3A_792, %dma_wait3A_793] : memref<1000000x64xf32, #tpu.memory_space<hbm>> -> memref<1000000x64xf32, #tpu.memory_space<hbm>>
    tpu.wait_indirect_dma semaphore(%arg8 : memref<!tpu.dma_semaphore, #tpu.memory_space<semaphore_mem>>) src(%dma_wait3A_794 : memref<1000000x64xf32, #tpu.memory_space<hbm>>) dst(%dma_wait3A_788 : memref<128x64xf32, #tpu.memory_space<vmem>>)
    %dma_wait3A_795 = arith.constant 32 : i32
    %dma_wait3A_796 = arith.constant 256 : i32
    %dma_wait3A_797 = arith.constant 0 : i32
    %dma_wait3A_798 = tpu.memref_slice %arg6[%dma_wait3A_796, %dma_wait3A_797] : memref<640x64xf32, #tpu.memory_space<vmem>> -> memref<128x64xf32, #tpu.memory_space<vmem>>
    %dma_wait3A_799 = arith.constant 0 : i32
    %dma_wait3A_800 = tpu.memref_slice %arg5[%dma_wait3A_795, %dma_wait3A_799] : memref<50x128xi32, #tpu.memory_space<vmem>> -> memref<1x128xi32, #tpu.memory_space<vmem>>
    %dma_wait3A_801 = tpu.memref_squeeze %dma_wait3A_800 : memref<1x128xi32, #tpu.memory_space<vmem>> -> memref<128xi32, #tpu.memory_space<vmem>>
    %dma_wait3A_802 = arith.constant 0 : i32
    %dma_wait3A_803 = arith.constant 0 : i32
    %dma_wait3A_804 = tpu.memref_slice %arg3[%dma_wait3A_802, %dma_wait3A_803] : memref<1000000x64xf32, #tpu.memory_space<hbm>> -> memref<1000000x64xf32, #tpu.memory_space<hbm>>
    tpu.wait_indirect_dma semaphore(%arg8 : memref<!tpu.dma_semaphore, #tpu.memory_space<semaphore_mem>>) src(%dma_wait3A_804 : memref<1000000x64xf32, #tpu.memory_space<hbm>>) dst(%dma_wait3A_798 : memref<128x64xf32, #tpu.memory_space<vmem>>)
    %dma_wait3A_805 = arith.constant 33 : i32
    %dma_wait3A_806 = arith.constant 384 : i32
    %dma_wait3A_807 = arith.constant 0 : i32
    %dma_wait3A_808 = tpu.memref_slice %arg6[%dma_wait3A_806, %dma_wait3A_807] : memref<640x64xf32, #tpu.memory_space<vmem>> -> memref<128x64xf32, #tpu.memory_space<vmem>>
    %dma_wait3A_809 = arith.constant 0 : i32
    %dma_wait3A_810 = tpu.memref_slice %arg5[%dma_wait3A_805, %dma_wait3A_809] : memref<50x128xi32, #tpu.memory_space<vmem>> -> memref<1x128xi32, #tpu.memory_space<vmem>>
    %dma_wait3A_811 = tpu.memref_squeeze %dma_wait3A_810 : memref<1x128xi32, #tpu.memory_space<vmem>> -> memref<128xi32, #tpu.memory_space<vmem>>
    %dma_wait3A_812 = arith.constant 0 : i32
    %dma_wait3A_813 = arith.constant 0 : i32
    %dma_wait3A_814 = tpu.memref_slice %arg3[%dma_wait3A_812, %dma_wait3A_813] : memref<1000000x64xf32, #tpu.memory_space<hbm>> -> memref<1000000x64xf32, #tpu.memory_space<hbm>>
    tpu.wait_indirect_dma semaphore(%arg8 : memref<!tpu.dma_semaphore, #tpu.memory_space<semaphore_mem>>) src(%dma_wait3A_814 : memref<1000000x64xf32, #tpu.memory_space<hbm>>) dst(%dma_wait3A_808 : memref<128x64xf32, #tpu.memory_space<vmem>>)
    %dma_wait3A_815 = arith.constant 34 : i32
    %dma_wait3A_816 = arith.constant 512 : i32
    %dma_wait3A_817 = arith.constant 0 : i32
    %dma_wait3A_818 = tpu.memref_slice %arg6[%dma_wait3A_816, %dma_wait3A_817] : memref<640x64xf32, #tpu.memory_space<vmem>> -> memref<128x64xf32, #tpu.memory_space<vmem>>
    %dma_wait3A_819 = arith.constant 0 : i32
    %dma_wait3A_820 = tpu.memref_slice %arg5[%dma_wait3A_815, %dma_wait3A_819] : memref<50x128xi32, #tpu.memory_space<vmem>> -> memref<1x128xi32, #tpu.memory_space<vmem>>
    %dma_wait3A_821 = tpu.memref_squeeze %dma_wait3A_820 : memref<1x128xi32, #tpu.memory_space<vmem>> -> memref<128xi32, #tpu.memory_space<vmem>>
    %dma_wait3A_822 = arith.constant 0 : i32
    %dma_wait3A_823 = arith.constant 0 : i32
    %dma_wait3A_824 = tpu.memref_slice %arg3[%dma_wait3A_822, %dma_wait3A_823] : memref<1000000x64xf32, #tpu.memory_space<hbm>> -> memref<1000000x64xf32, #tpu.memory_space<hbm>>
    tpu.wait_indirect_dma semaphore(%arg8 : memref<!tpu.dma_semaphore, #tpu.memory_space<semaphore_mem>>) src(%dma_wait3A_824 : memref<1000000x64xf32, #tpu.memory_space<hbm>>) dst(%dma_wait3A_818 : memref<128x64xf32, #tpu.memory_space<vmem>>)
    %add3A_825 = arith.constant 3840 : i32
    %add3A_826 = arith.addi %mul3A_2, %add3A_825 : i32
    %dma_start3A_827 = arith.constant 0 : i32
    %dma_start3A_828 = tpu.memref_slice %arg4[%add3A_826, %dma_start3A_827] : memref<204800x128xf32, #tpu.memory_space<hbm>> -> memref<640x64xf32, #tpu.memory_space<hbm>>
    %dma_start3A_829 = arith.constant 0 : i32
    %dma_start3A_830 = tpu.memref_slice %arg4[%add3A_826, %dma_start3A_829] : memref<204800x128xf32, #tpu.memory_space<hbm>> -> memref<640x64xf32, #tpu.memory_space<hbm>>
    tpu.enqueue_dma source(%arg6 : memref<640x64xf32, #tpu.memory_space<vmem>>) target(%dma_start3A_830 : memref<640x64xf32, #tpu.memory_space<hbm>>) target_semaphore(%arg10 : memref<!tpu.dma_semaphore, #tpu.memory_space<semaphore_mem>>)
    %add3A_831 = arith.constant 3840 : i32
    %add3A_832 = arith.addi %mul3A_2, %add3A_831 : i32
    %dma_wait3A_833 = arith.constant 0 : i32
    %dma_wait3A_834 = tpu.memref_slice %arg4[%add3A_832, %dma_wait3A_833] : memref<204800x128xf32, #tpu.memory_space<hbm>> -> memref<640x64xf32, #tpu.memory_space<hbm>>
    %dma_wait3A_835 = arith.constant 0 : i32
    %dma_wait3A_836 = tpu.memref_slice %arg4[%add3A_832, %dma_wait3A_835] : memref<204800x128xf32, #tpu.memory_space<hbm>> -> memref<640x64xf32, #tpu.memory_space<hbm>>
    tpu.wait_dma2 semaphore(%arg10 : memref<!tpu.dma_semaphore, #tpu.memory_space<semaphore_mem>>) src(%arg6 : memref<640x64xf32, #tpu.memory_space<vmem>>) dst(%dma_wait3A_836 : memref<640x64xf32, #tpu.memory_space<hbm>>)
    %dma_start3A_837 = arith.constant 40 : i32
    %dma_start3A_838 = arith.constant 0 : i32
    %dma_start3A_839 = arith.constant 0 : i32
    %dma_start3A_840 = tpu.memref_slice %arg6[%dma_start3A_838, %dma_start3A_839] : memref<640x64xf32, #tpu.memory_space<vmem>> -> memref<128x64xf32, #tpu.memory_space<vmem>>
    %dma_start3A_841 = arith.constant 0 : i32
    %dma_start3A_842 = tpu.memref_slice %arg5[%dma_start3A_837, %dma_start3A_841] : memref<50x128xi32, #tpu.memory_space<vmem>> -> memref<1x128xi32, #tpu.memory_space<vmem>>
    %dma_start3A_843 = tpu.memref_squeeze %dma_start3A_842 : memref<1x128xi32, #tpu.memory_space<vmem>> -> memref<128xi32, #tpu.memory_space<vmem>>
    %dma_start3A_844 = arith.constant 0 : i32
    %dma_start3A_845 = arith.constant 0 : i32
    %dma_start3A_846 = tpu.memref_slice %arg3[%dma_start3A_844, %dma_start3A_845] : memref<1000000x64xf32, #tpu.memory_space<hbm>> -> memref<1000000x64xf32, #tpu.memory_space<hbm>>
    tpu.enqueue_indirect_dma source(%dma_start3A_846 : memref<1000000x64xf32, #tpu.memory_space<hbm>>) target(%dma_start3A_840 : memref<128x64xf32, #tpu.memory_space<vmem>>) offsets(%dma_start3A_843 : memref<128xi32, #tpu.memory_space<vmem>>) semaphore(%arg8 : memref<!tpu.dma_semaphore, #tpu.memory_space<semaphore_mem>>)
    %dma_start3A_847 = arith.constant 41 : i32
    %dma_start3A_848 = arith.constant 128 : i32
    %dma_start3A_849 = arith.constant 0 : i32
    %dma_start3A_850 = tpu.memref_slice %arg6[%dma_start3A_848, %dma_start3A_849] : memref<640x64xf32, #tpu.memory_space<vmem>> -> memref<128x64xf32, #tpu.memory_space<vmem>>
    %dma_start3A_851 = arith.constant 0 : i32
    %dma_start3A_852 = tpu.memref_slice %arg5[%dma_start3A_847, %dma_start3A_851] : memref<50x128xi32, #tpu.memory_space<vmem>> -> memref<1x128xi32, #tpu.memory_space<vmem>>
    %dma_start3A_853 = tpu.memref_squeeze %dma_start3A_852 : memref<1x128xi32, #tpu.memory_space<vmem>> -> memref<128xi32, #tpu.memory_space<vmem>>
    %dma_start3A_854 = arith.constant 0 : i32
    %dma_start3A_855 = arith.constant 0 : i32
    %dma_start3A_856 = tpu.memref_slice %arg3[%dma_start3A_854, %dma_start3A_855] : memref<1000000x64xf32, #tpu.memory_space<hbm>> -> memref<1000000x64xf32, #tpu.memory_space<hbm>>
    tpu.enqueue_indirect_dma source(%dma_start3A_856 : memref<1000000x64xf32, #tpu.memory_space<hbm>>) target(%dma_start3A_850 : memref<128x64xf32, #tpu.memory_space<vmem>>) offsets(%dma_start3A_853 : memref<128xi32, #tpu.memory_space<vmem>>) semaphore(%arg8 : memref<!tpu.dma_semaphore, #tpu.memory_space<semaphore_mem>>)
    %dma_start3A_857 = arith.constant 42 : i32
    %dma_start3A_858 = arith.constant 256 : i32
    %dma_start3A_859 = arith.constant 0 : i32
    %dma_start3A_860 = tpu.memref_slice %arg6[%dma_start3A_858, %dma_start3A_859] : memref<640x64xf32, #tpu.memory_space<vmem>> -> memref<128x64xf32, #tpu.memory_space<vmem>>
    %dma_start3A_861 = arith.constant 0 : i32
    %dma_start3A_862 = tpu.memref_slice %arg5[%dma_start3A_857, %dma_start3A_861] : memref<50x128xi32, #tpu.memory_space<vmem>> -> memref<1x128xi32, #tpu.memory_space<vmem>>
    %dma_start3A_863 = tpu.memref_squeeze %dma_start3A_862 : memref<1x128xi32, #tpu.memory_space<vmem>> -> memref<128xi32, #tpu.memory_space<vmem>>
    %dma_start3A_864 = arith.constant 0 : i32
    %dma_start3A_865 = arith.constant 0 : i32
    %dma_start3A_866 = tpu.memref_slice %arg3[%dma_start3A_864, %dma_start3A_865] : memref<1000000x64xf32, #tpu.memory_space<hbm>> -> memref<1000000x64xf32, #tpu.memory_space<hbm>>
    tpu.enqueue_indirect_dma source(%dma_start3A_866 : memref<1000000x64xf32, #tpu.memory_space<hbm>>) target(%dma_start3A_860 : memref<128x64xf32, #tpu.memory_space<vmem>>) offsets(%dma_start3A_863 : memref<128xi32, #tpu.memory_space<vmem>>) semaphore(%arg8 : memref<!tpu.dma_semaphore, #tpu.memory_space<semaphore_mem>>)
    %dma_start3A_867 = arith.constant 43 : i32
    %dma_start3A_868 = arith.constant 384 : i32
    %dma_start3A_869 = arith.constant 0 : i32
    %dma_start3A_870 = tpu.memref_slice %arg6[%dma_start3A_868, %dma_start3A_869] : memref<640x64xf32, #tpu.memory_space<vmem>> -> memref<128x64xf32, #tpu.memory_space<vmem>>
    %dma_start3A_871 = arith.constant 0 : i32
    %dma_start3A_872 = tpu.memref_slice %arg5[%dma_start3A_867, %dma_start3A_871] : memref<50x128xi32, #tpu.memory_space<vmem>> -> memref<1x128xi32, #tpu.memory_space<vmem>>
    %dma_start3A_873 = tpu.memref_squeeze %dma_start3A_872 : memref<1x128xi32, #tpu.memory_space<vmem>> -> memref<128xi32, #tpu.memory_space<vmem>>
    %dma_start3A_874 = arith.constant 0 : i32
    %dma_start3A_875 = arith.constant 0 : i32
    %dma_start3A_876 = tpu.memref_slice %arg3[%dma_start3A_874, %dma_start3A_875] : memref<1000000x64xf32, #tpu.memory_space<hbm>> -> memref<1000000x64xf32, #tpu.memory_space<hbm>>
    tpu.enqueue_indirect_dma source(%dma_start3A_876 : memref<1000000x64xf32, #tpu.memory_space<hbm>>) target(%dma_start3A_870 : memref<128x64xf32, #tpu.memory_space<vmem>>) offsets(%dma_start3A_873 : memref<128xi32, #tpu.memory_space<vmem>>) semaphore(%arg8 : memref<!tpu.dma_semaphore, #tpu.memory_space<semaphore_mem>>)
    %dma_start3A_877 = arith.constant 44 : i32
    %dma_start3A_878 = arith.constant 512 : i32
    %dma_start3A_879 = arith.constant 0 : i32
    %dma_start3A_880 = tpu.memref_slice %arg6[%dma_start3A_878, %dma_start3A_879] : memref<640x64xf32, #tpu.memory_space<vmem>> -> memref<128x64xf32, #tpu.memory_space<vmem>>
    %dma_start3A_881 = arith.constant 0 : i32
    %dma_start3A_882 = tpu.memref_slice %arg5[%dma_start3A_877, %dma_start3A_881] : memref<50x128xi32, #tpu.memory_space<vmem>> -> memref<1x128xi32, #tpu.memory_space<vmem>>
    %dma_start3A_883 = tpu.memref_squeeze %dma_start3A_882 : memref<1x128xi32, #tpu.memory_space<vmem>> -> memref<128xi32, #tpu.memory_space<vmem>>
    %dma_start3A_884 = arith.constant 0 : i32
    %dma_start3A_885 = arith.constant 0 : i32
    %dma_start3A_886 = tpu.memref_slice %arg3[%dma_start3A_884, %dma_start3A_885] : memref<1000000x64xf32, #tpu.memory_space<hbm>> -> memref<1000000x64xf32, #tpu.memory_space<hbm>>
    tpu.enqueue_indirect_dma source(%dma_start3A_886 : memref<1000000x64xf32, #tpu.memory_space<hbm>>) target(%dma_start3A_880 : memref<128x64xf32, #tpu.memory_space<vmem>>) offsets(%dma_start3A_883 : memref<128xi32, #tpu.memory_space<vmem>>) semaphore(%arg8 : memref<!tpu.dma_semaphore, #tpu.memory_space<semaphore_mem>>)
    %dma_wait3A_887 = arith.constant 35 : i32
    %dma_wait3A_888 = arith.constant 0 : i32
    %dma_wait3A_889 = arith.constant 0 : i32
    %dma_wait3A_890 = tpu.memref_slice %arg7[%dma_wait3A_888, %dma_wait3A_889] : memref<640x64xf32, #tpu.memory_space<vmem>> -> memref<128x64xf32, #tpu.memory_space<vmem>>
    %dma_wait3A_891 = arith.constant 0 : i32
    %dma_wait3A_892 = tpu.memref_slice %arg5[%dma_wait3A_887, %dma_wait3A_891] : memref<50x128xi32, #tpu.memory_space<vmem>> -> memref<1x128xi32, #tpu.memory_space<vmem>>
    %dma_wait3A_893 = tpu.memref_squeeze %dma_wait3A_892 : memref<1x128xi32, #tpu.memory_space<vmem>> -> memref<128xi32, #tpu.memory_space<vmem>>
    %dma_wait3A_894 = arith.constant 0 : i32
    %dma_wait3A_895 = arith.constant 0 : i32
    %dma_wait3A_896 = tpu.memref_slice %arg3[%dma_wait3A_894, %dma_wait3A_895] : memref<1000000x64xf32, #tpu.memory_space<hbm>> -> memref<1000000x64xf32, #tpu.memory_space<hbm>>
    tpu.wait_indirect_dma semaphore(%arg9 : memref<!tpu.dma_semaphore, #tpu.memory_space<semaphore_mem>>) src(%dma_wait3A_896 : memref<1000000x64xf32, #tpu.memory_space<hbm>>) dst(%dma_wait3A_890 : memref<128x64xf32, #tpu.memory_space<vmem>>)
    %dma_wait3A_897 = arith.constant 36 : i32
    %dma_wait3A_898 = arith.constant 128 : i32
    %dma_wait3A_899 = arith.constant 0 : i32
    %dma_wait3A_900 = tpu.memref_slice %arg7[%dma_wait3A_898, %dma_wait3A_899] : memref<640x64xf32, #tpu.memory_space<vmem>> -> memref<128x64xf32, #tpu.memory_space<vmem>>
    %dma_wait3A_901 = arith.constant 0 : i32
    %dma_wait3A_902 = tpu.memref_slice %arg5[%dma_wait3A_897, %dma_wait3A_901] : memref<50x128xi32, #tpu.memory_space<vmem>> -> memref<1x128xi32, #tpu.memory_space<vmem>>
    %dma_wait3A_903 = tpu.memref_squeeze %dma_wait3A_902 : memref<1x128xi32, #tpu.memory_space<vmem>> -> memref<128xi32, #tpu.memory_space<vmem>>
    %dma_wait3A_904 = arith.constant 0 : i32
    %dma_wait3A_905 = arith.constant 0 : i32
    %dma_wait3A_906 = tpu.memref_slice %arg3[%dma_wait3A_904, %dma_wait3A_905] : memref<1000000x64xf32, #tpu.memory_space<hbm>> -> memref<1000000x64xf32, #tpu.memory_space<hbm>>
    tpu.wait_indirect_dma semaphore(%arg9 : memref<!tpu.dma_semaphore, #tpu.memory_space<semaphore_mem>>) src(%dma_wait3A_906 : memref<1000000x64xf32, #tpu.memory_space<hbm>>) dst(%dma_wait3A_900 : memref<128x64xf32, #tpu.memory_space<vmem>>)
    %dma_wait3A_907 = arith.constant 37 : i32
    %dma_wait3A_908 = arith.constant 256 : i32
    %dma_wait3A_909 = arith.constant 0 : i32
    %dma_wait3A_910 = tpu.memref_slice %arg7[%dma_wait3A_908, %dma_wait3A_909] : memref<640x64xf32, #tpu.memory_space<vmem>> -> memref<128x64xf32, #tpu.memory_space<vmem>>
    %dma_wait3A_911 = arith.constant 0 : i32
    %dma_wait3A_912 = tpu.memref_slice %arg5[%dma_wait3A_907, %dma_wait3A_911] : memref<50x128xi32, #tpu.memory_space<vmem>> -> memref<1x128xi32, #tpu.memory_space<vmem>>
    %dma_wait3A_913 = tpu.memref_squeeze %dma_wait3A_912 : memref<1x128xi32, #tpu.memory_space<vmem>> -> memref<128xi32, #tpu.memory_space<vmem>>
    %dma_wait3A_914 = arith.constant 0 : i32
    %dma_wait3A_915 = arith.constant 0 : i32
    %dma_wait3A_916 = tpu.memref_slice %arg3[%dma_wait3A_914, %dma_wait3A_915] : memref<1000000x64xf32, #tpu.memory_space<hbm>> -> memref<1000000x64xf32, #tpu.memory_space<hbm>>
    tpu.wait_indirect_dma semaphore(%arg9 : memref<!tpu.dma_semaphore, #tpu.memory_space<semaphore_mem>>) src(%dma_wait3A_916 : memref<1000000x64xf32, #tpu.memory_space<hbm>>) dst(%dma_wait3A_910 : memref<128x64xf32, #tpu.memory_space<vmem>>)
    %dma_wait3A_917 = arith.constant 38 : i32
    %dma_wait3A_918 = arith.constant 384 : i32
    %dma_wait3A_919 = arith.constant 0 : i32
    %dma_wait3A_920 = tpu.memref_slice %arg7[%dma_wait3A_918, %dma_wait3A_919] : memref<640x64xf32, #tpu.memory_space<vmem>> -> memref<128x64xf32, #tpu.memory_space<vmem>>
    %dma_wait3A_921 = arith.constant 0 : i32
    %dma_wait3A_922 = tpu.memref_slice %arg5[%dma_wait3A_917, %dma_wait3A_921] : memref<50x128xi32, #tpu.memory_space<vmem>> -> memref<1x128xi32, #tpu.memory_space<vmem>>
    %dma_wait3A_923 = tpu.memref_squeeze %dma_wait3A_922 : memref<1x128xi32, #tpu.memory_space<vmem>> -> memref<128xi32, #tpu.memory_space<vmem>>
    %dma_wait3A_924 = arith.constant 0 : i32
    %dma_wait3A_925 = arith.constant 0 : i32
    %dma_wait3A_926 = tpu.memref_slice %arg3[%dma_wait3A_924, %dma_wait3A_925] : memref<1000000x64xf32, #tpu.memory_space<hbm>> -> memref<1000000x64xf32, #tpu.memory_space<hbm>>
    tpu.wait_indirect_dma semaphore(%arg9 : memref<!tpu.dma_semaphore, #tpu.memory_space<semaphore_mem>>) src(%dma_wait3A_926 : memref<1000000x64xf32, #tpu.memory_space<hbm>>) dst(%dma_wait3A_920 : memref<128x64xf32, #tpu.memory_space<vmem>>)
    %dma_wait3A_927 = arith.constant 39 : i32
    %dma_wait3A_928 = arith.constant 512 : i32
    %dma_wait3A_929 = arith.constant 0 : i32
    %dma_wait3A_930 = tpu.memref_slice %arg7[%dma_wait3A_928, %dma_wait3A_929] : memref<640x64xf32, #tpu.memory_space<vmem>> -> memref<128x64xf32, #tpu.memory_space<vmem>>
    %dma_wait3A_931 = arith.constant 0 : i32
    %dma_wait3A_932 = tpu.memref_slice %arg5[%dma_wait3A_927, %dma_wait3A_931] : memref<50x128xi32, #tpu.memory_space<vmem>> -> memref<1x128xi32, #tpu.memory_space<vmem>>
    %dma_wait3A_933 = tpu.memref_squeeze %dma_wait3A_932 : memref<1x128xi32, #tpu.memory_space<vmem>> -> memref<128xi32, #tpu.memory_space<vmem>>
    %dma_wait3A_934 = arith.constant 0 : i32
    %dma_wait3A_935 = arith.constant 0 : i32
    %dma_wait3A_936 = tpu.memref_slice %arg3[%dma_wait3A_934, %dma_wait3A_935] : memref<1000000x64xf32, #tpu.memory_space<hbm>> -> memref<1000000x64xf32, #tpu.memory_space<hbm>>
    tpu.wait_indirect_dma semaphore(%arg9 : memref<!tpu.dma_semaphore, #tpu.memory_space<semaphore_mem>>) src(%dma_wait3A_936 : memref<1000000x64xf32, #tpu.memory_space<hbm>>) dst(%dma_wait3A_930 : memref<128x64xf32, #tpu.memory_space<vmem>>)
    %add3A_937 = arith.constant 4480 : i32
    %add3A_938 = arith.addi %mul3A_2, %add3A_937 : i32
    %dma_start3A_939 = arith.constant 0 : i32
    %dma_start3A_940 = tpu.memref_slice %arg4[%add3A_938, %dma_start3A_939] : memref<204800x128xf32, #tpu.memory_space<hbm>> -> memref<640x64xf32, #tpu.memory_space<hbm>>
    %dma_start3A_941 = arith.constant 0 : i32
    %dma_start3A_942 = tpu.memref_slice %arg4[%add3A_938, %dma_start3A_941] : memref<204800x128xf32, #tpu.memory_space<hbm>> -> memref<640x64xf32, #tpu.memory_space<hbm>>
    tpu.enqueue_dma source(%arg7 : memref<640x64xf32, #tpu.memory_space<vmem>>) target(%dma_start3A_942 : memref<640x64xf32, #tpu.memory_space<hbm>>) target_semaphore(%arg11 : memref<!tpu.dma_semaphore, #tpu.memory_space<semaphore_mem>>)
    %add3A_943 = arith.constant 4480 : i32
    %add3A_944 = arith.addi %mul3A_2, %add3A_943 : i32
    %dma_wait3A_945 = arith.constant 0 : i32
    %dma_wait3A_946 = tpu.memref_slice %arg4[%add3A_944, %dma_wait3A_945] : memref<204800x128xf32, #tpu.memory_space<hbm>> -> memref<640x64xf32, #tpu.memory_space<hbm>>
    %dma_wait3A_947 = arith.constant 0 : i32
    %dma_wait3A_948 = tpu.memref_slice %arg4[%add3A_944, %dma_wait3A_947] : memref<204800x128xf32, #tpu.memory_space<hbm>> -> memref<640x64xf32, #tpu.memory_space<hbm>>
    tpu.wait_dma2 semaphore(%arg11 : memref<!tpu.dma_semaphore, #tpu.memory_space<semaphore_mem>>) src(%arg7 : memref<640x64xf32, #tpu.memory_space<vmem>>) dst(%dma_wait3A_948 : memref<640x64xf32, #tpu.memory_space<hbm>>)
    %dma_start3A_949 = arith.constant 45 : i32
    %dma_start3A_950 = arith.constant 0 : i32
    %dma_start3A_951 = arith.constant 0 : i32
    %dma_start3A_952 = tpu.memref_slice %arg7[%dma_start3A_950, %dma_start3A_951] : memref<640x64xf32, #tpu.memory_space<vmem>> -> memref<128x64xf32, #tpu.memory_space<vmem>>
    %dma_start3A_953 = arith.constant 0 : i32
    %dma_start3A_954 = tpu.memref_slice %arg5[%dma_start3A_949, %dma_start3A_953] : memref<50x128xi32, #tpu.memory_space<vmem>> -> memref<1x128xi32, #tpu.memory_space<vmem>>
    %dma_start3A_955 = tpu.memref_squeeze %dma_start3A_954 : memref<1x128xi32, #tpu.memory_space<vmem>> -> memref<128xi32, #tpu.memory_space<vmem>>
    %dma_start3A_956 = arith.constant 0 : i32
    %dma_start3A_957 = arith.constant 0 : i32
    %dma_start3A_958 = tpu.memref_slice %arg3[%dma_start3A_956, %dma_start3A_957] : memref<1000000x64xf32, #tpu.memory_space<hbm>> -> memref<1000000x64xf32, #tpu.memory_space<hbm>>
    tpu.enqueue_indirect_dma source(%dma_start3A_958 : memref<1000000x64xf32, #tpu.memory_space<hbm>>) target(%dma_start3A_952 : memref<128x64xf32, #tpu.memory_space<vmem>>) offsets(%dma_start3A_955 : memref<128xi32, #tpu.memory_space<vmem>>) semaphore(%arg9 : memref<!tpu.dma_semaphore, #tpu.memory_space<semaphore_mem>>)
    %dma_start3A_959 = arith.constant 46 : i32
    %dma_start3A_960 = arith.constant 128 : i32
    %dma_start3A_961 = arith.constant 0 : i32
    %dma_start3A_962 = tpu.memref_slice %arg7[%dma_start3A_960, %dma_start3A_961] : memref<640x64xf32, #tpu.memory_space<vmem>> -> memref<128x64xf32, #tpu.memory_space<vmem>>
    %dma_start3A_963 = arith.constant 0 : i32
    %dma_start3A_964 = tpu.memref_slice %arg5[%dma_start3A_959, %dma_start3A_963] : memref<50x128xi32, #tpu.memory_space<vmem>> -> memref<1x128xi32, #tpu.memory_space<vmem>>
    %dma_start3A_965 = tpu.memref_squeeze %dma_start3A_964 : memref<1x128xi32, #tpu.memory_space<vmem>> -> memref<128xi32, #tpu.memory_space<vmem>>
    %dma_start3A_966 = arith.constant 0 : i32
    %dma_start3A_967 = arith.constant 0 : i32
    %dma_start3A_968 = tpu.memref_slice %arg3[%dma_start3A_966, %dma_start3A_967] : memref<1000000x64xf32, #tpu.memory_space<hbm>> -> memref<1000000x64xf32, #tpu.memory_space<hbm>>
    tpu.enqueue_indirect_dma source(%dma_start3A_968 : memref<1000000x64xf32, #tpu.memory_space<hbm>>) target(%dma_start3A_962 : memref<128x64xf32, #tpu.memory_space<vmem>>) offsets(%dma_start3A_965 : memref<128xi32, #tpu.memory_space<vmem>>) semaphore(%arg9 : memref<!tpu.dma_semaphore, #tpu.memory_space<semaphore_mem>>)
    %dma_start3A_969 = arith.constant 47 : i32
    %dma_start3A_970 = arith.constant 256 : i32
    %dma_start3A_971 = arith.constant 0 : i32
    %dma_start3A_972 = tpu.memref_slice %arg7[%dma_start3A_970, %dma_start3A_971] : memref<640x64xf32, #tpu.memory_space<vmem>> -> memref<128x64xf32, #tpu.memory_space<vmem>>
    %dma_start3A_973 = arith.constant 0 : i32
    %dma_start3A_974 = tpu.memref_slice %arg5[%dma_start3A_969, %dma_start3A_973] : memref<50x128xi32, #tpu.memory_space<vmem>> -> memref<1x128xi32, #tpu.memory_space<vmem>>
    %dma_start3A_975 = tpu.memref_squeeze %dma_start3A_974 : memref<1x128xi32, #tpu.memory_space<vmem>> -> memref<128xi32, #tpu.memory_space<vmem>>
    %dma_start3A_976 = arith.constant 0 : i32
    %dma_start3A_977 = arith.constant 0 : i32
    %dma_start3A_978 = tpu.memref_slice %arg3[%dma_start3A_976, %dma_start3A_977] : memref<1000000x64xf32, #tpu.memory_space<hbm>> -> memref<1000000x64xf32, #tpu.memory_space<hbm>>
    tpu.enqueue_indirect_dma source(%dma_start3A_978 : memref<1000000x64xf32, #tpu.memory_space<hbm>>) target(%dma_start3A_972 : memref<128x64xf32, #tpu.memory_space<vmem>>) offsets(%dma_start3A_975 : memref<128xi32, #tpu.memory_space<vmem>>) semaphore(%arg9 : memref<!tpu.dma_semaphore, #tpu.memory_space<semaphore_mem>>)
    %dma_start3A_979 = arith.constant 48 : i32
    %dma_start3A_980 = arith.constant 384 : i32
    %dma_start3A_981 = arith.constant 0 : i32
    %dma_start3A_982 = tpu.memref_slice %arg7[%dma_start3A_980, %dma_start3A_981] : memref<640x64xf32, #tpu.memory_space<vmem>> -> memref<128x64xf32, #tpu.memory_space<vmem>>
    %dma_start3A_983 = arith.constant 0 : i32
    %dma_start3A_984 = tpu.memref_slice %arg5[%dma_start3A_979, %dma_start3A_983] : memref<50x128xi32, #tpu.memory_space<vmem>> -> memref<1x128xi32, #tpu.memory_space<vmem>>
    %dma_start3A_985 = tpu.memref_squeeze %dma_start3A_984 : memref<1x128xi32, #tpu.memory_space<vmem>> -> memref<128xi32, #tpu.memory_space<vmem>>
    %dma_start3A_986 = arith.constant 0 : i32
    %dma_start3A_987 = arith.constant 0 : i32
    %dma_start3A_988 = tpu.memref_slice %arg3[%dma_start3A_986, %dma_start3A_987] : memref<1000000x64xf32, #tpu.memory_space<hbm>> -> memref<1000000x64xf32, #tpu.memory_space<hbm>>
    tpu.enqueue_indirect_dma source(%dma_start3A_988 : memref<1000000x64xf32, #tpu.memory_space<hbm>>) target(%dma_start3A_982 : memref<128x64xf32, #tpu.memory_space<vmem>>) offsets(%dma_start3A_985 : memref<128xi32, #tpu.memory_space<vmem>>) semaphore(%arg9 : memref<!tpu.dma_semaphore, #tpu.memory_space<semaphore_mem>>)
    %dma_start3A_989 = arith.constant 49 : i32
    %dma_start3A_990 = arith.constant 512 : i32
    %dma_start3A_991 = arith.constant 0 : i32
    %dma_start3A_992 = tpu.memref_slice %arg7[%dma_start3A_990, %dma_start3A_991] : memref<640x64xf32, #tpu.memory_space<vmem>> -> memref<128x64xf32, #tpu.memory_space<vmem>>
    %dma_start3A_993 = arith.constant 0 : i32
    %dma_start3A_994 = tpu.memref_slice %arg5[%dma_start3A_989, %dma_start3A_993] : memref<50x128xi32, #tpu.memory_space<vmem>> -> memref<1x128xi32, #tpu.memory_space<vmem>>
    %dma_start3A_995 = tpu.memref_squeeze %dma_start3A_994 : memref<1x128xi32, #tpu.memory_space<vmem>> -> memref<128xi32, #tpu.memory_space<vmem>>
    %dma_start3A_996 = arith.constant 0 : i32
    %dma_start3A_997 = arith.constant 0 : i32
    %dma_start3A_998 = tpu.memref_slice %arg3[%dma_start3A_996, %dma_start3A_997] : memref<1000000x64xf32, #tpu.memory_space<hbm>> -> memref<1000000x64xf32, #tpu.memory_space<hbm>>
    tpu.enqueue_indirect_dma source(%dma_start3A_998 : memref<1000000x64xf32, #tpu.memory_space<hbm>>) target(%dma_start3A_992 : memref<128x64xf32, #tpu.memory_space<vmem>>) offsets(%dma_start3A_995 : memref<128xi32, #tpu.memory_space<vmem>>) semaphore(%arg9 : memref<!tpu.dma_semaphore, #tpu.memory_space<semaphore_mem>>)
    %dma_wait3A_999 = arith.constant 40 : i32
    %dma_wait3A_1000 = arith.constant 0 : i32
    %dma_wait3A_1001 = arith.constant 0 : i32
    %dma_wait3A_1002 = tpu.memref_slice %arg6[%dma_wait3A_1000, %dma_wait3A_1001] : memref<640x64xf32, #tpu.memory_space<vmem>> -> memref<128x64xf32, #tpu.memory_space<vmem>>
    %dma_wait3A_1003 = arith.constant 0 : i32
    %dma_wait3A_1004 = tpu.memref_slice %arg5[%dma_wait3A_999, %dma_wait3A_1003] : memref<50x128xi32, #tpu.memory_space<vmem>> -> memref<1x128xi32, #tpu.memory_space<vmem>>
    %dma_wait3A_1005 = tpu.memref_squeeze %dma_wait3A_1004 : memref<1x128xi32, #tpu.memory_space<vmem>> -> memref<128xi32, #tpu.memory_space<vmem>>
    %dma_wait3A_1006 = arith.constant 0 : i32
    %dma_wait3A_1007 = arith.constant 0 : i32
    %dma_wait3A_1008 = tpu.memref_slice %arg3[%dma_wait3A_1006, %dma_wait3A_1007] : memref<1000000x64xf32, #tpu.memory_space<hbm>> -> memref<1000000x64xf32, #tpu.memory_space<hbm>>
    tpu.wait_indirect_dma semaphore(%arg8 : memref<!tpu.dma_semaphore, #tpu.memory_space<semaphore_mem>>) src(%dma_wait3A_1008 : memref<1000000x64xf32, #tpu.memory_space<hbm>>) dst(%dma_wait3A_1002 : memref<128x64xf32, #tpu.memory_space<vmem>>)
    %dma_wait3A_1009 = arith.constant 41 : i32
    %dma_wait3A_1010 = arith.constant 128 : i32
    %dma_wait3A_1011 = arith.constant 0 : i32
    %dma_wait3A_1012 = tpu.memref_slice %arg6[%dma_wait3A_1010, %dma_wait3A_1011] : memref<640x64xf32, #tpu.memory_space<vmem>> -> memref<128x64xf32, #tpu.memory_space<vmem>>
    %dma_wait3A_1013 = arith.constant 0 : i32
    %dma_wait3A_1014 = tpu.memref_slice %arg5[%dma_wait3A_1009, %dma_wait3A_1013] : memref<50x128xi32, #tpu.memory_space<vmem>> -> memref<1x128xi32, #tpu.memory_space<vmem>>
    %dma_wait3A_1015 = tpu.memref_squeeze %dma_wait3A_1014 : memref<1x128xi32, #tpu.memory_space<vmem>> -> memref<128xi32, #tpu.memory_space<vmem>>
    %dma_wait3A_1016 = arith.constant 0 : i32
    %dma_wait3A_1017 = arith.constant 0 : i32
    %dma_wait3A_1018 = tpu.memref_slice %arg3[%dma_wait3A_1016, %dma_wait3A_1017] : memref<1000000x64xf32, #tpu.memory_space<hbm>> -> memref<1000000x64xf32, #tpu.memory_space<hbm>>
    tpu.wait_indirect_dma semaphore(%arg8 : memref<!tpu.dma_semaphore, #tpu.memory_space<semaphore_mem>>) src(%dma_wait3A_1018 : memref<1000000x64xf32, #tpu.memory_space<hbm>>) dst(%dma_wait3A_1012 : memref<128x64xf32, #tpu.memory_space<vmem>>)
    %dma_wait3A_1019 = arith.constant 42 : i32
    %dma_wait3A_1020 = arith.constant 256 : i32
    %dma_wait3A_1021 = arith.constant 0 : i32
    %dma_wait3A_1022 = tpu.memref_slice %arg6[%dma_wait3A_1020, %dma_wait3A_1021] : memref<640x64xf32, #tpu.memory_space<vmem>> -> memref<128x64xf32, #tpu.memory_space<vmem>>
    %dma_wait3A_1023 = arith.constant 0 : i32
    %dma_wait3A_1024 = tpu.memref_slice %arg5[%dma_wait3A_1019, %dma_wait3A_1023] : memref<50x128xi32, #tpu.memory_space<vmem>> -> memref<1x128xi32, #tpu.memory_space<vmem>>
    %dma_wait3A_1025 = tpu.memref_squeeze %dma_wait3A_1024 : memref<1x128xi32, #tpu.memory_space<vmem>> -> memref<128xi32, #tpu.memory_space<vmem>>
    %dma_wait3A_1026 = arith.constant 0 : i32
    %dma_wait3A_1027 = arith.constant 0 : i32
    %dma_wait3A_1028 = tpu.memref_slice %arg3[%dma_wait3A_1026, %dma_wait3A_1027] : memref<1000000x64xf32, #tpu.memory_space<hbm>> -> memref<1000000x64xf32, #tpu.memory_space<hbm>>
    tpu.wait_indirect_dma semaphore(%arg8 : memref<!tpu.dma_semaphore, #tpu.memory_space<semaphore_mem>>) src(%dma_wait3A_1028 : memref<1000000x64xf32, #tpu.memory_space<hbm>>) dst(%dma_wait3A_1022 : memref<128x64xf32, #tpu.memory_space<vmem>>)
    %dma_wait3A_1029 = arith.constant 43 : i32
    %dma_wait3A_1030 = arith.constant 384 : i32
    %dma_wait3A_1031 = arith.constant 0 : i32
    %dma_wait3A_1032 = tpu.memref_slice %arg6[%dma_wait3A_1030, %dma_wait3A_1031] : memref<640x64xf32, #tpu.memory_space<vmem>> -> memref<128x64xf32, #tpu.memory_space<vmem>>
    %dma_wait3A_1033 = arith.constant 0 : i32
    %dma_wait3A_1034 = tpu.memref_slice %arg5[%dma_wait3A_1029, %dma_wait3A_1033] : memref<50x128xi32, #tpu.memory_space<vmem>> -> memref<1x128xi32, #tpu.memory_space<vmem>>
    %dma_wait3A_1035 = tpu.memref_squeeze %dma_wait3A_1034 : memref<1x128xi32, #tpu.memory_space<vmem>> -> memref<128xi32, #tpu.memory_space<vmem>>
    %dma_wait3A_1036 = arith.constant 0 : i32
    %dma_wait3A_1037 = arith.constant 0 : i32
    %dma_wait3A_1038 = tpu.memref_slice %arg3[%dma_wait3A_1036, %dma_wait3A_1037] : memref<1000000x64xf32, #tpu.memory_space<hbm>> -> memref<1000000x64xf32, #tpu.memory_space<hbm>>
    tpu.wait_indirect_dma semaphore(%arg8 : memref<!tpu.dma_semaphore, #tpu.memory_space<semaphore_mem>>) src(%dma_wait3A_1038 : memref<1000000x64xf32, #tpu.memory_space<hbm>>) dst(%dma_wait3A_1032 : memref<128x64xf32, #tpu.memory_space<vmem>>)
    %dma_wait3A_1039 = arith.constant 44 : i32
    %dma_wait3A_1040 = arith.constant 512 : i32
    %dma_wait3A_1041 = arith.constant 0 : i32
    %dma_wait3A_1042 = tpu.memref_slice %arg6[%dma_wait3A_1040, %dma_wait3A_1041] : memref<640x64xf32, #tpu.memory_space<vmem>> -> memref<128x64xf32, #tpu.memory_space<vmem>>
    %dma_wait3A_1043 = arith.constant 0 : i32
    %dma_wait3A_1044 = tpu.memref_slice %arg5[%dma_wait3A_1039, %dma_wait3A_1043] : memref<50x128xi32, #tpu.memory_space<vmem>> -> memref<1x128xi32, #tpu.memory_space<vmem>>
    %dma_wait3A_1045 = tpu.memref_squeeze %dma_wait3A_1044 : memref<1x128xi32, #tpu.memory_space<vmem>> -> memref<128xi32, #tpu.memory_space<vmem>>
    %dma_wait3A_1046 = arith.constant 0 : i32
    %dma_wait3A_1047 = arith.constant 0 : i32
    %dma_wait3A_1048 = tpu.memref_slice %arg3[%dma_wait3A_1046, %dma_wait3A_1047] : memref<1000000x64xf32, #tpu.memory_space<hbm>> -> memref<1000000x64xf32, #tpu.memory_space<hbm>>
    tpu.wait_indirect_dma semaphore(%arg8 : memref<!tpu.dma_semaphore, #tpu.memory_space<semaphore_mem>>) src(%dma_wait3A_1048 : memref<1000000x64xf32, #tpu.memory_space<hbm>>) dst(%dma_wait3A_1042 : memref<128x64xf32, #tpu.memory_space<vmem>>)
    %add3A_1049 = arith.constant 5120 : i32
    %add3A_1050 = arith.addi %mul3A_2, %add3A_1049 : i32
    %dma_start3A_1051 = arith.constant 0 : i32
    %dma_start3A_1052 = tpu.memref_slice %arg4[%add3A_1050, %dma_start3A_1051] : memref<204800x128xf32, #tpu.memory_space<hbm>> -> memref<640x64xf32, #tpu.memory_space<hbm>>
    %dma_start3A_1053 = arith.constant 0 : i32
    %dma_start3A_1054 = tpu.memref_slice %arg4[%add3A_1050, %dma_start3A_1053] : memref<204800x128xf32, #tpu.memory_space<hbm>> -> memref<640x64xf32, #tpu.memory_space<hbm>>
    tpu.enqueue_dma source(%arg6 : memref<640x64xf32, #tpu.memory_space<vmem>>) target(%dma_start3A_1054 : memref<640x64xf32, #tpu.memory_space<hbm>>) target_semaphore(%arg10 : memref<!tpu.dma_semaphore, #tpu.memory_space<semaphore_mem>>)
    %dma_wait3A_1055 = arith.constant 45 : i32
    %dma_wait3A_1056 = arith.constant 0 : i32
    %dma_wait3A_1057 = arith.constant 0 : i32
    %dma_wait3A_1058 = tpu.memref_slice %arg7[%dma_wait3A_1056, %dma_wait3A_1057] : memref<640x64xf32, #tpu.memory_space<vmem>> -> memref<128x64xf32, #tpu.memory_space<vmem>>
    %dma_wait3A_1059 = arith.constant 0 : i32
    %dma_wait3A_1060 = tpu.memref_slice %arg5[%dma_wait3A_1055, %dma_wait3A_1059] : memref<50x128xi32, #tpu.memory_space<vmem>> -> memref<1x128xi32, #tpu.memory_space<vmem>>
    %dma_wait3A_1061 = tpu.memref_squeeze %dma_wait3A_1060 : memref<1x128xi32, #tpu.memory_space<vmem>> -> memref<128xi32, #tpu.memory_space<vmem>>
    %dma_wait3A_1062 = arith.constant 0 : i32
    %dma_wait3A_1063 = arith.constant 0 : i32
    %dma_wait3A_1064 = tpu.memref_slice %arg3[%dma_wait3A_1062, %dma_wait3A_1063] : memref<1000000x64xf32, #tpu.memory_space<hbm>> -> memref<1000000x64xf32, #tpu.memory_space<hbm>>
    tpu.wait_indirect_dma semaphore(%arg9 : memref<!tpu.dma_semaphore, #tpu.memory_space<semaphore_mem>>) src(%dma_wait3A_1064 : memref<1000000x64xf32, #tpu.memory_space<hbm>>) dst(%dma_wait3A_1058 : memref<128x64xf32, #tpu.memory_space<vmem>>)
    %dma_wait3A_1065 = arith.constant 46 : i32
    %dma_wait3A_1066 = arith.constant 128 : i32
    %dma_wait3A_1067 = arith.constant 0 : i32
    %dma_wait3A_1068 = tpu.memref_slice %arg7[%dma_wait3A_1066, %dma_wait3A_1067] : memref<640x64xf32, #tpu.memory_space<vmem>> -> memref<128x64xf32, #tpu.memory_space<vmem>>
    %dma_wait3A_1069 = arith.constant 0 : i32
    %dma_wait3A_1070 = tpu.memref_slice %arg5[%dma_wait3A_1065, %dma_wait3A_1069] : memref<50x128xi32, #tpu.memory_space<vmem>> -> memref<1x128xi32, #tpu.memory_space<vmem>>
    %dma_wait3A_1071 = tpu.memref_squeeze %dma_wait3A_1070 : memref<1x128xi32, #tpu.memory_space<vmem>> -> memref<128xi32, #tpu.memory_space<vmem>>
    %dma_wait3A_1072 = arith.constant 0 : i32
    %dma_wait3A_1073 = arith.constant 0 : i32
    %dma_wait3A_1074 = tpu.memref_slice %arg3[%dma_wait3A_1072, %dma_wait3A_1073] : memref<1000000x64xf32, #tpu.memory_space<hbm>> -> memref<1000000x64xf32, #tpu.memory_space<hbm>>
    tpu.wait_indirect_dma semaphore(%arg9 : memref<!tpu.dma_semaphore, #tpu.memory_space<semaphore_mem>>) src(%dma_wait3A_1074 : memref<1000000x64xf32, #tpu.memory_space<hbm>>) dst(%dma_wait3A_1068 : memref<128x64xf32, #tpu.memory_space<vmem>>)
    %dma_wait3A_1075 = arith.constant 47 : i32
    %dma_wait3A_1076 = arith.constant 256 : i32
    %dma_wait3A_1077 = arith.constant 0 : i32
    %dma_wait3A_1078 = tpu.memref_slice %arg7[%dma_wait3A_1076, %dma_wait3A_1077] : memref<640x64xf32, #tpu.memory_space<vmem>> -> memref<128x64xf32, #tpu.memory_space<vmem>>
    %dma_wait3A_1079 = arith.constant 0 : i32
    %dma_wait3A_1080 = tpu.memref_slice %arg5[%dma_wait3A_1075, %dma_wait3A_1079] : memref<50x128xi32, #tpu.memory_space<vmem>> -> memref<1x128xi32, #tpu.memory_space<vmem>>
    %dma_wait3A_1081 = tpu.memref_squeeze %dma_wait3A_1080 : memref<1x128xi32, #tpu.memory_space<vmem>> -> memref<128xi32, #tpu.memory_space<vmem>>
    %dma_wait3A_1082 = arith.constant 0 : i32
    %dma_wait3A_1083 = arith.constant 0 : i32
    %dma_wait3A_1084 = tpu.memref_slice %arg3[%dma_wait3A_1082, %dma_wait3A_1083] : memref<1000000x64xf32, #tpu.memory_space<hbm>> -> memref<1000000x64xf32, #tpu.memory_space<hbm>>
    tpu.wait_indirect_dma semaphore(%arg9 : memref<!tpu.dma_semaphore, #tpu.memory_space<semaphore_mem>>) src(%dma_wait3A_1084 : memref<1000000x64xf32, #tpu.memory_space<hbm>>) dst(%dma_wait3A_1078 : memref<128x64xf32, #tpu.memory_space<vmem>>)
    %dma_wait3A_1085 = arith.constant 48 : i32
    %dma_wait3A_1086 = arith.constant 384 : i32
    %dma_wait3A_1087 = arith.constant 0 : i32
    %dma_wait3A_1088 = tpu.memref_slice %arg7[%dma_wait3A_1086, %dma_wait3A_1087] : memref<640x64xf32, #tpu.memory_space<vmem>> -> memref<128x64xf32, #tpu.memory_space<vmem>>
    %dma_wait3A_1089 = arith.constant 0 : i32
    %dma_wait3A_1090 = tpu.memref_slice %arg5[%dma_wait3A_1085, %dma_wait3A_1089] : memref<50x128xi32, #tpu.memory_space<vmem>> -> memref<1x128xi32, #tpu.memory_space<vmem>>
    %dma_wait3A_1091 = tpu.memref_squeeze %dma_wait3A_1090 : memref<1x128xi32, #tpu.memory_space<vmem>> -> memref<128xi32, #tpu.memory_space<vmem>>
    %dma_wait3A_1092 = arith.constant 0 : i32
    %dma_wait3A_1093 = arith.constant 0 : i32
    %dma_wait3A_1094 = tpu.memref_slice %arg3[%dma_wait3A_1092, %dma_wait3A_1093] : memref<1000000x64xf32, #tpu.memory_space<hbm>> -> memref<1000000x64xf32, #tpu.memory_space<hbm>>
    tpu.wait_indirect_dma semaphore(%arg9 : memref<!tpu.dma_semaphore, #tpu.memory_space<semaphore_mem>>) src(%dma_wait3A_1094 : memref<1000000x64xf32, #tpu.memory_space<hbm>>) dst(%dma_wait3A_1088 : memref<128x64xf32, #tpu.memory_space<vmem>>)
    %dma_wait3A_1095 = arith.constant 49 : i32
    %dma_wait3A_1096 = arith.constant 512 : i32
    %dma_wait3A_1097 = arith.constant 0 : i32
    %dma_wait3A_1098 = tpu.memref_slice %arg7[%dma_wait3A_1096, %dma_wait3A_1097] : memref<640x64xf32, #tpu.memory_space<vmem>> -> memref<128x64xf32, #tpu.memory_space<vmem>>
    %dma_wait3A_1099 = arith.constant 0 : i32
    %dma_wait3A_1100 = tpu.memref_slice %arg5[%dma_wait3A_1095, %dma_wait3A_1099] : memref<50x128xi32, #tpu.memory_space<vmem>> -> memref<1x128xi32, #tpu.memory_space<vmem>>
    %dma_wait3A_1101 = tpu.memref_squeeze %dma_wait3A_1100 : memref<1x128xi32, #tpu.memory_space<vmem>> -> memref<128xi32, #tpu.memory_space<vmem>>
    %dma_wait3A_1102 = arith.constant 0 : i32
    %dma_wait3A_1103 = arith.constant 0 : i32
    %dma_wait3A_1104 = tpu.memref_slice %arg3[%dma_wait3A_1102, %dma_wait3A_1103] : memref<1000000x64xf32, #tpu.memory_space<hbm>> -> memref<1000000x64xf32, #tpu.memory_space<hbm>>
    tpu.wait_indirect_dma semaphore(%arg9 : memref<!tpu.dma_semaphore, #tpu.memory_space<semaphore_mem>>) src(%dma_wait3A_1104 : memref<1000000x64xf32, #tpu.memory_space<hbm>>) dst(%dma_wait3A_1098 : memref<128x64xf32, #tpu.memory_space<vmem>>)
    %add3A_1105 = arith.constant 5760 : i32
    %add3A_1106 = arith.addi %mul3A_2, %add3A_1105 : i32
    %dma_start3A_1107 = arith.constant 0 : i32
    %dma_start3A_1108 = tpu.memref_slice %arg4[%add3A_1106, %dma_start3A_1107] : memref<204800x128xf32, #tpu.memory_space<hbm>> -> memref<640x64xf32, #tpu.memory_space<hbm>>
    %dma_start3A_1109 = arith.constant 0 : i32
    %dma_start3A_1110 = tpu.memref_slice %arg4[%add3A_1106, %dma_start3A_1109] : memref<204800x128xf32, #tpu.memory_space<hbm>> -> memref<640x64xf32, #tpu.memory_space<hbm>>
    tpu.enqueue_dma source(%arg7 : memref<640x64xf32, #tpu.memory_space<vmem>>) target(%dma_start3A_1110 : memref<640x64xf32, #tpu.memory_space<hbm>>) target_semaphore(%arg11 : memref<!tpu.dma_semaphore, #tpu.memory_space<semaphore_mem>>)
    %add3A_1111 = arith.constant 5120 : i32
    %add3A_1112 = arith.addi %mul3A_2, %add3A_1111 : i32
    %dma_wait3A_1113 = arith.constant 0 : i32
    %dma_wait3A_1114 = tpu.memref_slice %arg4[%add3A_1112, %dma_wait3A_1113] : memref<204800x128xf32, #tpu.memory_space<hbm>> -> memref<640x64xf32, #tpu.memory_space<hbm>>
    %dma_wait3A_1115 = arith.constant 0 : i32
    %dma_wait3A_1116 = tpu.memref_slice %arg4[%add3A_1112, %dma_wait3A_1115] : memref<204800x128xf32, #tpu.memory_space<hbm>> -> memref<640x64xf32, #tpu.memory_space<hbm>>
    tpu.wait_dma2 semaphore(%arg10 : memref<!tpu.dma_semaphore, #tpu.memory_space<semaphore_mem>>) src(%arg6 : memref<640x64xf32, #tpu.memory_space<vmem>>) dst(%dma_wait3A_1116 : memref<640x64xf32, #tpu.memory_space<hbm>>)
    %add3A_1117 = arith.constant 5760 : i32
    %add3A_1118 = arith.addi %mul3A_2, %add3A_1117 : i32
    %dma_wait3A_1119 = arith.constant 0 : i32
    %dma_wait3A_1120 = tpu.memref_slice %arg4[%add3A_1118, %dma_wait3A_1119] : memref<204800x128xf32, #tpu.memory_space<hbm>> -> memref<640x64xf32, #tpu.memory_space<hbm>>
    %dma_wait3A_1121 = arith.constant 0 : i32
    %dma_wait3A_1122 = tpu.memref_slice %arg4[%add3A_1118, %dma_wait3A_1121] : memref<204800x128xf32, #tpu.memory_space<hbm>> -> memref<640x64xf32, #tpu.memory_space<hbm>>
    tpu.wait_dma2 semaphore(%arg11 : memref<!tpu.dma_semaphore, #tpu.memory_space<semaphore_mem>>) src(%arg7 : memref<640x64xf32, #tpu.memory_space<vmem>>) dst(%dma_wait3A_1122 : memref<640x64xf32, #tpu.memory_space<hbm>>)
    return
  }
}

module attributes {stable_mosaic.version = 14 : i64} {
  func.func @_ln_kernel(%arg0: i32, %arg1: memref<6400x128xf32, #tpu.memory_space<vmem>>, %arg2: memref<1x64xf32, #tpu.memory_space<vmem>>, %arg3: memref<1x64xf32, #tpu.memory_space<vmem>>, %arg4: memref<32x200x64xf32, #tpu.memory_space<vmem>>) attributes {dimension_semantics = [#tpu.dimension_semantics<parallel>], iteration_bounds = array<i64: 32>, scalar_prefetch = 0 : i64, scratch_operands = 0 : i64, tpu.core_type = #tpu.core_type<tc>, window_params = [{transform_indices = @transform_0, window_bounds = array<i64: 6400, 128>}, {pipeline_mode = #tpu.pipeline_mode<synchronous>, transform_indices = @transform_1, window_bounds = array<i64: 1, 64>}, {pipeline_mode = #tpu.pipeline_mode<synchronous>, transform_indices = @transform_2, window_bounds = array<i64: 1, 64>}, {transform_indices = @transform_3, window_bounds = array<i64: 32, 200, 64>}]} {
    %get3A = arith.constant 0 : index
    %get3A_0 = arith.constant 0 : index
    %get3A_1 = vector.load %arg1[%get3A, %get3A_0] : memref<6400x128xf32, #tpu.memory_space<vmem>>, vector<6400x128xf32>
    %slice3A = vector.extract_strided_slice %get3A_1 {offsets = [0, 0], sizes = [6400, 64], strides = [1, 1]} : vector<6400x128xf32> to vector<6400x64xf32>
    %reduce_sum3A = arith.constant dense<0.000000e+00> : vector<6400xf32>
    %reduce_sum3A_2 = vector.multi_reduction <add>, %slice3A, %reduce_sum3A [1] : vector<6400x64xf32> to vector<6400xf32>
    %broadcast_in_dim3A = vector.shape_cast %reduce_sum3A_2 : vector<6400xf32> to vector<6400x1xf32>
    %div3A = arith.constant 6.400000e+01 : f32
    %div3A_3 = vector.broadcast %div3A : f32 to vector<6400x1xf32>
    %div3A_4 = arith.divf %broadcast_in_dim3A, %div3A_3 : vector<6400x1xf32>
    %sub3A = vector.broadcast %div3A_4 : vector<6400x1xf32> to vector<6400x64xf32>
    %sub3A_5 = arith.subf %slice3A, %sub3A : vector<6400x64xf32>
    %mul3A = arith.mulf %sub3A_5, %sub3A_5 : vector<6400x64xf32>
    %reduce_sum3A_6 = arith.constant dense<0.000000e+00> : vector<6400xf32>
    %reduce_sum3A_7 = vector.multi_reduction <add>, %mul3A, %reduce_sum3A_6 [1] : vector<6400x64xf32> to vector<6400xf32>
    %broadcast_in_dim3A_8 = vector.shape_cast %reduce_sum3A_7 : vector<6400xf32> to vector<6400x1xf32>
    %div3A_9 = arith.constant 6.400000e+01 : f32
    %div3A_10 = vector.broadcast %div3A_9 : f32 to vector<6400x1xf32>
    %div3A_11 = arith.divf %broadcast_in_dim3A_8, %div3A_10 : vector<6400x1xf32>
    %add3A = arith.constant 9.99999996E-13 : f32
    %add3A_12 = vector.broadcast %add3A : f32 to vector<6400x1xf32>
    %add3A_13 = arith.addf %div3A_11, %add3A_12 : vector<6400x1xf32>
    %rsqrt3A = math.rsqrt %add3A_13 : vector<6400x1xf32>
    %mul3A_14 = vector.broadcast %rsqrt3A : vector<6400x1xf32> to vector<6400x64xf32>
    %mul3A_15 = arith.mulf %sub3A_5, %mul3A_14 : vector<6400x64xf32>
    %get3A_16 = arith.constant 0 : index
    %get3A_17 = arith.constant 0 : index
    %get3A_18 = vector.load %arg2[%get3A_16, %get3A_17] : memref<1x64xf32, #tpu.memory_space<vmem>>, vector<1x64xf32>
    %get3A_19 = vector.shape_cast %get3A_18 : vector<1x64xf32> to vector<64xf32>
    %broadcast_in_dim3A_20 = vector.shape_cast %get3A_19 : vector<64xf32> to vector<1x64xf32>
    %mul3A_21 = vector.broadcast %broadcast_in_dim3A_20 : vector<1x64xf32> to vector<6400x64xf32>
    %mul3A_22 = arith.mulf %mul3A_15, %mul3A_21 : vector<6400x64xf32>
    %get3A_23 = arith.constant 0 : index
    %get3A_24 = arith.constant 0 : index
    %get3A_25 = vector.load %arg3[%get3A_23, %get3A_24] : memref<1x64xf32, #tpu.memory_space<vmem>>, vector<1x64xf32>
    %get3A_26 = vector.shape_cast %get3A_25 : vector<1x64xf32> to vector<64xf32>
    %broadcast_in_dim3A_27 = vector.shape_cast %get3A_26 : vector<64xf32> to vector<1x64xf32>
    %add3A_28 = vector.broadcast %broadcast_in_dim3A_27 : vector<1x64xf32> to vector<6400x64xf32>
    %add3A_29 = arith.addf %mul3A_22, %add3A_28 : vector<6400x64xf32>
    %reshape3A = vector.shape_cast %add3A_29 : vector<6400x64xf32> to vector<32x200x64xf32>
    %swap3A = arith.constant 0 : index
    %swap3A_30 = arith.constant 0 : index
    %swap3A_31 = arith.constant 0 : index
    %swap3A_32 = vector.load %arg4[%swap3A, %swap3A_30, %swap3A_31] : memref<32x200x64xf32, #tpu.memory_space<vmem>>, vector<32x200x64xf32>
    tpu.vector_store %arg4[%swap3A, %swap3A_30, %swap3A_31], %reshape3A {strides = array<i32>} : memref<32x200x64xf32, #tpu.memory_space<vmem>>, vector<32x200x64xf32>,
    return
  }
  func.func @transform_0(%arg0: i32) -> (i32, i32) {
    %c0_i32 = arith.constant 0 : i32
    %c0_i32_0 = arith.constant 0 : i32
    return %arg0, %c0_i32 : i32, i32
  }
  func.func @transform_1(%arg0: i32) -> (i32, i32) {
    %c0_i32 = arith.constant 0 : i32
    %c0_i32_0 = arith.constant 0 : i32
    %c0_i32_1 = arith.constant 0 : i32
    return %c0_i32, %c0_i32_0 : i32, i32
  }
  func.func @transform_2(%arg0: i32) -> (i32, i32) {
    %c0_i32 = arith.constant 0 : i32
    %c0_i32_0 = arith.constant 0 : i32
    %c0_i32_1 = arith.constant 0 : i32
    return %c0_i32, %c0_i32_0 : i32, i32
  }
  func.func @transform_3(%arg0: i32) -> (i32, i32, i32) {
    %c0_i32 = arith.constant 0 : i32
    %c0_i32_0 = arith.constant 0 : i32
    %c0_i32_1 = arith.constant 0 : i32
    return %arg0, %c0_i32, %c0_i32_0 : i32, i32, i32
  }
}

</mosaic_0001>

<sc_bundles>
// kernel: _run.4.cloned.1.call-start
scs
__scs_entry_jumppad:
0x0: {  	(pc) =	sbr.rel $0x88, $3  }
0x1: {  	(tag) =	ssettag $0x0;
	lr =	simm.s32 $0x1  }
0x2: {  	[smem:$0x3F9D] =	sst lr;
	_ =	strace $0xD0000000  }
0x3: {  	_ = 	snop  }
0x4: {  	_ = 	snop  }
0x5: {  	_ = 	snop  }
0x6: {  	_ = 	snop  }
0x7: {  	_ = 	snop  }
__scs_overlays_trampoline_lowered:
0x8: {  	[smem:$0x3FAC] =	sst s0  }
0x9: {  	[smem:$0x3FAD] =	sst s1  }
0xa: {  	[smem:$0x3FAE] =	sst s2  }
0xb: {  	[smem:$0x3FAF] =	sst s3  }
0xc: {  	[smem:$0x3FB0] =	sst s4  }
0xd: {  	[smem:$0x3FB1] =	sst s5  }
0xe: {  	[smem:$0x3FB2] =	sst s6  }
0xf: {  	[smem:$0x3FB3] =	sst s7  }
0x10: {  	[smem:$0x3FB4] =	sst s8  }
0x11: {  	[smem:$0x3FB5] =	sst s9;
	s0 =	simm.s32 @!p0 $0x0  }
0x12: {  	s1 =	sld [smem:$0x3F9B];
	s0 =	simm.s32 @p0 $0x1  }
0x13: {  	[smem:$0x3FB6] =	sst s0;
	s0 =	simm.s32 @!p1 $0x0  }
0x14: {  	s2 =	sld [smem:$0x3F9A];
	s0 =	simm.s32 @p1 $0x1  }
0x15: {  	[smem:$0x3FB7] =	sst s0;
	s0 =	simm.s32 @!p2 $0x0  }
0x16: {  	s3 =	sld [smem:$0x3FDB];
	s0 =	simm.s32 @p2 $0x1  }
0x17: {  	s4 =	simm.s32 $0x1BF5;
	[smem:$0x3FB9] =	sst s0  }
0x18: {  	s0 =	sld [smem:$0x3F9C];
	_ =	swait.ge [sflag:s4], $0x0  }
0x19: {  	s7 =	sld [smem:$0x3F9D]  }
0x1a: {  	s8 =	sadd.s32 $0xFFFFE003, lr  }
0x1b: {  	s9 =	sadd.s32 $0xFFFFFEF7, lr;
	s5 =	simm.s32 $0xFFFFFFFF;
	p2 =	slt.u32 s8, $0xFFFFF086  }
0x1c: {  	p1 =	slt.u32 s9, $0xF7A;
	s5 =	simm.s32 @!p2 $0x0  }
0x1d: {  	s5 =	simm.s32 @p1 $0x1;
	p0 =	seq.s32 s7, s2  }
0x1e: {  	s7 =	smul.u32 @!p0 $0xF7A, s2;
	p2 =	seq.s32 @!p0 s5, $0x0  }
0x1f: {  	s9 =	smul.u32 $0xF7A, s1;
	s8 =	simm.s32 @!p0 $0x1BF5;
	p2 =	por !p2, p0  }
0x20: {  	[sflag:s8] =	ssyncset.s32 @!p0 $0xFFFFF086;
	s6 =	sadd.s32 @!p0 s3, s7;
	s7 =	simm.s32 @!p0 $0x108  }
0x21: {  	s3 =	sadd.s32 s3, s9;
	s6 =	sadd.s32 @!p0 $0x88, s6;
	s7 =	simm.s32 @p2 $0x1082  }
0x22: {  	[simem:s7], [sflag:s8] =	dma.local @!p0 [hbm:s6], $0xF7A  }
0x23: {  	s9 =	sor.u32 $0xD0000000, s2;
	s6 =	simm.s32 $0x108;
	_ =	swait.ge @!p0 [sflag:s8], $0x0  }
0x24: {  	s3 =	sadd.s32 $0x88, s3;
	s6 =	simm.s32 @!p1 $0x1082;
	[sflag:s4] =	ssyncset.s32 $0xFFFFF086  }
0x25: {  	[simem:s6], [sflag:s4] =	dma.local [hbm:s3], $0xF7A  }
0x26: {  	[smem:$0x3F9D] =	sst s1;
	(tag) =	ssettag s2;
	_ =	strace s9  }
0x27: {  	s1 =	sld [smem:$0x3FAD]  }
0x28: {  	s2 =	sld [smem:$0x3FAE]  }
0x29: {  	s4 =	sld [smem:$0x3FB0]  }
0x2a: {  	p0 =	seq.s32 s5, $0x0;
	s5 =	sld [smem:$0x3FB1]  }
0x2b: {  	s6 =	sld [smem:$0x3FB2]  }
0x2c: {  	s7 =	sld [smem:$0x3FB3]  }
0x2d: {  	s3 =	simm.s32 $0x108;
	s8 =	sld [smem:$0x3FB4]  }
0x2e: {  	s3 =	simm.s32 @!p0 $0x1082;
	s9 =	sld [smem:$0x3FB5]  }
0x2f: {  	lr =	sadd.s32 s0, s3;
	s0 =	sld [smem:$0x3FAC]  }
0x30: {  	s3 =	sld [smem:$0x3FAF]  }
0x31: {  	[smem:$0x3FB8] =	sst s10  }
0x32: {  	s10 =	sld [smem:$0x3FB6];
	_ =	sdelay $0x3  }
0x33: {  	p0 =	seq.s32 s10, $0x1;
	s10 =	sld [smem:$0x3FB8];
	_ =	sdelay $0x3  }
0x34: {  	[smem:$0x3FB8] =	sst s10  }
0x35: {  	s10 =	sld [smem:$0x3FB7];
	_ =	sdelay $0x3  }
0x36: {  	p1 =	seq.s32 s10, $0x1;
	s10 =	sld [smem:$0x3FB8];
	_ =	sdelay $0x3  }
0x37: {  	[smem:$0x3FB8] =	sst s10  }
0x38: {  	s10 =	sld [smem:$0x3FB9]  }
0x39: {  	_ = 	snop;
	(pc) =	sbr.ind lr, $3  }
0x3a: {  	_ = 	snop  }
0x3b: {  	_ = 	snop  }
0x3c: {  	p2 =	seq.s32 s10, $0x1;
	s10 =	sld [smem:$0x3FB8]  }
0x3d: {  	_ =	shalt  }
0x3e: {  	_ =	shalt  }
0x3f: {  	_ =	shalt  }
0x40: {  	_ =	shalt  }
0x41: {  	_ =	shalt  }
0x42: {  	_ =	shalt  }
0x43: {  	_ =	shalt  }
0x44: {  	_ =	shalt  }
0x45: {  	_ =	shalt  }
0x46: {  	_ =	shalt  }
0x47: {  	_ =	shalt  }
0x48: {  	_ =	shalt  }
0x49: {  	_ =	shalt  }
0x4a: {  	_ =	shalt  }
0x4b: {  	_ =	shalt  }
0x4c: {  	_ =	shalt  }
0x4d: {  	_ =	shalt  }
0x4e: {  	_ =	shalt  }
0x4f: {  	_ =	shalt  }
0x50: {  	_ =	shalt  }
0x51: {  	_ =	shalt  }
0x52: {  	_ =	shalt  }
0x53: {  	_ =	shalt  }
0x54: {  	_ =	shalt  }
0x55: {  	_ =	shalt  }
0x56: {  	_ =	shalt  }
0x57: {  	_ =	shalt  }
0x58: {  	_ =	shalt  }
0x59: {  	_ =	shalt  }
0x5a: {  	_ =	shalt  }
0x5b: {  	_ =	shalt  }
0x5c: {  	_ =	shalt  }
0x5d: {  	_ =	shalt  }
0x5e: {  	_ =	shalt  }
0x5f: {  	_ =	shalt  }
0x60: {  	_ =	shalt  }
0x61: {  	_ =	shalt  }
0x62: {  	_ =	shalt  }
0x63: {  	_ =	shalt  }
0x64: {  	_ =	shalt  }
0x65: {  	_ =	shalt  }
0x66: {  	_ =	shalt  }
0x67: {  	_ =	shalt  }
0x68: {  	_ =	shalt  }
0x69: {  	_ =	shalt  }
0x6a: {  	_ =	shalt  }
0x6b: {  	_ =	shalt  }
0x6c: {  	_ =	shalt  }
0x6d: {  	_ =	shalt  }
0x6e: {  	_ =	shalt  }
0x6f: {  	_ =	shalt  }
0x70: {  	_ =	shalt  }
0x71: {  	_ =	shalt  }
0x72: {  	_ =	shalt  }
0x73: {  	_ =	shalt  }
0x74: {  	_ =	shalt  }
0x75: {  	_ =	shalt  }
0x76: {  	_ =	shalt  }
0x77: {  	_ =	shalt  }
0x78: {  	_ =	shalt  }
0x79: {  	_ =	shalt  }
0x7a: {  	_ =	shalt  }
0x7b: {  	_ =	shalt  }
0x7c: {  	_ =	shalt  }
0x7d: {  	_ =	shalt  }
0x7e: {  	_ =	shalt  }
0x7f: {  	_ =	shalt  }
0x80: {  	_ =	shalt  }
0x81: {  	_ =	shalt  }
0x82: {  	_ =	shalt  }
0x83: {  	_ =	shalt  }
0x84: {  	_ =	shalt  }
0x85: {  	_ =	shalt  }
0x86: {  	_ =	shalt  }
0x87: {  	_ =	shalt  }
.Lfunc_end0:
.L_simem_size_0:
called_computation_lowered:
.L_overlay_start_0:
0x88: {  	s2 =	sld [smem:$0x3FD9]  }
0x89: {  	s3 =	sld [smem:$0x3FFE];
	_ =	sdelay $0x1  }
0x8a: {  	s1 =	srdreg.scid  }
0x8b: {  	s0 =	sand.u32 $0x1, s1  }
0x8c: {  	s17 =	sshll.u32 s0, $0xA;
	s2 =	sadd.s32 s3, s2  }
0x8d: {  	s2 =	sadd.s32 s2, s17  }
0x8e: {  	[smem:$0x3FC4] =	sst s2  }
0x8f: {  	_ = 	snop  }
0x90: {  	s2 =	sld [smem:$0x3FD0];
	(tm) =	ssettm $0x1  }
0x91: {  	s18 =	sld [smem:$0x3FFB];
	_ =	sdelay $0x3  }
0x92: {  	_ =	strace s18  }
0x93: {  	s3 =	sld [smem:$0x3FFC];
	_ =	sdelay $0x3  }
0x94: {  	_ =	strace s3  }
0x95: {  	s3 =	sld [smem:$0x3FFD];
	_ =	sdelay $0x3  }
0x96: {  	_ =	strace s3  }
0x97: {  	_ =	strace $0x8FFFFFFF  }
0x98: {  	s19 =	sld [smem:$0x3FDB];
	_ =	sdelay $0x1  }
0x99: {  	s4 =	simm.s32 $_scs_section_size  }
0x9a: {  	s5 =	simm.s32 $_size__tile_overlayer_lowered;
	s6 =	simm.s32 $_tile_overlayer_lowered  }
0x9b: {  	s22 =	simm.s32 $0x1BFF;
	s21 =	sshll.u32 s6, $0x1;
	s3 =	sadd.s32 s4, s19  }
0x9c: {  	s7 =	simm.s32 $0x0;
	s20 =	sshll.u32 s5, $0x1;
	s5 =	sadd.s32 s21, s3  }
0x9d: {  	[timem:s7], [sflag:s22] =	dma.local [hbm:s5], s20  }
0x9e: {  	_ =	swait.ge [sflag:s22], s20  }
0x9f: {  	s4 =	ssub.s32 $0x0, s20;
	[sflag:s22] =	ssyncset.done $0x0  }
0xa0: {  	[sflag:s22] =	ssyncadd.s32 s4;
	_ =	sdelay $0x1  }
0xa1: {  	s23 =	simm.s32 $0x1B8B  }
0xa2: {  	_ =	swait.ge [sflag:s23], $0x1  }
0xa3: {  	[sflag:s23] =	ssyncset.done $0x0  }
0xa4: {  	s25 =	simm.s32 $0x1B8E;
	s24 =	sld [smem:$0x3FFE];
	[sflag:s23] =	ssyncadd.s32 $0xFFFFFFFF  }
0xa5: {  	s26 =	simm.s32 $execute0_lowered;
	[smem:$0x3FD2] =	sst s25  }
0xa6: {  	s5 =	sshll.u32 s26, $0x1;
	_ =	strace $0x80000046;
	[dreg:$0x1] =	wrdreg $0xFFFFFFFF  }
0xa7: {  	s28 =	simm.s32 $_size_execute0_lowered;
	s3 =	sadd.s32 s3, s5;
	[dreg:$0x0] =	wrdreg $0x0  }
0xa8: {  	s5 =	sshll.u32 s28, $0x1;
	[dreg:$0x2] =	wrdreg s3  }
0xa9: {  	[dreg:$0x3] =	wrdreg s5  }
0xaa: {  	[dreg:$0x4] =	wrdreg $0xC0  }
0xab: {  	_ =	task [dreg:s7], $0x5FFFF  }
0xac: {  	[dreg:$0x1] =	wrdreg $0xFFFFFFFF  }
0xad: {  	[dreg:$0x0] =	wrdreg $0x60  }
0xae: {  	[dreg:$0x2] =	wrdreg s2  }
0xaf: {  	[dreg:$0x3] =	wrdreg s24  }
0xb0: {  	[dreg:$0x4] =	wrdreg $0x9  }
0xb1: {  	_ =	task.clear_ibuf [dreg:s7], $0x5FFFF;
	_ =	strace $0x90000046  }
0xb2: {  	s29 =	simm.s32 $0x9;
	_ =	strace $0x80000048  }
0xb3: {  	_ =	swait.ge [sflag:s29], $0x1  }
0xb4: {  	[sflag:s29] =	ssyncadd.s32 $0xFFFFFFFF  }
0xb5: {  	_ =	strace $0x90000048  }
0xb6: {  	_ =	sfence  }
0xb7: {  	s30 =	sld [smem:$0x0];
	_ =	sdelay $0x2  }
0xb8: {  	s31 =	sshll.u32 s1, $0xD;
	s1 =	sshrl.u32 s1, $0x2  }
0xb9: {  	s3 =	sand.u32 $0x4000, s31;
	s1 =	sadd.s32 s1, s30  }
0xba: {  	s0 =	sor.u32 s3, s0;
	s1 =	sshll.u32 s1, $0x11  }
0xbb: {  	s0 =	sor.u32 s1, s0  }
0xbc: {  	s0 =	sadd.s32 $0x8F2B, s0  }
0xbd: {  	[sflag:s0] =	ssyncadd.remote.s32 $0x1  }
0xbe: {  	_ =	sfence.sel $0xFFFF  }
0xbf: {  	[dreg:$0x0] =	wrdreg $0xFFFFFFFF;
	(pc) =	sbr.abs _section_cstart, $3  }
0xc0: {  	[dreg:$0x1] =	wrdreg $0xFFFFFFFF  }
0xc1: {  	_ =	task.clear_ibuf [dreg:s7], $0x2FFFF;
	_ =	strace $0x9FFFFFFF  }
0xc2: {  	(tm) =	ssettm $0x7FFFFFFF  }
0xc3: {  	_ =	shalt  }
tec
execute0_lowered:
.L_overlay_start_1:
0x0: {  	(tag) =	ssettag $0x1  }
0x1: {  	s3 =	rddreg [dreg:$0x0]  }
0x2: {  	s2 =	rddreg [dreg:$0x1];
	s30 =	simm.s32 $0x0  }
0x3: {  	s7 =	simm.s32 $0x180;
	[smem:$0x7FF] =	sst s30  }
0x4: {  	s8 =	simm.s32 $0x200;
	_ =	strace $0x80000047;
	[dreg:$0xf] =	wrdreg s7  }
0x5: {  	s9 =	simm.s32 $0x280;
	[dreg:$0x10] =	wrdreg s8  }
0x6: {  	s10 =	simm.s32 $0x300;
	[dreg:$0x11] =	wrdreg s9  }
0x7: {  	s11 =	simm.s32 $0x380;
	[dreg:$0x12] =	wrdreg s10  }
0x8: {  	s0 =	srdreg.scid;
	s12 =	simm.s32 $0x400;
	[dreg:$0x13] =	wrdreg s11  }
0x9: {  	s19 =	stileid.u32;
	s13 =	simm.s32 $0x480;
	[dreg:$0x14] =	wrdreg s12  }
0xa: {  	s14 =	simm.s32 $0x500;
	s15 =	simm.s32 $0x580;
	[dreg:$0x15] =	wrdreg s13  }
0xb: {  	s1 =	sand.u32 $0x1, s0;
	s16 =	sshll.u32 s19, $0x1;
	[dreg:$0x16] =	wrdreg s14  }
0xc: {  	s0 =	sor.u32 s1, s16;
	[dreg:$0x17] =	wrdreg s15;
	s16 =	simm.s32 $0x600  }
0xd: {  	s7 =	simm.s32 $0xC80;
	[dreg:$0x18] =	wrdreg s16  }
0xe: {  	s8 =	simm.s32 $0xD00;
	[smem:$0x7EF] =	sst s7  }
0xf: {  	s9 =	simm.s32 $0xD80;
	[smem:$0x7F0] =	sst s8  }
0x10: {  	s10 =	simm.s32 $0xE00;
	[smem:$0x7F1] =	sst s9  }
0x11: {  	s11 =	simm.s32 $0xE80;
	[smem:$0x7F2] =	sst s10  }
0x12: {  	s12 =	simm.s32 $0xF00;
	s4 =	smul.u32 $0x320, s0;
	[smem:$0x7F3] =	sst s11  }
0x13: {  	s13 =	simm.s32 $0xF80;
	s5 =	smul.u32 $0xC8000, s0;
	[smem:$0x7F4] =	sst s12  }
0x14: {  	s14 =	simm.s32 $0x1000;
	s0 =	smul.u32 $0x19000, s0;
	[smem:$0x7F5] =	sst s13  }
0x15: {  	s6 =	sadd.s32 $0xA00, s2;
	[smem:$0x7F6] =	sst s14;
	s3 =	sadd.s32 s3, s4  }
0x16: {  	s17 =	sshrl.u32 s5, $0x3;
	s0 =	sadd.s32 s6, s0;
	[dreg:$0x3] =	wrdreg s3  }
0x17: {  	s18 =	sadd.s32 s6, s17;
	[dreg:$0x4] =	wrdreg s0;
	s6 =	simm.s32 $0x100  }
0x18: {  	s17 =	simm.s32 $0x680;
	[dreg:$0xe] =	wrdreg s6  }
0x19: {  	s3 =	sadd.s32 $0xF42E00, s2;
	s2 =	simm.s32 $0xA80;
	[dreg:$0x19] =	wrdreg s17  }
0x1a: {  	[smem:$0x7EB] =	sst s2  }
0x1b: {  	s31 =	simm.s32 $0x5;
	s20 =	sadd.s32 $0x2800, s18;
	s0 =	rddreg [dreg:$0x3]  }
0x1c: {  	s28 =	simm.s32 $0x1500;
	s21 =	sadd.s32 $0x5000, s18;
	[dreg:$0x5] =	wrdreg s20  }
0x1d: {  	s29 =	simm.s32 $0x1580;
	s22 =	sadd.s32 $0x7800, s18;
	[dreg:$0x6] =	wrdreg s21  }
0x1e: {  	p0 =	por $0x0, $0x0;
	s23 =	sadd.s32 $0xA000, s18;
	[dreg:$0x7] =	wrdreg s22  }
0x1f: {  	s1 =	ssub.s32 $0x2, s1;
	s24 =	sadd.s32 $0xC800, s18;
	[dreg:$0x8] =	wrdreg s23  }
0x20: {  	s15 =	simm.s32 $0x3900;
	s25 =	sadd.s32 $0xF000, s18;
	[dreg:$0x9] =	wrdreg s24  }
0x21: {  	s16 =	simm.s32 $0x5900;
	s26 =	sadd.s32 $0x11800, s18;
	[dreg:$0xa] =	wrdreg s25  }
0x22: {  	s11 =	simm.s32 $0xD900;
	s4 =	sadd.s32 $0x14000, s18;
	[dreg:$0xb] =	wrdreg s26  }
0x23: {  	s12 =	simm.s32 $0xF900;
	s5 =	sadd.s32 $0x16800, s18;
	[dreg:$0xc] =	wrdreg s4  }
0x24: {  	s13 =	simm.s32 $0x11900;
	s18 =	simm.s32 $0x700;
	[dreg:$0xd] =	wrdreg s5  }
0x25: {  	s14 =	simm.s32 $0x13900;
	s6 =	simm.s32 $0xC00;
	[dreg:$0x1a] =	wrdreg s18  }
0x26: {  	s10 =	simm.s32 $0x1;
	s20 =	simm.s32 $0x780;
	[smem:$0x7EE] =	sst s6  }
0x27: {  	s7 =	simm.s32 $0x3;
	s21 =	simm.s32 $0x800;
	[dreg:$0x1b] =	wrdreg s20  }
0x28: {  	s9 =	simm.s32 $0x2;
	s22 =	simm.s32 $0x880;
	[dreg:$0x1c] =	wrdreg s21  }
0x29: {  	s8 =	simm.s32 $0x4;
	s23 =	simm.s32 $0x900;
	[dreg:$0x1d] =	wrdreg s22  }
0x2a: {  	s2 =	simm.s32 $0x80;
	s24 =	simm.s32 $0x980;
	[dreg:$0x1e] =	wrdreg s23  }
0x2b: {  	s17 =	simm.s32 $0x7900;
	s26 =	simm.s32 $0xA00;
	[dreg:$0x1f] =	wrdreg s24  }
0x2c: {  	s25 =	sshrl.u32 s1, $0x1;
	s4 =	simm.s32 $0xB00;
	[smem:$0x7EA] =	sst s26  }
0x2d: {  	s5 =	simm.s32 $0xB80;
	s18 =	simm.s32 $0x9900;
	[smem:$0x7EC] =	sst s4  }
0x2e: {  	s6 =	simm.s32 $0x40;
	[smem:$0x7ED] =	sst s5;
	s20 =	simm.s32 $0x1080  }
0x2f: {  	s1 =	ssub.s32 s1, s25;
	s21 =	simm.s32 $0x1100;
	[smem:$0x7F7] =	sst s20  }
0x30: {  	s5 =	simm.s32 $0x1900;
	s22 =	simm.s32 $0x1180;
	[smem:$0x7F8] =	sst s21  }
0x31: {  	s23 =	simm.s32 $0x1200;
	s1 =	smax.u32 s1, $0x1;
	[smem:$0x7F9] =	sst s22  }
0x32: {  	s24 =	simm.s32 $0x1280;
	[smem:$0x7FA] =	sst s23;
	p1 =	sne.s32 s1, $0x1  }
.Ltmp0:
0x33: {  	s25 =	simm.s32 $0x1300;
	[smem:$0x7FB] =	sst s24;
	(pc) =	sbr.rel @!p1 .LBB2_1-.Ltmp0, $4  }
0x34: {  	s4 =	simm.s32 $0xB900;
	s26 =	simm.s32 $0x1380;
	[smem:$0x7FC] =	sst s25  }
0x35: {  	[smem:$0x7FD] =	sst s26;
	s26 =	simm.s32 $0x1480;
	s25 =	simm.s32 $0x1600  }
0x36: {  	s20 =	simm.s32 $0x1680;
	s21 =	simm.s32 $0x1700;
	s22 =	simm.s32 $0x1780  }
0x37: {  	s23 =	simm.s32 $0x1800;
	s24 =	simm.s32 $0x1880;
	s1 =	sadd.s32 $0xFFFFFFFF, s1  }
0x38: {  	[tilespmem:s30], [sflag:$0x5] =	stream.linear.gather [hbm4b:s0+s30], $0x1900, $0x38;
	[tilespmem:$0x15900] =	vst v63  }
0x39: {  	_ =	swait.ge [sflag:s31], $0x1900  }
0x3a: {  	[sflag:s31] =	ssyncset.done $0x0  }
0x3b: {  	[sflag:s31] =	ssyncadd.s32 $0xFFFFE700  }
0x3c: {  	[tilespmem:s5], [sflag:$0x1] =	stream.indirect.gather [hbm4b:s3+s2], $0x40, s30, s2, $0xb8;
	[tilespmem:$0x15900] =	vst v63  }
0x3d: {  	_ = 	snop  }
0x3e: {  	[tilespmem:s15], [sflag:$0x1] =	stream.indirect.gather [hbm4b:s3+s2], $0x40, s2, s2, $0xb8;
	[tilespmem:$0x15900] =	vst v63  }
0x3f: {  	s0 =	rddreg [dreg:$0xe]  }
0x40: {  	[tilespmem:s16], [sflag:$0x1] =	stream.indirect.gather [hbm4b:s3+s2], $0x40, s0, s2, $0xb8;
	[tilespmem:$0x15900] =	vst v63  }
0x41: {  	s19 =	smov.u32 s1;
	s1 =	rddreg [dreg:$0xf]  }
0x42: {  	[tilespmem:s17], [sflag:$0x1] =	stream.indirect.gather [hbm4b:s3+s2], $0x40, s1, s2, $0xb8;
	[tilespmem:$0x15900] =	vst v63  }
0x43: {  	s0 =	rddreg [dreg:$0x10]  }
0x44: {  	[tilespmem:s18], [sflag:$0x1] =	stream.indirect.gather [hbm4b:s3+s2], $0x40, s0, s2, $0xb8;
	[tilespmem:$0x15900] =	vst v63  }
0x45: {  	s1 =	rddreg [dreg:$0x11]  }
0x46: {  	[tilespmem:s4], [sflag:$0x2] =	stream.indirect.gather [hbm4b:s3+s2], $0x40, s1, s2, $0xb8;
	[tilespmem:$0x15900] =	vst v63  }
0x47: {  	s0 =	rddreg [dreg:$0x12]  }
0x48: {  	[tilespmem:s11], [sflag:$0x2] =	stream.indirect.gather [hbm4b:s3+s2], $0x40, s0, s2, $0xb8;
	[tilespmem:$0x15900] =	vst v63  }
0x49: {  	s1 =	rddreg [dreg:$0x13]  }
0x4a: {  	[tilespmem:s12], [sflag:$0x2] =	stream.indirect.gather [hbm4b:s3+s2], $0x40, s1, s2, $0xb8;
	[tilespmem:$0x15900] =	vst v63  }
0x4b: {  	s0 =	rddreg [dreg:$0x14]  }
0x4c: {  	[tilespmem:s13], [sflag:$0x2] =	stream.indirect.gather [hbm4b:s3+s2], $0x40, s0, s2, $0xb8;
	[tilespmem:$0x15900] =	vst v63  }
0x4d: {  	s1 =	rddreg [dreg:$0x15]  }
0x4e: {  	[tilespmem:s14], [sflag:$0x2] =	stream.indirect.gather [hbm4b:s3+s2], $0x40, s1, s2, $0xb8;
	[tilespmem:$0x15900] =	vst v63  }
0x4f: {  	_ =	swait.ge [sflag:s10], $0x2000  }
0x50: {  	[sflag:s10] =	ssyncset.done $0x0  }
0x51: {  	[sflag:s10] =	ssyncadd.s32 $0xFFFFE000  }
0x52: {  	_ =	swait.ge [sflag:s10], $0x2000  }
0x53: {  	[sflag:s10] =	ssyncset.done $0x0  }
0x54: {  	[sflag:s10] =	ssyncadd.s32 $0xFFFFE000  }
0x55: {  	_ =	swait.ge [sflag:s10], $0x2000  }
0x56: {  	[sflag:s10] =	ssyncset.done $0x0  }
0x57: {  	[sflag:s10] =	ssyncadd.s32 $0xFFFFE000  }
0x58: {  	_ =	swait.ge [sflag:s10], $0x2000  }
0x59: {  	[sflag:s10] =	ssyncset.done $0x0  }
0x5a: {  	[sflag:s10] =	ssyncadd.s32 $0xFFFFE000  }
0x5b: {  	_ =	swait.ge [sflag:s10], $0x2000  }
0x5c: {  	[sflag:s10] =	ssyncset.done $0x0  }
0x5d: {  	s1 =	rddreg [dreg:$0x4];
	[sflag:s10] =	ssyncadd.s32 $0xFFFFE000  }
0x5e: {  	[hbm4b:s1+s6] =	stream.strided.scatter [tilespmem:s5], [sflag:$0x3], $0xA000, s2, s6, $0x38;
	[tilespmem:$0x15900] =	vst v63  }
0x5f: {  	_ =	swait.ge [sflag:s7], $0xA000  }
0x60: {  	[sflag:s7] =	ssyncset.done $0x0  }
0x61: {  	s0 =	rddreg [dreg:$0x16];
	[sflag:s7] =	ssyncadd.s32 $0xFFFF6000  }
0x62: {  	[tilespmem:s5], [sflag:$0x1] =	stream.indirect.gather [hbm4b:s3+s2], $0x40, s0, s2, $0xb8;
	[tilespmem:$0x15900] =	vst v63  }
0x63: {  	s1 =	rddreg [dreg:$0x17]  }
0x64: {  	[tilespmem:s15], [sflag:$0x1] =	stream.indirect.gather [hbm4b:s3+s2], $0x40, s1, s2, $0xb8;
	[tilespmem:$0x15900] =	vst v63  }
0x65: {  	s0 =	rddreg [dreg:$0x18]  }
0x66: {  	[tilespmem:s16], [sflag:$0x1] =	stream.indirect.gather [hbm4b:s3+s2], $0x40, s0, s2, $0xb8;
	[tilespmem:$0x15900] =	vst v63  }
0x67: {  	s1 =	rddreg [dreg:$0x19]  }
0x68: {  	[tilespmem:s17], [sflag:$0x1] =	stream.indirect.gather [hbm4b:s3+s2], $0x40, s1, s2, $0xb8;
	[tilespmem:$0x15900] =	vst v63  }
0x69: {  	s0 =	rddreg [dreg:$0x1a]  }
0x6a: {  	[tilespmem:s18], [sflag:$0x1] =	stream.indirect.gather [hbm4b:s3+s2], $0x40, s0, s2, $0xb8;
	[tilespmem:$0x15900] =	vst v63  }
0x6b: {  	_ =	swait.ge [sflag:s9], $0x2000  }
0x6c: {  	[sflag:s9] =	ssyncset.done $0x0  }
0x6d: {  	[sflag:s9] =	ssyncadd.s32 $0xFFFFE000  }
0x6e: {  	_ =	swait.ge [sflag:s9], $0x2000  }
0x6f: {  	[sflag:s9] =	ssyncset.done $0x0  }
0x70: {  	[sflag:s9] =	ssyncadd.s32 $0xFFFFE000  }
0x71: {  	_ =	swait.ge [sflag:s9], $0x2000  }
0x72: {  	[sflag:s9] =	ssyncset.done $0x0  }
0x73: {  	[sflag:s9] =	ssyncadd.s32 $0xFFFFE000  }
0x74: {  	_ =	swait.ge [sflag:s9], $0x2000  }
0x75: {  	[sflag:s9] =	ssyncset.done $0x0  }
0x76: {  	[sflag:s9] =	ssyncadd.s32 $0xFFFFE000  }
0x77: {  	_ =	swait.ge [sflag:s9], $0x2000  }
0x78: {  	[sflag:s9] =	ssyncset.done $0x0  }
0x79: {  	s1 =	rddreg [dreg:$0x5];
	[sflag:s9] =	ssyncadd.s32 $0xFFFFE000  }
0x7a: {  	[hbm4b:s1+s6] =	stream.strided.scatter [tilespmem:s4], [sflag:$0x4], $0xA000, s2, s6, $0x38;
	[tilespmem:$0x15900] =	vst v63  }
0x7b: {  	_ =	swait.ge [sflag:s8], $0xA000  }
0x7c: {  	[sflag:s8] =	ssyncset.done $0x0  }
0x7d: {  	s0 =	rddreg [dreg:$0x1b];
	[sflag:s8] =	ssyncadd.s32 $0xFFFF6000  }
0x7e: {  	[tilespmem:s4], [sflag:$0x2] =	stream.indirect.gather [hbm4b:s3+s2], $0x40, s0, s2, $0xb8;
	[tilespmem:$0x15900] =	vst v63  }
0x7f: {  	s1 =	rddreg [dreg:$0x1c]  }
0x80: {  	[tilespmem:s11], [sflag:$0x2] =	stream.indirect.gather [hbm4b:s3+s2], $0x40, s1, s2, $0xb8;
	[tilespmem:$0x15900] =	vst v63  }
0x81: {  	s0 =	rddreg [dreg:$0x1d]  }
0x82: {  	[tilespmem:s12], [sflag:$0x2] =	stream.indirect.gather [hbm4b:s3+s2], $0x40, s0, s2, $0xb8;
	[tilespmem:$0x15900] =	vst v63  }
0x83: {  	s1 =	rddreg [dreg:$0x1e]  }
0x84: {  	[tilespmem:s13], [sflag:$0x2] =	stream.indirect.gather [hbm4b:s3+s2], $0x40, s1, s2, $0xb8;
	[tilespmem:$0x15900] =	vst v63  }
0x85: {  	s0 =	rddreg [dreg:$0x1f]  }
0x86: {  	[tilespmem:s14], [sflag:$0x2] =	stream.indirect.gather [hbm4b:s3+s2], $0x40, s0, s2, $0xb8;
	[tilespmem:$0x15900] =	vst v63  }
0x87: {  	_ =	swait.ge [sflag:s10], $0x2000  }
0x88: {  	[sflag:s10] =	ssyncset.done $0x0  }
0x89: {  	[sflag:s10] =	ssyncadd.s32 $0xFFFFE000  }
0x8a: {  	_ =	swait.ge [sflag:s10], $0x2000  }
0x8b: {  	[sflag:s10] =	ssyncset.done $0x0  }
0x8c: {  	[sflag:s10] =	ssyncadd.s32 $0xFFFFE000  }
0x8d: {  	_ =	swait.ge [sflag:s10], $0x2000  }
0x8e: {  	[sflag:s10] =	ssyncset.done $0x0  }
0x8f: {  	[sflag:s10] =	ssyncadd.s32 $0xFFFFE000  }
0x90: {  	_ =	swait.ge [sflag:s10], $0x2000  }
0x91: {  	[sflag:s10] =	ssyncset.done $0x0  }
0x92: {  	[sflag:s10] =	ssyncadd.s32 $0xFFFFE000  }
0x93: {  	_ =	swait.ge [sflag:s10], $0x2000  }
0x94: {  	[sflag:s10] =	ssyncset.done $0x0  }
0x95: {  	s1 =	rddreg [dreg:$0x6];
	[sflag:s10] =	ssyncadd.s32 $0xFFFFE000  }
0x96: {  	[hbm4b:s1+s6] =	stream.strided.scatter [tilespmem:s5], [sflag:$0x3], $0xA000, s2, s6, $0x38;
	[tilespmem:$0x15900] =	vst v63  }
0x97: {  	_ =	swait.ge [sflag:s7], $0xA000  }
0x98: {  	s0 =	sld [smem:$0x7EA]  }
0x99: {  	[sflag:s7] =	ssyncset.done $0x0  }
0x9a: {  	s1 =	sld [smem:$0x7EB];
	[sflag:s7] =	ssyncadd.s32 $0xFFFF6000  }
0x9b: {  	[tilespmem:s5], [sflag:$0x1] =	stream.indirect.gather [hbm4b:s3+s2], $0x40, s0, s2, $0xb8;
	[tilespmem:$0x15900] =	vst v63  }
0x9c: {  	s0 =	sld [smem:$0x7EC]  }
0x9d: {  	[tilespmem:s15], [sflag:$0x1] =	stream.indirect.gather [hbm4b:s3+s2], $0x40, s1, s2, $0xb8;
	[tilespmem:$0x15900] =	vst v63  }
0x9e: {  	s1 =	sld [smem:$0x7ED]  }
0x9f: {  	[tilespmem:s16], [sflag:$0x1] =	stream.indirect.gather [hbm4b:s3+s2], $0x40, s0, s2, $0xb8;
	[tilespmem:$0x15900] =	vst v63  }
0xa0: {  	s0 =	sld [smem:$0x7EE]  }
0xa1: {  	[tilespmem:s17], [sflag:$0x1] =	stream.indirect.gather [hbm4b:s3+s2], $0x40, s1, s2, $0xb8;
	[tilespmem:$0x15900] =	vst v63  }
0xa2: {  	_ = 	snop  }
0xa3: {  	[tilespmem:s18], [sflag:$0x1] =	stream.indirect.gather [hbm4b:s3+s2], $0x40, s0, s2, $0xb8;
	[tilespmem:$0x15900] =	vst v63  }
0xa4: {  	_ =	swait.ge [sflag:s9], $0x2000  }
0xa5: {  	[sflag:s9] =	ssyncset.done $0x0  }
0xa6: {  	[sflag:s9] =	ssyncadd.s32 $0xFFFFE000  }
0xa7: {  	_ =	swait.ge [sflag:s9], $0x2000  }
0xa8: {  	[sflag:s9] =	ssyncset.done $0x0  }
0xa9: {  	[sflag:s9] =	ssyncadd.s32 $0xFFFFE000  }
0xaa: {  	_ =	swait.ge [sflag:s9], $0x2000  }
0xab: {  	[sflag:s9] =	ssyncset.done $0x0  }
0xac: {  	[sflag:s9] =	ssyncadd.s32 $0xFFFFE000  }
0xad: {  	_ =	swait.ge [sflag:s9], $0x2000  }
0xae: {  	[sflag:s9] =	ssyncset.done $0x0  }
0xaf: {  	[sflag:s9] =	ssyncadd.s32 $0xFFFFE000  }
0xb0: {  	_ =	swait.ge [sflag:s9], $0x2000  }
0xb1: {  	[sflag:s9] =	ssyncset.done $0x0  }
0xb2: {  	s1 =	rddreg [dreg:$0x7];
	[sflag:s9] =	ssyncadd.s32 $0xFFFFE000  }
0xb3: {  	[hbm4b:s1+s6] =	stream.strided.scatter [tilespmem:s4], [sflag:$0x4], $0xA000, s2, s6, $0x38;
	[tilespmem:$0x15900] =	vst v63  }
0xb4: {  	_ =	swait.ge [sflag:s8], $0xA000  }
0xb5: {  	s0 =	sld [smem:$0x7EF]  }
0xb6: {  	[sflag:s8] =	ssyncset.done $0x0  }
0xb7: {  	s1 =	sld [smem:$0x7F0];
	[sflag:s8] =	ssyncadd.s32 $0xFFFF6000  }
0xb8: {  	[tilespmem:s4], [sflag:$0x2] =	stream.indirect.gather [hbm4b:s3+s2], $0x40, s0, s2, $0xb8;
	[tilespmem:$0x15900] =	vst v63  }
0xb9: {  	s0 =	sld [smem:$0x7F1]  }
0xba: {  	[tilespmem:s11], [sflag:$0x2] =	stream.indirect.gather [hbm4b:s3+s2], $0x40, s1, s2, $0xb8;
	[tilespmem:$0x15900] =	vst v63  }
0xbb: {  	s1 =	sld [smem:$0x7F2]  }
0xbc: {  	[tilespmem:s12], [sflag:$0x2] =	stream.indirect.gather [hbm4b:s3+s2], $0x40, s0, s2, $0xb8;
	[tilespmem:$0x15900] =	vst v63  }
0xbd: {  	s0 =	sld [smem:$0x7F3]  }
0xbe: {  	[tilespmem:s13], [sflag:$0x2] =	stream.indirect.gather [hbm4b:s3+s2], $0x40, s1, s2, $0xb8;
	[tilespmem:$0x15900] =	vst v63  }
0xbf: {  	_ = 	snop  }
0xc0: {  	[tilespmem:s14], [sflag:$0x2] =	stream.indirect.gather [hbm4b:s3+s2], $0x40, s0, s2, $0xb8;
	[tilespmem:$0x15900] =	vst v63  }
0xc1: {  	_ =	swait.ge [sflag:s10], $0x2000  }
0xc2: {  	[sflag:s10] =	ssyncset.done $0x0  }
0xc3: {  	[sflag:s10] =	ssyncadd.s32 $0xFFFFE000  }
0xc4: {  	_ =	swait.ge [sflag:s10], $0x2000  }
0xc5: {  	[sflag:s10] =	ssyncset.done $0x0  }
0xc6: {  	[sflag:s10] =	ssyncadd.s32 $0xFFFFE000  }
0xc7: {  	_ =	swait.ge [sflag:s10], $0x2000  }
0xc8: {  	[sflag:s10] =	ssyncset.done $0x0  }
0xc9: {  	[sflag:s10] =	ssyncadd.s32 $0xFFFFE000  }
0xca: {  	_ =	swait.ge [sflag:s10], $0x2000  }
0xcb: {  	[sflag:s10] =	ssyncset.done $0x0  }
0xcc: {  	[sflag:s10] =	ssyncadd.s32 $0xFFFFE000  }
0xcd: {  	_ =	swait.ge [sflag:s10], $0x2000  }
0xce: {  	[sflag:s10] =	ssyncset.done $0x0  }
0xcf: {  	s1 =	rddreg [dreg:$0x8];
	[sflag:s10] =	ssyncadd.s32 $0xFFFFE000  }
0xd0: {  	[hbm4b:s1+s6] =	stream.strided.scatter [tilespmem:s5], [sflag:$0x3], $0xA000, s2, s6, $0x38;
	[tilespmem:$0x15900] =	vst v63  }
0xd1: {  	_ =	swait.ge [sflag:s7], $0xA000  }
0xd2: {  	s0 =	sld [smem:$0x7F4]  }
0xd3: {  	[sflag:s7] =	ssyncset.done $0x0  }
0xd4: {  	s1 =	sld [smem:$0x7F5];
	[sflag:s7] =	ssyncadd.s32 $0xFFFF6000  }
0xd5: {  	[tilespmem:s5], [sflag:$0x1] =	stream.indirect.gather [hbm4b:s3+s2], $0x40, s0, s2, $0xb8;
	[tilespmem:$0x15900] =	vst v63  }
0xd6: {  	s0 =	sld [smem:$0x7F6]  }
0xd7: {  	[tilespmem:s15], [sflag:$0x1] =	stream.indirect.gather [hbm4b:s3+s2], $0x40, s1, s2, $0xb8;
	[tilespmem:$0x15900] =	vst v63  }
0xd8: {  	s1 =	sld [smem:$0x7F7]  }
0xd9: {  	[tilespmem:s16], [sflag:$0x1] =	stream.indirect.gather [hbm4b:s3+s2], $0x40, s0, s2, $0xb8;
	[tilespmem:$0x15900] =	vst v63  }
0xda: {  	s0 =	sld [smem:$0x7F8]  }
0xdb: {  	[tilespmem:s17], [sflag:$0x1] =	stream.indirect.gather [hbm4b:s3+s2], $0x40, s1, s2, $0xb8;
	[tilespmem:$0x15900] =	vst v63  }
0xdc: {  	_ = 	snop  }
0xdd: {  	[tilespmem:s18], [sflag:$0x1] =	stream.indirect.gather [hbm4b:s3+s2], $0x40, s0, s2, $0xb8;
	[tilespmem:$0x15900] =	vst v63  }
0xde: {  	_ =	swait.ge [sflag:s9], $0x2000  }
0xdf: {  	[sflag:s9] =	ssyncset.done $0x0  }
0xe0: {  	[sflag:s9] =	ssyncadd.s32 $0xFFFFE000  }
0xe1: {  	_ =	swait.ge [sflag:s9], $0x2000  }
0xe2: {  	[sflag:s9] =	ssyncset.done $0x0  }
0xe3: {  	[sflag:s9] =	ssyncadd.s32 $0xFFFFE000  }
0xe4: {  	_ =	swait.ge [sflag:s9], $0x2000  }
0xe5: {  	[sflag:s9] =	ssyncset.done $0x0  }
0xe6: {  	[sflag:s9] =	ssyncadd.s32 $0xFFFFE000  }
0xe7: {  	_ =	swait.ge [sflag:s9], $0x2000  }
0xe8: {  	[sflag:s9] =	ssyncset.done $0x0  }
0xe9: {  	[sflag:s9] =	ssyncadd.s32 $0xFFFFE000  }
0xea: {  	_ =	swait.ge [sflag:s9], $0x2000  }
0xeb: {  	[sflag:s9] =	ssyncset.done $0x0  }
0xec: {  	s1 =	rddreg [dreg:$0x9];
	[sflag:s9] =	ssyncadd.s32 $0xFFFFE000  }
0xed: {  	[hbm4b:s1+s6] =	stream.strided.scatter [tilespmem:s4], [sflag:$0x4], $0xA000, s2, s6, $0x38;
	[tilespmem:$0x15900] =	vst v63  }
0xee: {  	_ =	swait.ge [sflag:s8], $0xA000  }
0xef: {  	s0 =	sld [smem:$0x7F9]  }
0xf0: {  	[sflag:s8] =	ssyncset.done $0x0  }
0xf1: {  	s1 =	sld [smem:$0x7FA];
	[sflag:s8] =	ssyncadd.s32 $0xFFFF6000  }
0xf2: {  	[tilespmem:s4], [sflag:$0x2] =	stream.indirect.gather [hbm4b:s3+s2], $0x40, s0, s2, $0xb8;
	[tilespmem:$0x15900] =	vst v63  }
0xf3: {  	s0 =	sld [smem:$0x7FB]  }
0xf4: {  	[tilespmem:s11], [sflag:$0x2] =	stream.indirect.gather [hbm4b:s3+s2], $0x40, s1, s2, $0xb8;
	[tilespmem:$0x15900] =	vst v63  }
0xf5: {  	s1 =	sld [smem:$0x7FC]  }
0xf6: {  	[tilespmem:s12], [sflag:$0x2] =	stream.indirect.gather [hbm4b:s3+s2], $0x40, s0, s2, $0xb8;
	[tilespmem:$0x15900] =	vst v63  }
0xf7: {  	s0 =	sld [smem:$0x7FD]  }
0xf8: {  	[tilespmem:s13], [sflag:$0x2] =	stream.indirect.gather [hbm4b:s3+s2], $0x40, s1, s2, $0xb8;
	[tilespmem:$0x15900] =	vst v63  }
0xf9: {  	_ = 	snop  }
0xfa: {  	[tilespmem:s14], [sflag:$0x2] =	stream.indirect.gather [hbm4b:s3+s2], $0x40, s0, s2, $0xb8;
	[tilespmem:$0x15900] =	vst v63  }
0xfb: {  	_ =	swait.ge [sflag:s10], $0x2000  }
0xfc: {  	[sflag:s10] =	ssyncset.done $0x0  }
0xfd: {  	[sflag:s10] =	ssyncadd.s32 $0xFFFFE000  }
0xfe: {  	_ =	swait.ge [sflag:s10], $0x2000  }
0xff: {  	[sflag:s10] =	ssyncset.done $0x0  }
0x100: {  	[sflag:s10] =	ssyncadd.s32 $0xFFFFE000  }
0x101: {  	_ =	swait.ge [sflag:s10], $0x2000  }
0x102: {  	[sflag:s10] =	ssyncset.done $0x0  }
0x103: {  	[sflag:s10] =	ssyncadd.s32 $0xFFFFE000  }
0x104: {  	_ =	swait.ge [sflag:s10], $0x2000  }
0x105: {  	[sflag:s10] =	ssyncset.done $0x0  }
0x106: {  	[sflag:s10] =	ssyncadd.s32 $0xFFFFE000  }
0x107: {  	_ =	swait.ge [sflag:s10], $0x2000  }
0x108: {  	[sflag:s10] =	ssyncset.done $0x0  }
0x109: {  	s1 =	rddreg [dreg:$0xa];
	[sflag:s10] =	ssyncadd.s32 $0xFFFFE000  }
0x10a: {  	[hbm4b:s1+s6] =	stream.strided.scatter [tilespmem:s5], [sflag:$0x3], $0xA000, s2, s6, $0x38;
	[tilespmem:$0x15900] =	vst v63  }
0x10b: {  	_ =	swait.ge [sflag:s7], $0xA000  }
0x10c: {  	[sflag:s7] =	ssyncset.done $0x0  }
0x10d: {  	s1 =	simm.s32 $0x1400;
	[sflag:s7] =	ssyncadd.s32 $0xFFFF6000  }
0x10e: {  	[tilespmem:s5], [sflag:$0x1] =	stream.indirect.gather [hbm4b:s3+s2], $0x40, s1, s2, $0xb8;
	[tilespmem:$0x15900] =	vst v63  }
0x10f: {  	_ = 	snop  }
0x110: {  	[tilespmem:s15], [sflag:$0x1] =	stream.indirect.gather [hbm4b:s3+s2], $0x40, s26, s2, $0xb8;
	[tilespmem:$0x15900] =	vst v63  }
0x111: {  	_ = 	snop  }
0x112: {  	[tilespmem:s16], [sflag:$0x1] =	stream.indirect.gather [hbm4b:s3+s2], $0x40, s28, s2, $0xb8;
	[tilespmem:$0x15900] =	vst v63  }
0x113: {  	_ = 	snop  }
0x114: {  	[tilespmem:s17], [sflag:$0x1] =	stream.indirect.gather [hbm4b:s3+s2], $0x40, s29, s2, $0xb8;
	[tilespmem:$0x15900] =	vst v63  }
0x115: {  	_ = 	snop  }
0x116: {  	[tilespmem:s18], [sflag:$0x1] =	stream.indirect.gather [hbm4b:s3+s2], $0x40, s25, s2, $0xb8;
	[tilespmem:$0x15900] =	vst v63  }
0x117: {  	_ =	swait.ge [sflag:s9], $0x2000  }
0x118: {  	[sflag:s9] =	ssyncset.done $0x0  }
0x119: {  	[sflag:s9] =	ssyncadd.s32 $0xFFFFE000  }
0x11a: {  	_ =	swait.ge [sflag:s9], $0x2000  }
0x11b: {  	[sflag:s9] =	ssyncset.done $0x0  }
0x11c: {  	[sflag:s9] =	ssyncadd.s32 $0xFFFFE000  }
0x11d: {  	_ =	swait.ge [sflag:s9], $0x2000  }
0x11e: {  	[sflag:s9] =	ssyncset.done $0x0  }
0x11f: {  	[sflag:s9] =	ssyncadd.s32 $0xFFFFE000  }
0x120: {  	_ =	swait.ge [sflag:s9], $0x2000  }
0x121: {  	[sflag:s9] =	ssyncset.done $0x0  }
0x122: {  	[sflag:s9] =	ssyncadd.s32 $0xFFFFE000  }
0x123: {  	_ =	swait.ge [sflag:s9], $0x2000  }
0x124: {  	[sflag:s9] =	ssyncset.done $0x0  }
0x125: {  	s1 =	rddreg [dreg:$0xb];
	[sflag:s9] =	ssyncadd.s32 $0xFFFFE000  }
0x126: {  	[hbm4b:s1+s6] =	stream.strided.scatter [tilespmem:s4], [sflag:$0x4], $0xA000, s2, s6, $0x38;
	[tilespmem:$0x15900] =	vst v63  }
0x127: {  	_ =	swait.ge [sflag:s8], $0xA000  }
0x128: {  	[sflag:s8] =	ssyncset.done $0x0  }
0x129: {  	[sflag:s8] =	ssyncadd.s32 $0xFFFF6000  }
0x12a: {  	[tilespmem:s4], [sflag:$0x2] =	stream.indirect.gather [hbm4b:s3+s2], $0x40, s20, s2, $0xb8;
	[tilespmem:$0x15900] =	vst v63  }
0x12b: {  	_ = 	snop  }
0x12c: {  	[tilespmem:s11], [sflag:$0x2] =	stream.indirect.gather [hbm4b:s3+s2], $0x40, s21, s2, $0xb8;
	[tilespmem:$0x15900] =	vst v63  }
0x12d: {  	_ = 	snop  }
0x12e: {  	[tilespmem:s12], [sflag:$0x2] =	stream.indirect.gather [hbm4b:s3+s2], $0x40, s22, s2, $0xb8;
	[tilespmem:$0x15900] =	vst v63  }
0x12f: {  	_ = 	snop  }
0x130: {  	[tilespmem:s13], [sflag:$0x2] =	stream.indirect.gather [hbm4b:s3+s2], $0x40, s23, s2, $0xb8;
	[tilespmem:$0x15900] =	vst v63  }
0x131: {  	_ = 	snop  }
0x132: {  	[tilespmem:s14], [sflag:$0x2] =	stream.indirect.gather [hbm4b:s3+s2], $0x40, s24, s2, $0xb8;
	[tilespmem:$0x15900] =	vst v63  }
0x133: {  	_ =	swait.ge [sflag:s10], $0x2000  }
0x134: {  	[sflag:s10] =	ssyncset.done $0x0  }
0x135: {  	[sflag:s10] =	ssyncadd.s32 $0xFFFFE000  }
0x136: {  	_ =	swait.ge [sflag:s10], $0x2000  }
0x137: {  	[sflag:s10] =	ssyncset.done $0x0  }
0x138: {  	[sflag:s10] =	ssyncadd.s32 $0xFFFFE000  }
0x139: {  	_ =	swait.ge [sflag:s10], $0x2000  }
0x13a: {  	[sflag:s10] =	ssyncset.done $0x0  }
0x13b: {  	[sflag:s10] =	ssyncadd.s32 $0xFFFFE000  }
0x13c: {  	_ =	swait.ge [sflag:s10], $0x2000  }
0x13d: {  	[sflag:s10] =	ssyncset.done $0x0  }
0x13e: {  	[sflag:s10] =	ssyncadd.s32 $0xFFFFE000  }
0x13f: {  	_ =	swait.ge [sflag:s10], $0x2000  }
0x140: {  	[sflag:s10] =	ssyncset.done $0x0  }
0x141: {  	s1 =	rddreg [dreg:$0xc];
	[sflag:s10] =	ssyncadd.s32 $0xFFFFE000  }
0x142: {  	[hbm4b:s1+s6] =	stream.strided.scatter [tilespmem:s5], [sflag:$0x3], $0xA000, s2, s6, $0x38;
	[tilespmem:$0x15900] =	vst v63  }
0x143: {  	_ =	swait.ge [sflag:s9], $0x2000  }
0x144: {  	[sflag:s9] =	ssyncset.done $0x0  }
0x145: {  	[sflag:s9] =	ssyncadd.s32 $0xFFFFE000  }
0x146: {  	_ =	swait.ge [sflag:s9], $0x2000  }
0x147: {  	[sflag:s9] =	ssyncset.done $0x0  }
0x148: {  	[sflag:s9] =	ssyncadd.s32 $0xFFFFE000  }
0x149: {  	_ =	swait.ge [sflag:s9], $0x2000  }
0x14a: {  	[sflag:s9] =	ssyncset.done $0x0  }
0x14b: {  	[sflag:s9] =	ssyncadd.s32 $0xFFFFE000  }
0x14c: {  	_ =	swait.ge [sflag:s9], $0x2000  }
0x14d: {  	[sflag:s9] =	ssyncset.done $0x0  }
0x14e: {  	[sflag:s9] =	ssyncadd.s32 $0xFFFFE000  }
0x14f: {  	_ =	swait.ge [sflag:s9], $0x2000  }
0x150: {  	[sflag:s9] =	ssyncset.done $0x0  }
0x151: {  	p1 =	sne.s32 s19, $0x1;
	s1 =	rddreg [dreg:$0xd];
	[sflag:s9] =	ssyncadd.s32 $0xFFFFE000  }
0x152: {  	[hbm4b:s1+s6] =	stream.strided.scatter [tilespmem:s4], [sflag:$0x4], $0xA000, s2, s6, $0x38;
	[tilespmem:$0x15900] =	vst v63  }
.Ltmp1:
0x153: {  	_ =	swait.ge [sflag:s7], $0xA000;
	(pc) =	sbr.rel @!p1 .LBB2_3-.Ltmp1, $4  }
0x154: {  	[sflag:s7] =	ssyncset.done $0x0  }
0x155: {  	[sflag:s7] =	ssyncadd.s32 $0xFFFF6000  }
0x156: {  	p0 =	por $0x1, $0x1;
	_ =	swait.ge [sflag:s8], $0xA000  }
0x157: {  	s1 =	sadd.s32 $0xFFFFFFFF, s19;
	s0 =	rddreg [dreg:$0x3];
	[sflag:s8] =	ssyncset.done $0x0  }
.LBB2_4:
0x158: {  	[sflag:s8] =	ssyncadd.s32 $0xFFFF6000  }
0x159: {  	[tilespmem:s30], [sflag:$0x5] =	stream.linear.gather [hbm4b:s0+s30], $0x1900, $0x38;
	[tilespmem:$0x15900] =	vst v63  }
0x15a: {  	_ =	swait.ge [sflag:s31], $0x1900  }
0x15b: {  	[sflag:s31] =	ssyncset.done $0x0  }
0x15c: {  	[sflag:s31] =	ssyncadd.s32 $0xFFFFE700  }
0x15d: {  	[tilespmem:s5], [sflag:$0x1] =	stream.indirect.gather [hbm4b:s3+s2], $0x40, s30, s2, $0xb8;
	[tilespmem:$0x15900] =	vst v63  }
0x15e: {  	_ = 	snop  }
0x15f: {  	[tilespmem:s15], [sflag:$0x1] =	stream.indirect.gather [hbm4b:s3+s2], $0x40, s2, s2, $0xb8;
	[tilespmem:$0x15900] =	vst v63  }
0x160: {  	s0 =	rddreg [dreg:$0xe]  }
0x161: {  	[tilespmem:s16], [sflag:$0x1] =	stream.indirect.gather [hbm4b:s3+s2], $0x40, s0, s2, $0xb8;
	[tilespmem:$0x15900] =	vst v63  }
0x162: {  	s19 =	rddreg [dreg:$0xf]  }
0x163: {  	[tilespmem:s17], [sflag:$0x1] =	stream.indirect.gather [hbm4b:s3+s2], $0x40, s19, s2, $0xb8;
	[tilespmem:$0x15900] =	vst v63  }
0x164: {  	s0 =	rddreg [dreg:$0x10]  }
0x165: {  	[tilespmem:s18], [sflag:$0x1] =	stream.indirect.gather [hbm4b:s3+s2], $0x40, s0, s2, $0xb8;
	[tilespmem:$0x15900] =	vst v63  }
0x166: {  	s19 =	rddreg [dreg:$0x11]  }
0x167: {  	[tilespmem:s4], [sflag:$0x2] =	stream.indirect.gather [hbm4b:s3+s2], $0x40, s19, s2, $0xb8;
	[tilespmem:$0x15900] =	vst v63  }
0x168: {  	s0 =	rddreg [dreg:$0x12]  }
0x169: {  	[tilespmem:s11], [sflag:$0x2] =	stream.indirect.gather [hbm4b:s3+s2], $0x40, s0, s2, $0xb8;
	[tilespmem:$0x15900] =	vst v63  }
0x16a: {  	s19 =	rddreg [dreg:$0x13]  }
0x16b: {  	[tilespmem:s12], [sflag:$0x2] =	stream.indirect.gather [hbm4b:s3+s2], $0x40, s19, s2, $0xb8;
	[tilespmem:$0x15900] =	vst v63  }
0x16c: {  	s0 =	rddreg [dreg:$0x14]  }
0x16d: {  	[tilespmem:s13], [sflag:$0x2] =	stream.indirect.gather [hbm4b:s3+s2], $0x40, s0, s2, $0xb8;
	[tilespmem:$0x15900] =	vst v63  }
0x16e: {  	s19 =	rddreg [dreg:$0x15]  }
0x16f: {  	[tilespmem:s14], [sflag:$0x2] =	stream.indirect.gather [hbm4b:s3+s2], $0x40, s19, s2, $0xb8;
	[tilespmem:$0x15900] =	vst v63  }
0x170: {  	_ =	swait.ge [sflag:s10], $0x2000  }
0x171: {  	[sflag:s10] =	ssyncset.done $0x0  }
0x172: {  	[sflag:s10] =	ssyncadd.s32 $0xFFFFE000  }
0x173: {  	_ =	swait.ge [sflag:s10], $0x2000  }
0x174: {  	[sflag:s10] =	ssyncset.done $0x0  }
0x175: {  	[sflag:s10] =	ssyncadd.s32 $0xFFFFE000  }
0x176: {  	_ =	swait.ge [sflag:s10], $0x2000  }
0x177: {  	[sflag:s10] =	ssyncset.done $0x0  }
0x178: {  	[sflag:s10] =	ssyncadd.s32 $0xFFFFE000  }
0x179: {  	_ =	swait.ge [sflag:s10], $0x2000  }
0x17a: {  	[sflag:s10] =	ssyncset.done $0x0  }
0x17b: {  	[sflag:s10] =	ssyncadd.s32 $0xFFFFE000  }
0x17c: {  	_ =	swait.ge [sflag:s10], $0x2000  }
0x17d: {  	[sflag:s10] =	ssyncset.done $0x0  }
0x17e: {  	s19 =	rddreg [dreg:$0x4];
	[sflag:s10] =	ssyncadd.s32 $0xFFFFE000  }
0x17f: {  	[hbm4b:s19+s6] =	stream.strided.scatter [tilespmem:s5], [sflag:$0x3], $0xA000, s2, s6, $0x38;
	[tilespmem:$0x15900] =	vst v63  }
0x180: {  	_ =	swait.ge [sflag:s7], $0xA000  }
0x181: {  	[sflag:s7] =	ssyncset.done $0x0  }
0x182: {  	s0 =	rddreg [dreg:$0x16];
	[sflag:s7] =	ssyncadd.s32 $0xFFFF6000  }
0x183: {  	[tilespmem:s5], [sflag:$0x1] =	stream.indirect.gather [hbm4b:s3+s2], $0x40, s0, s2, $0xb8;
	[tilespmem:$0x15900] =	vst v63  }
0x184: {  	s19 =	rddreg [dreg:$0x17]  }
0x185: {  	[tilespmem:s15], [sflag:$0x1] =	stream.indirect.gather [hbm4b:s3+s2], $0x40, s19, s2, $0xb8;
	[tilespmem:$0x15900] =	vst v63  }
0x186: {  	s0 =	rddreg [dreg:$0x18]  }
0x187: {  	[tilespmem:s16], [sflag:$0x1] =	stream.indirect.gather [hbm4b:s3+s2], $0x40, s0, s2, $0xb8;
	[tilespmem:$0x15900] =	vst v63  }
0x188: {  	s19 =	rddreg [dreg:$0x19]  }
0x189: {  	[tilespmem:s17], [sflag:$0x1] =	stream.indirect.gather [hbm4b:s3+s2], $0x40, s19, s2, $0xb8;
	[tilespmem:$0x15900] =	vst v63  }
0x18a: {  	s0 =	rddreg [dreg:$0x1a]  }
0x18b: {  	[tilespmem:s18], [sflag:$0x1] =	stream.indirect.gather [hbm4b:s3+s2], $0x40, s0, s2, $0xb8;
	[tilespmem:$0x15900] =	vst v63  }
0x18c: {  	_ =	swait.ge [sflag:s9], $0x2000  }
0x18d: {  	[sflag:s9] =	ssyncset.done $0x0  }
0x18e: {  	[sflag:s9] =	ssyncadd.s32 $0xFFFFE000  }
0x18f: {  	_ =	swait.ge [sflag:s9], $0x2000  }
0x190: {  	[sflag:s9] =	ssyncset.done $0x0  }
0x191: {  	[sflag:s9] =	ssyncadd.s32 $0xFFFFE000  }
0x192: {  	_ =	swait.ge [sflag:s9], $0x2000  }
0x193: {  	[sflag:s9] =	ssyncset.done $0x0  }
0x194: {  	[sflag:s9] =	ssyncadd.s32 $0xFFFFE000  }
0x195: {  	_ =	swait.ge [sflag:s9], $0x2000  }
0x196: {  	[sflag:s9] =	ssyncset.done $0x0  }
0x197: {  	[sflag:s9] =	ssyncadd.s32 $0xFFFFE000  }
0x198: {  	_ =	swait.ge [sflag:s9], $0x2000  }
0x199: {  	[sflag:s9] =	ssyncset.done $0x0  }
0x19a: {  	s19 =	rddreg [dreg:$0x5];
	[sflag:s9] =	ssyncadd.s32 $0xFFFFE000  }
0x19b: {  	[hbm4b:s19+s6] =	stream.strided.scatter [tilespmem:s4], [sflag:$0x4], $0xA000, s2, s6, $0x38;
	[tilespmem:$0x15900] =	vst v63  }
0x19c: {  	_ =	swait.ge [sflag:s8], $0xA000  }
0x19d: {  	[sflag:s8] =	ssyncset.done $0x0  }
0x19e: {  	s0 =	rddreg [dreg:$0x1b];
	[sflag:s8] =	ssyncadd.s32 $0xFFFF6000  }
0x19f: {  	[tilespmem:s4], [sflag:$0x2] =	stream.indirect.gather [hbm4b:s3+s2], $0x40, s0, s2, $0xb8;
	[tilespmem:$0x15900] =	vst v63  }
0x1a0: {  	s19 =	rddreg [dreg:$0x1c]  }
0x1a1: {  	[tilespmem:s11], [sflag:$0x2] =	stream.indirect.gather [hbm4b:s3+s2], $0x40, s19, s2, $0xb8;
	[tilespmem:$0x15900] =	vst v63  }
0x1a2: {  	s0 =	rddreg [dreg:$0x1d]  }
0x1a3: {  	[tilespmem:s12], [sflag:$0x2] =	stream.indirect.gather [hbm4b:s3+s2], $0x40, s0, s2, $0xb8;
	[tilespmem:$0x15900] =	vst v63  }
0x1a4: {  	s19 =	rddreg [dreg:$0x1e]  }
0x1a5: {  	[tilespmem:s13], [sflag:$0x2] =	stream.indirect.gather [hbm4b:s3+s2], $0x40, s19, s2, $0xb8;
	[tilespmem:$0x15900] =	vst v63  }
0x1a6: {  	s0 =	rddreg [dreg:$0x1f]  }
0x1a7: {  	[tilespmem:s14], [sflag:$0x2] =	stream.indirect.gather [hbm4b:s3+s2], $0x40, s0, s2, $0xb8;
	[tilespmem:$0x15900] =	vst v63  }
0x1a8: {  	_ =	swait.ge [sflag:s10], $0x2000  }
0x1a9: {  	[sflag:s10] =	ssyncset.done $0x0  }
0x1aa: {  	[sflag:s10] =	ssyncadd.s32 $0xFFFFE000  }
0x1ab: {  	_ =	swait.ge [sflag:s10], $0x2000  }
0x1ac: {  	[sflag:s10] =	ssyncset.done $0x0  }
0x1ad: {  	[sflag:s10] =	ssyncadd.s32 $0xFFFFE000  }
0x1ae: {  	_ =	swait.ge [sflag:s10], $0x2000  }
0x1af: {  	[sflag:s10] =	ssyncset.done $0x0  }
0x1b0: {  	[sflag:s10] =	ssyncadd.s32 $0xFFFFE000  }
0x1b1: {  	_ =	swait.ge [sflag:s10], $0x2000  }
0x1b2: {  	[sflag:s10] =	ssyncset.done $0x0  }
0x1b3: {  	[sflag:s10] =	ssyncadd.s32 $0xFFFFE000  }
0x1b4: {  	_ =	swait.ge [sflag:s10], $0x2000  }
0x1b5: {  	[sflag:s10] =	ssyncset.done $0x0  }
0x1b6: {  	s19 =	rddreg [dreg:$0x6];
	[sflag:s10] =	ssyncadd.s32 $0xFFFFE000  }
0x1b7: {  	[hbm4b:s19+s6] =	stream.strided.scatter [tilespmem:s5], [sflag:$0x3], $0xA000, s2, s6, $0x38;
	[tilespmem:$0x15900] =	vst v63  }
0x1b8: {  	_ =	swait.ge [sflag:s7], $0xA000  }
0x1b9: {  	s0 =	sld [smem:$0x7EA]  }
0x1ba: {  	[sflag:s7] =	ssyncset.done $0x0  }
0x1bb: {  	s19 =	sld [smem:$0x7EB];
	[sflag:s7] =	ssyncadd.s32 $0xFFFF6000  }
0x1bc: {  	[tilespmem:s5], [sflag:$0x1] =	stream.indirect.gather [hbm4b:s3+s2], $0x40, s0, s2, $0xb8;
	[tilespmem:$0x15900] =	vst v63  }
0x1bd: {  	s0 =	sld [smem:$0x7EC]  }
0x1be: {  	[tilespmem:s15], [sflag:$0x1] =	stream.indirect.gather [hbm4b:s3+s2], $0x40, s19, s2, $0xb8;
	[tilespmem:$0x15900] =	vst v63  }
0x1bf: {  	s19 =	sld [smem:$0x7ED]  }
0x1c0: {  	[tilespmem:s16], [sflag:$0x1] =	stream.indirect.gather [hbm4b:s3+s2], $0x40, s0, s2, $0xb8;
	[tilespmem:$0x15900] =	vst v63  }
0x1c1: {  	s0 =	sld [smem:$0x7EE]  }
0x1c2: {  	[tilespmem:s17], [sflag:$0x1] =	stream.indirect.gather [hbm4b:s3+s2], $0x40, s19, s2, $0xb8;
	[tilespmem:$0x15900] =	vst v63  }
0x1c3: {  	_ = 	snop  }
0x1c4: {  	[tilespmem:s18], [sflag:$0x1] =	stream.indirect.gather [hbm4b:s3+s2], $0x40, s0, s2, $0xb8;
	[tilespmem:$0x15900] =	vst v63  }
0x1c5: {  	_ =	swait.ge [sflag:s9], $0x2000  }
0x1c6: {  	[sflag:s9] =	ssyncset.done $0x0  }
0x1c7: {  	[sflag:s9] =	ssyncadd.s32 $0xFFFFE000  }
0x1c8: {  	_ =	swait.ge [sflag:s9], $0x2000  }
0x1c9: {  	[sflag:s9] =	ssyncset.done $0x0  }
0x1ca: {  	[sflag:s9] =	ssyncadd.s32 $0xFFFFE000  }
0x1cb: {  	_ =	swait.ge [sflag:s9], $0x2000  }
0x1cc: {  	[sflag:s9] =	ssyncset.done $0x0  }
0x1cd: {  	[sflag:s9] =	ssyncadd.s32 $0xFFFFE000  }
0x1ce: {  	_ =	swait.ge [sflag:s9], $0x2000  }
0x1cf: {  	[sflag:s9] =	ssyncset.done $0x0  }
0x1d0: {  	[sflag:s9] =	ssyncadd.s32 $0xFFFFE000  }
0x1d1: {  	_ =	swait.ge [sflag:s9], $0x2000  }
0x1d2: {  	[sflag:s9] =	ssyncset.done $0x0  }
0x1d3: {  	s19 =	rddreg [dreg:$0x7];
	[sflag:s9] =	ssyncadd.s32 $0xFFFFE000  }
0x1d4: {  	[hbm4b:s19+s6] =	stream.strided.scatter [tilespmem:s4], [sflag:$0x4], $0xA000, s2, s6, $0x38;
	[tilespmem:$0x15900] =	vst v63  }
0x1d5: {  	_ =	swait.ge [sflag:s8], $0xA000  }
0x1d6: {  	s0 =	sld [smem:$0x7EF]  }
0x1d7: {  	[sflag:s8] =	ssyncset.done $0x0  }
0x1d8: {  	s19 =	sld [smem:$0x7F0];
	[sflag:s8] =	ssyncadd.s32 $0xFFFF6000  }
0x1d9: {  	[tilespmem:s4], [sflag:$0x2] =	stream.indirect.gather [hbm4b:s3+s2], $0x40, s0, s2, $0xb8;
	[tilespmem:$0x15900] =	vst v63  }
0x1da: {  	s0 =	sld [smem:$0x7F1]  }
0x1db: {  	[tilespmem:s11], [sflag:$0x2] =	stream.indirect.gather [hbm4b:s3+s2], $0x40, s19, s2, $0xb8;
	[tilespmem:$0x15900] =	vst v63  }
0x1dc: {  	s19 =	sld [smem:$0x7F2]  }
0x1dd: {  	[tilespmem:s12], [sflag:$0x2] =	stream.indirect.gather [hbm4b:s3+s2], $0x40, s0, s2, $0xb8;
	[tilespmem:$0x15900] =	vst v63  }
0x1de: {  	s0 =	sld [smem:$0x7F3]  }
0x1df: {  	[tilespmem:s13], [sflag:$0x2] =	stream.indirect.gather [hbm4b:s3+s2], $0x40, s19, s2, $0xb8;
	[tilespmem:$0x15900] =	vst v63  }
0x1e0: {  	_ = 	snop  }
0x1e1: {  	[tilespmem:s14], [sflag:$0x2] =	stream.indirect.gather [hbm4b:s3+s2], $0x40, s0, s2, $0xb8;
	[tilespmem:$0x15900] =	vst v63  }
0x1e2: {  	_ =	swait.ge [sflag:s10], $0x2000  }
0x1e3: {  	[sflag:s10] =	ssyncset.done $0x0  }
0x1e4: {  	[sflag:s10] =	ssyncadd.s32 $0xFFFFE000  }
0x1e5: {  	_ =	swait.ge [sflag:s10], $0x2000  }
0x1e6: {  	[sflag:s10] =	ssyncset.done $0x0  }
0x1e7: {  	[sflag:s10] =	ssyncadd.s32 $0xFFFFE000  }
0x1e8: {  	_ =	swait.ge [sflag:s10], $0x2000  }
0x1e9: {  	[sflag:s10] =	ssyncset.done $0x0  }
0x1ea: {  	[sflag:s10] =	ssyncadd.s32 $0xFFFFE000  }
0x1eb: {  	_ =	swait.ge [sflag:s10], $0x2000  }
0x1ec: {  	[sflag:s10] =	ssyncset.done $0x0  }
0x1ed: {  	[sflag:s10] =	ssyncadd.s32 $0xFFFFE000  }
0x1ee: {  	_ =	swait.ge [sflag:s10], $0x2000  }
0x1ef: {  	[sflag:s10] =	ssyncset.done $0x0  }
0x1f0: {  	s19 =	rddreg [dreg:$0x8];
	[sflag:s10] =	ssyncadd.s32 $0xFFFFE000  }
0x1f1: {  	[hbm4b:s19+s6] =	stream.strided.scatter [tilespmem:s5], [sflag:$0x3], $0xA000, s2, s6, $0x38;
	[tilespmem:$0x15900] =	vst v63  }
0x1f2: {  	_ =	swait.ge [sflag:s7], $0xA000  }
0x1f3: {  	s0 =	sld [smem:$0x7F4]  }
0x1f4: {  	[sflag:s7] =	ssyncset.done $0x0  }
0x1f5: {  	s19 =	sld [smem:$0x7F5];
	[sflag:s7] =	ssyncadd.s32 $0xFFFF6000  }
0x1f6: {  	[tilespmem:s5], [sflag:$0x1] =	stream.indirect.gather [hbm4b:s3+s2], $0x40, s0, s2, $0xb8;
	[tilespmem:$0x15900] =	vst v63  }
0x1f7: {  	s0 =	sld [smem:$0x7F6]  }
0x1f8: {  	[tilespmem:s15], [sflag:$0x1] =	stream.indirect.gather [hbm4b:s3+s2], $0x40, s19, s2, $0xb8;
	[tilespmem:$0x15900] =	vst v63  }
0x1f9: {  	s19 =	sld [smem:$0x7F7]  }
0x1fa: {  	[tilespmem:s16], [sflag:$0x1] =	stream.indirect.gather [hbm4b:s3+s2], $0x40, s0, s2, $0xb8;
	[tilespmem:$0x15900] =	vst v63  }
0x1fb: {  	s0 =	sld [smem:$0x7F8]  }
0x1fc: {  	[tilespmem:s17], [sflag:$0x1] =	stream.indirect.gather [hbm4b:s3+s2], $0x40, s19, s2, $0xb8;
	[tilespmem:$0x15900] =	vst v63  }
0x1fd: {  	_ = 	snop  }
0x1fe: {  	[tilespmem:s18], [sflag:$0x1] =	stream.indirect.gather [hbm4b:s3+s2], $0x40, s0, s2, $0xb8;
	[tilespmem:$0x15900] =	vst v63  }
0x1ff: {  	_ =	swait.ge [sflag:s9], $0x2000  }
0x200: {  	[sflag:s9] =	ssyncset.done $0x0  }
0x201: {  	[sflag:s9] =	ssyncadd.s32 $0xFFFFE000  }
0x202: {  	_ =	swait.ge [sflag:s9], $0x2000  }
0x203: {  	[sflag:s9] =	ssyncset.done $0x0  }
0x204: {  	[sflag:s9] =	ssyncadd.s32 $0xFFFFE000  }
0x205: {  	_ =	swait.ge [sflag:s9], $0x2000  }
0x206: {  	[sflag:s9] =	ssyncset.done $0x0  }
0x207: {  	[sflag:s9] =	ssyncadd.s32 $0xFFFFE000  }
0x208: {  	_ =	swait.ge [sflag:s9], $0x2000  }
0x209: {  	[sflag:s9] =	ssyncset.done $0x0  }
0x20a: {  	[sflag:s9] =	ssyncadd.s32 $0xFFFFE000  }
0x20b: {  	_ =	swait.ge [sflag:s9], $0x2000  }
0x20c: {  	[sflag:s9] =	ssyncset.done $0x0  }
0x20d: {  	s19 =	rddreg [dreg:$0x9];
	[sflag:s9] =	ssyncadd.s32 $0xFFFFE000  }
0x20e: {  	[hbm4b:s19+s6] =	stream.strided.scatter [tilespmem:s4], [sflag:$0x4], $0xA000, s2, s6, $0x38;
	[tilespmem:$0x15900] =	vst v63  }
0x20f: {  	_ =	swait.ge [sflag:s8], $0xA000  }
0x210: {  	s0 =	sld [smem:$0x7F9]  }
0x211: {  	[sflag:s8] =	ssyncset.done $0x0  }
0x212: {  	s19 =	sld [smem:$0x7FA];
	[sflag:s8] =	ssyncadd.s32 $0xFFFF6000  }
0x213: {  	[tilespmem:s4], [sflag:$0x2] =	stream.indirect.gather [hbm4b:s3+s2], $0x40, s0, s2, $0xb8;
	[tilespmem:$0x15900] =	vst v63  }
0x214: {  	s0 =	sld [smem:$0x7FB]  }
0x215: {  	[tilespmem:s11], [sflag:$0x2] =	stream.indirect.gather [hbm4b:s3+s2], $0x40, s19, s2, $0xb8;
	[tilespmem:$0x15900] =	vst v63  }
0x216: {  	s19 =	sld [smem:$0x7FC]  }
0x217: {  	[tilespmem:s12], [sflag:$0x2] =	stream.indirect.gather [hbm4b:s3+s2], $0x40, s0, s2, $0xb8;
	[tilespmem:$0x15900] =	vst v63  }
0x218: {  	s0 =	sld [smem:$0x7FD]  }
0x219: {  	[tilespmem:s13], [sflag:$0x2] =	stream.indirect.gather [hbm4b:s3+s2], $0x40, s19, s2, $0xb8;
	[tilespmem:$0x15900] =	vst v63  }
0x21a: {  	_ = 	snop  }
0x21b: {  	[tilespmem:s14], [sflag:$0x2] =	stream.indirect.gather [hbm4b:s3+s2], $0x40, s0, s2, $0xb8;
	[tilespmem:$0x15900] =	vst v63  }
0x21c: {  	_ =	swait.ge [sflag:s10], $0x2000  }
0x21d: {  	[sflag:s10] =	ssyncset.done $0x0  }
0x21e: {  	[sflag:s10] =	ssyncadd.s32 $0xFFFFE000  }
0x21f: {  	_ =	swait.ge [sflag:s10], $0x2000  }
0x220: {  	[sflag:s10] =	ssyncset.done $0x0  }
0x221: {  	[sflag:s10] =	ssyncadd.s32 $0xFFFFE000  }
0x222: {  	_ =	swait.ge [sflag:s10], $0x2000  }
0x223: {  	[sflag:s10] =	ssyncset.done $0x0  }
0x224: {  	[sflag:s10] =	ssyncadd.s32 $0xFFFFE000  }
0x225: {  	_ =	swait.ge [sflag:s10], $0x2000  }
0x226: {  	[sflag:s10] =	ssyncset.done $0x0  }
0x227: {  	[sflag:s10] =	ssyncadd.s32 $0xFFFFE000  }
0x228: {  	_ =	swait.ge [sflag:s10], $0x2000  }
0x229: {  	[sflag:s10] =	ssyncset.done $0x0  }
0x22a: {  	s19 =	rddreg [dreg:$0xa];
	[sflag:s10] =	ssyncadd.s32 $0xFFFFE000  }
0x22b: {  	[hbm4b:s19+s6] =	stream.strided.scatter [tilespmem:s5], [sflag:$0x3], $0xA000, s2, s6, $0x38;
	[tilespmem:$0x15900] =	vst v63  }
0x22c: {  	_ =	swait.ge [sflag:s7], $0xA000  }
0x22d: {  	[sflag:s7] =	ssyncset.done $0x0  }
0x22e: {  	s19 =	simm.s32 $0x1400;
	[sflag:s7] =	ssyncadd.s32 $0xFFFF6000  }
0x22f: {  	[tilespmem:s5], [sflag:$0x1] =	stream.indirect.gather [hbm4b:s3+s2], $0x40, s19, s2, $0xb8;
	[tilespmem:$0x15900] =	vst v63  }
0x230: {  	_ = 	snop  }
0x231: {  	[tilespmem:s15], [sflag:$0x1] =	stream.indirect.gather [hbm4b:s3+s2], $0x40, s26, s2, $0xb8;
	[tilespmem:$0x15900] =	vst v63  }
0x232: {  	_ = 	snop  }
0x233: {  	[tilespmem:s16], [sflag:$0x1] =	stream.indirect.gather [hbm4b:s3+s2], $0x40, s28, s2, $0xb8;
	[tilespmem:$0x15900] =	vst v63  }
0x234: {  	_ = 	snop  }
0x235: {  	[tilespmem:s17], [sflag:$0x1] =	stream.indirect.gather [hbm4b:s3+s2], $0x40, s29, s2, $0xb8;
	[tilespmem:$0x15900] =	vst v63  }
0x236: {  	_ = 	snop  }
0x237: {  	[tilespmem:s18], [sflag:$0x1] =	stream.indirect.gather [hbm4b:s3+s2], $0x40, s25, s2, $0xb8;
	[tilespmem:$0x15900] =	vst v63  }
0x238: {  	_ =	swait.ge [sflag:s9], $0x2000  }
0x239: {  	[sflag:s9] =	ssyncset.done $0x0  }
0x23a: {  	[sflag:s9] =	ssyncadd.s32 $0xFFFFE000  }
0x23b: {  	_ =	swait.ge [sflag:s9], $0x2000  }
0x23c: {  	[sflag:s9] =	ssyncset.done $0x0  }
0x23d: {  	[sflag:s9] =	ssyncadd.s32 $0xFFFFE000  }
0x23e: {  	_ =	swait.ge [sflag:s9], $0x2000  }
0x23f: {  	[sflag:s9] =	ssyncset.done $0x0  }
0x240: {  	[sflag:s9] =	ssyncadd.s32 $0xFFFFE000  }
0x241: {  	_ =	swait.ge [sflag:s9], $0x2000  }
0x242: {  	[sflag:s9] =	ssyncset.done $0x0  }
0x243: {  	[sflag:s9] =	ssyncadd.s32 $0xFFFFE000  }
0x244: {  	_ =	swait.ge [sflag:s9], $0x2000  }
0x245: {  	[sflag:s9] =	ssyncset.done $0x0  }
0x246: {  	s19 =	rddreg [dreg:$0xb];
	[sflag:s9] =	ssyncadd.s32 $0xFFFFE000  }
0x247: {  	[hbm4b:s19+s6] =	stream.strided.scatter [tilespmem:s4], [sflag:$0x4], $0xA000, s2, s6, $0x38;
	[tilespmem:$0x15900] =	vst v63  }
0x248: {  	_ =	swait.ge [sflag:s8], $0xA000  }
0x249: {  	[sflag:s8] =	ssyncset.done $0x0  }
0x24a: {  	[sflag:s8] =	ssyncadd.s32 $0xFFFF6000  }
0x24b: {  	[tilespmem:s4], [sflag:$0x2] =	stream.indirect.gather [hbm4b:s3+s2], $0x40, s20, s2, $0xb8;
	[tilespmem:$0x15900] =	vst v63  }
0x24c: {  	_ = 	snop  }
0x24d: {  	[tilespmem:s11], [sflag:$0x2] =	stream.indirect.gather [hbm4b:s3+s2], $0x40, s21, s2, $0xb8;
	[tilespmem:$0x15900] =	vst v63  }
0x24e: {  	_ = 	snop  }
0x24f: {  	[tilespmem:s12], [sflag:$0x2] =	stream.indirect.gather [hbm4b:s3+s2], $0x40, s22, s2, $0xb8;
	[tilespmem:$0x15900] =	vst v63  }
0x250: {  	_ = 	snop  }
0x251: {  	[tilespmem:s13], [sflag:$0x2] =	stream.indirect.gather [hbm4b:s3+s2], $0x40, s23, s2, $0xb8;
	[tilespmem:$0x15900] =	vst v63  }
0x252: {  	_ = 	snop  }
0x253: {  	[tilespmem:s14], [sflag:$0x2] =	stream.indirect.gather [hbm4b:s3+s2], $0x40, s24, s2, $0xb8;
	[tilespmem:$0x15900] =	vst v63  }
0x254: {  	_ =	swait.ge [sflag:s10], $0x2000  }
0x255: {  	[sflag:s10] =	ssyncset.done $0x0  }
0x256: {  	[sflag:s10] =	ssyncadd.s32 $0xFFFFE000  }
0x257: {  	_ =	swait.ge [sflag:s10], $0x2000  }
0x258: {  	[sflag:s10] =	ssyncset.done $0x0  }
0x259: {  	[sflag:s10] =	ssyncadd.s32 $0xFFFFE000  }
0x25a: {  	_ =	swait.ge [sflag:s10], $0x2000  }
0x25b: {  	[sflag:s10] =	ssyncset.done $0x0  }
0x25c: {  	[sflag:s10] =	ssyncadd.s32 $0xFFFFE000  }
0x25d: {  	_ =	swait.ge [sflag:s10], $0x2000  }
0x25e: {  	[sflag:s10] =	ssyncset.done $0x0  }
0x25f: {  	[sflag:s10] =	ssyncadd.s32 $0xFFFFE000  }
0x260: {  	_ =	swait.ge [sflag:s10], $0x2000  }
0x261: {  	[sflag:s10] =	ssyncset.done $0x0  }
0x262: {  	s19 =	rddreg [dreg:$0xc];
	[sflag:s10] =	ssyncadd.s32 $0xFFFFE000  }
0x263: {  	[hbm4b:s19+s6] =	stream.strided.scatter [tilespmem:s5], [sflag:$0x3], $0xA000, s2, s6, $0x38;
	[tilespmem:$0x15900] =	vst v63  }
0x264: {  	_ =	swait.ge [sflag:s9], $0x2000  }
0x265: {  	[sflag:s9] =	ssyncset.done $0x0  }
0x266: {  	[sflag:s9] =	ssyncadd.s32 $0xFFFFE000  }
0x267: {  	_ =	swait.ge [sflag:s9], $0x2000  }
0x268: {  	[sflag:s9] =	ssyncset.done $0x0  }
0x269: {  	[sflag:s9] =	ssyncadd.s32 $0xFFFFE000  }
0x26a: {  	_ =	swait.ge [sflag:s9], $0x2000  }
0x26b: {  	[sflag:s9] =	ssyncset.done $0x0  }
0x26c: {  	[sflag:s9] =	ssyncadd.s32 $0xFFFFE000  }
0x26d: {  	_ =	swait.ge [sflag:s9], $0x2000  }
0x26e: {  	[sflag:s9] =	ssyncset.done $0x0  }
0x26f: {  	[sflag:s9] =	ssyncadd.s32 $0xFFFFE000  }
0x270: {  	_ =	swait.ge [sflag:s9], $0x2000  }
0x271: {  	[sflag:s9] =	ssyncset.done $0x0  }
0x272: {  	p1 =	sne.s32 s1, $0x1;
	s19 =	rddreg [dreg:$0xd];
	[sflag:s9] =	ssyncadd.s32 $0xFFFFE000  }
0x273: {  	[hbm4b:s19+s6] =	stream.strided.scatter [tilespmem:s4], [sflag:$0x4], $0xA000, s2, s6, $0x38;
	[tilespmem:$0x15900] =	vst v63  }
.Ltmp2:
0x274: {  	_ =	swait.ge [sflag:s7], $0xA000;
	(pc) =	sbr.rel @p1 .LBB2_4-.Ltmp2, $4  }
0x275: {  	[sflag:s7] =	ssyncset.done $0x0  }
0x276: {  	[sflag:s7] =	ssyncadd.s32 $0xFFFF6000  }
0x277: {  	_ =	swait.ge [sflag:s8], $0xA000  }
0x278: {  	s1 =	sadd.s32 $0xFFFFFFFF, s1;
	s0 =	rddreg [dreg:$0x3];
	[sflag:s8] =	ssyncset.done $0x0  }
0x279: {  	s24 =	simm.s32 $0x1600  }
0x27a: {  	s29 =	simm.s32 $0x1580;
	s28 =	simm.s32 $0x1500;
	s26 =	simm.s32 $0x1480  }
0x27b: {  	s25 =	simm.s32 $0x1400;
	s23 =	simm.s32 $0x1800;
	s22 =	simm.s32 $0x1780  }
0x27c: {  	s21 =	simm.s32 $0x1700;
	s20 =	simm.s32 $0x1680;
	s19 =	stileid.u32  }
.LBB2_6:
0x27d: {  	[sflag:s8] =	ssyncadd.s32 @p0 $0xFFFF6000  }
0x27e: {  	[tilespmem:s30], [sflag:$0x5] =	stream.linear.gather [hbm4b:s0+s30], $0x1900, $0x38;
	[tilespmem:$0x15900] =	vst v63  }
0x27f: {  	_ =	swait.ge [sflag:s31], $0x1900  }
0x280: {  	[sflag:s31] =	ssyncset.done $0x0  }
0x281: {  	[sflag:s31] =	ssyncadd.s32 $0xFFFFE700  }
0x282: {  	[tilespmem:s5], [sflag:$0x1] =	stream.indirect.gather [hbm4b:s3+s2], $0x40, s30, s2, $0xb8;
	[tilespmem:$0x15900] =	vst v63  }
0x283: {  	_ = 	snop  }
0x284: {  	[tilespmem:s15], [sflag:$0x1] =	stream.indirect.gather [hbm4b:s3+s2], $0x40, s2, s2, $0xb8;
	[tilespmem:$0x15900] =	vst v63  }
0x285: {  	s31 =	rddreg [dreg:$0xe]  }
0x286: {  	[tilespmem:s16], [sflag:$0x1] =	stream.indirect.gather [hbm4b:s3+s2], $0x40, s31, s2, $0xb8;
	[tilespmem:$0x15900] =	vst v63  }
0x287: {  	s1 =	rddreg [dreg:$0xf]  }
0x288: {  	[tilespmem:s17], [sflag:$0x1] =	stream.indirect.gather [hbm4b:s3+s2], $0x40, s1, s2, $0xb8;
	[tilespmem:$0x15900] =	vst v63  }
0x289: {  	s30 =	rddreg [dreg:$0x10]  }
0x28a: {  	[tilespmem:s18], [sflag:$0x1] =	stream.indirect.gather [hbm4b:s3+s2], $0x40, s30, s2, $0xb8;
	[tilespmem:$0x15900] =	vst v63  }
0x28b: {  	s31 =	rddreg [dreg:$0x11]  }
0x28c: {  	[tilespmem:s4], [sflag:$0x2] =	stream.indirect.gather [hbm4b:s3+s2], $0x40, s31, s2, $0xb8;
	[tilespmem:$0x15900] =	vst v63  }
0x28d: {  	s30 =	rddreg [dreg:$0x12]  }
0x28e: {  	[tilespmem:s11], [sflag:$0x2] =	stream.indirect.gather [hbm4b:s3+s2], $0x40, s30, s2, $0xb8;
	[tilespmem:$0x15900] =	vst v63  }
0x28f: {  	s31 =	rddreg [dreg:$0x13]  }
0x290: {  	[tilespmem:s12], [sflag:$0x2] =	stream.indirect.gather [hbm4b:s3+s2], $0x40, s31, s2, $0xb8;
	[tilespmem:$0x15900] =	vst v63  }
0x291: {  	s30 =	rddreg [dreg:$0x14]  }
0x292: {  	[tilespmem:s13], [sflag:$0x2] =	stream.indirect.gather [hbm4b:s3+s2], $0x40, s30, s2, $0xb8;
	[tilespmem:$0x15900] =	vst v63  }
0x293: {  	s31 =	rddreg [dreg:$0x15]  }
0x294: {  	[tilespmem:s14], [sflag:$0x2] =	stream.indirect.gather [hbm4b:s3+s2], $0x40, s31, s2, $0xb8;
	[tilespmem:$0x15900] =	vst v63  }
0x295: {  	_ =	swait.ge [sflag:s10], $0x2000  }
0x296: {  	[sflag:s10] =	ssyncset.done $0x0  }
0x297: {  	[sflag:s10] =	ssyncadd.s32 $0xFFFFE000  }
0x298: {  	_ =	swait.ge [sflag:s10], $0x2000  }
0x299: {  	[sflag:s10] =	ssyncset.done $0x0  }
0x29a: {  	[sflag:s10] =	ssyncadd.s32 $0xFFFFE000  }
0x29b: {  	_ =	swait.ge [sflag:s10], $0x2000  }
0x29c: {  	[sflag:s10] =	ssyncset.done $0x0  }
0x29d: {  	[sflag:s10] =	ssyncadd.s32 $0xFFFFE000  }
0x29e: {  	_ =	swait.ge [sflag:s10], $0x2000  }
0x29f: {  	[sflag:s10] =	ssyncset.done $0x0  }
0x2a0: {  	[sflag:s10] =	ssyncadd.s32 $0xFFFFE000  }
0x2a1: {  	_ =	swait.ge [sflag:s10], $0x2000  }
0x2a2: {  	[sflag:s10] =	ssyncset.done $0x0  }
0x2a3: {  	s1 =	rddreg [dreg:$0x4];
	[sflag:s10] =	ssyncadd.s32 $0xFFFFE000  }
0x2a4: {  	[hbm4b:s1+s6] =	stream.strided.scatter [tilespmem:s5], [sflag:$0x3], $0xA000, s2, s6, $0x38;
	[tilespmem:$0x15900] =	vst v63  }
0x2a5: {  	_ =	swait.ge [sflag:s7], $0xA000  }
0x2a6: {  	[sflag:s7] =	ssyncset.done $0x0  }
0x2a7: {  	s30 =	rddreg [dreg:$0x16];
	[sflag:s7] =	ssyncadd.s32 $0xFFFF6000  }
0x2a8: {  	[tilespmem:s5], [sflag:$0x1] =	stream.indirect.gather [hbm4b:s3+s2], $0x40, s30, s2, $0xb8;
	[tilespmem:$0x15900] =	vst v63  }
0x2a9: {  	s31 =	rddreg [dreg:$0x17]  }
0x2aa: {  	[tilespmem:s15], [sflag:$0x1] =	stream.indirect.gather [hbm4b:s3+s2], $0x40, s31, s2, $0xb8;
	[tilespmem:$0x15900] =	vst v63  }
0x2ab: {  	s30 =	rddreg [dreg:$0x18]  }
0x2ac: {  	[tilespmem:s16], [sflag:$0x1] =	stream.indirect.gather [hbm4b:s3+s2], $0x40, s30, s2, $0xb8;
	[tilespmem:$0x15900] =	vst v63  }
0x2ad: {  	s31 =	rddreg [dreg:$0x19]  }
0x2ae: {  	[tilespmem:s17], [sflag:$0x1] =	stream.indirect.gather [hbm4b:s3+s2], $0x40, s31, s2, $0xb8;
	[tilespmem:$0x15900] =	vst v63  }
0x2af: {  	s30 =	rddreg [dreg:$0x1a]  }
0x2b0: {  	[tilespmem:s18], [sflag:$0x1] =	stream.indirect.gather [hbm4b:s3+s2], $0x40, s30, s2, $0xb8;
	[tilespmem:$0x15900] =	vst v63  }
0x2b1: {  	_ =	swait.ge [sflag:s9], $0x2000  }
0x2b2: {  	[sflag:s9] =	ssyncset.done $0x0  }
0x2b3: {  	[sflag:s9] =	ssyncadd.s32 $0xFFFFE000  }
0x2b4: {  	_ =	swait.ge [sflag:s9], $0x2000  }
0x2b5: {  	[sflag:s9] =	ssyncset.done $0x0  }
0x2b6: {  	[sflag:s9] =	ssyncadd.s32 $0xFFFFE000  }
0x2b7: {  	_ =	swait.ge [sflag:s9], $0x2000  }
0x2b8: {  	[sflag:s9] =	ssyncset.done $0x0  }
0x2b9: {  	[sflag:s9] =	ssyncadd.s32 $0xFFFFE000  }
0x2ba: {  	_ =	swait.ge [sflag:s9], $0x2000  }
0x2bb: {  	[sflag:s9] =	ssyncset.done $0x0  }
0x2bc: {  	[sflag:s9] =	ssyncadd.s32 $0xFFFFE000  }
0x2bd: {  	_ =	swait.ge [sflag:s9], $0x2000  }
0x2be: {  	[sflag:s9] =	ssyncset.done $0x0  }
0x2bf: {  	s31 =	rddreg [dreg:$0x5];
	[sflag:s9] =	ssyncadd.s32 $0xFFFFE000  }
0x2c0: {  	[hbm4b:s31+s6] =	stream.strided.scatter [tilespmem:s4], [sflag:$0x4], $0xA000, s2, s6, $0x38;
	[tilespmem:$0x15900] =	vst v63  }
0x2c1: {  	_ =	swait.ge [sflag:s8], $0xA000  }
0x2c2: {  	[sflag:s8] =	ssyncset.done $0x0  }
0x2c3: {  	s1 =	rddreg [dreg:$0x1b];
	[sflag:s8] =	ssyncadd.s32 $0xFFFF6000  }
0x2c4: {  	[tilespmem:s4], [sflag:$0x2] =	stream.indirect.gather [hbm4b:s3+s2], $0x40, s1, s2, $0xb8;
	[tilespmem:$0x15900] =	vst v63  }
0x2c5: {  	s30 =	rddreg [dreg:$0x1c]  }
0x2c6: {  	[tilespmem:s11], [sflag:$0x2] =	stream.indirect.gather [hbm4b:s3+s2], $0x40, s30, s2, $0xb8;
	[tilespmem:$0x15900] =	vst v63  }
0x2c7: {  	s31 =	rddreg [dreg:$0x1d]  }
0x2c8: {  	[tilespmem:s12], [sflag:$0x2] =	stream.indirect.gather [hbm4b:s3+s2], $0x40, s31, s2, $0xb8;
	[tilespmem:$0x15900] =	vst v63  }
0x2c9: {  	s30 =	rddreg [dreg:$0x1e]  }
0x2ca: {  	[tilespmem:s13], [sflag:$0x2] =	stream.indirect.gather [hbm4b:s3+s2], $0x40, s30, s2, $0xb8;
	[tilespmem:$0x15900] =	vst v63  }
0x2cb: {  	s31 =	rddreg [dreg:$0x1f]  }
0x2cc: {  	[tilespmem:s14], [sflag:$0x2] =	stream.indirect.gather [hbm4b:s3+s2], $0x40, s31, s2, $0xb8;
	[tilespmem:$0x15900] =	vst v63  }
0x2cd: {  	_ =	swait.ge [sflag:s10], $0x2000  }
0x2ce: {  	[sflag:s10] =	ssyncset.done $0x0  }
0x2cf: {  	[sflag:s10] =	ssyncadd.s32 $0xFFFFE000  }
0x2d0: {  	_ =	swait.ge [sflag:s10], $0x2000  }
0x2d1: {  	[sflag:s10] =	ssyncset.done $0x0  }
0x2d2: {  	[sflag:s10] =	ssyncadd.s32 $0xFFFFE000  }
0x2d3: {  	_ =	swait.ge [sflag:s10], $0x2000  }
0x2d4: {  	[sflag:s10] =	ssyncset.done $0x0  }
0x2d5: {  	[sflag:s10] =	ssyncadd.s32 $0xFFFFE000  }
0x2d6: {  	_ =	swait.ge [sflag:s10], $0x2000  }
0x2d7: {  	[sflag:s10] =	ssyncset.done $0x0  }
0x2d8: {  	[sflag:s10] =	ssyncadd.s32 $0xFFFFE000  }
0x2d9: {  	_ =	swait.ge [sflag:s10], $0x2000  }
0x2da: {  	[sflag:s10] =	ssyncset.done $0x0  }
0x2db: {  	s1 =	rddreg [dreg:$0x6];
	[sflag:s10] =	ssyncadd.s32 $0xFFFFE000  }
0x2dc: {  	[hbm4b:s1+s6] =	stream.strided.scatter [tilespmem:s5], [sflag:$0x3], $0xA000, s2, s6, $0x38;
	[tilespmem:$0x15900] =	vst v63  }
0x2dd: {  	_ =	swait.ge [sflag:s7], $0xA000  }
0x2de: {  	s30 =	sld [smem:$0x7EA]  }
0x2df: {  	[sflag:s7] =	ssyncset.done $0x0  }
0x2e0: {  	s31 =	sld [smem:$0x7EB];
	[sflag:s7] =	ssyncadd.s32 $0xFFFF6000  }
0x2e1: {  	[tilespmem:s5], [sflag:$0x1] =	stream.indirect.gather [hbm4b:s3+s2], $0x40, s30, s2, $0xb8;
	[tilespmem:$0x15900] =	vst v63  }
0x2e2: {  	s30 =	sld [smem:$0x7EC]  }
0x2e3: {  	[tilespmem:s15], [sflag:$0x1] =	stream.indirect.gather [hbm4b:s3+s2], $0x40, s31, s2, $0xb8;
	[tilespmem:$0x15900] =	vst v63  }
0x2e4: {  	s31 =	sld [smem:$0x7ED]  }
0x2e5: {  	[tilespmem:s16], [sflag:$0x1] =	stream.indirect.gather [hbm4b:s3+s2], $0x40, s30, s2, $0xb8;
	[tilespmem:$0x15900] =	vst v63  }
0x2e6: {  	s30 =	sld [smem:$0x7EE]  }
0x2e7: {  	[tilespmem:s17], [sflag:$0x1] =	stream.indirect.gather [hbm4b:s3+s2], $0x40, s31, s2, $0xb8;
	[tilespmem:$0x15900] =	vst v63  }
0x2e8: {  	_ = 	snop  }
0x2e9: {  	[tilespmem:s18], [sflag:$0x1] =	stream.indirect.gather [hbm4b:s3+s2], $0x40, s30, s2, $0xb8;
	[tilespmem:$0x15900] =	vst v63  }
0x2ea: {  	_ =	swait.ge [sflag:s9], $0x2000  }
0x2eb: {  	[sflag:s9] =	ssyncset.done $0x0  }
0x2ec: {  	[sflag:s9] =	ssyncadd.s32 $0xFFFFE000  }
0x2ed: {  	_ =	swait.ge [sflag:s9], $0x2000  }
0x2ee: {  	[sflag:s9] =	ssyncset.done $0x0  }
0x2ef: {  	[sflag:s9] =	ssyncadd.s32 $0xFFFFE000  }
0x2f0: {  	_ =	swait.ge [sflag:s9], $0x2000  }
0x2f1: {  	[sflag:s9] =	ssyncset.done $0x0  }
0x2f2: {  	[sflag:s9] =	ssyncadd.s32 $0xFFFFE000  }
0x2f3: {  	_ =	swait.ge [sflag:s9], $0x2000  }
0x2f4: {  	[sflag:s9] =	ssyncset.done $0x0  }
0x2f5: {  	[sflag:s9] =	ssyncadd.s32 $0xFFFFE000  }
0x2f6: {  	_ =	swait.ge [sflag:s9], $0x2000  }
0x2f7: {  	[sflag:s9] =	ssyncset.done $0x0  }
0x2f8: {  	s31 =	rddreg [dreg:$0x7];
	[sflag:s9] =	ssyncadd.s32 $0xFFFFE000  }
0x2f9: {  	[hbm4b:s31+s6] =	stream.strided.scatter [tilespmem:s4], [sflag:$0x4], $0xA000, s2, s6, $0x38;
	[tilespmem:$0x15900] =	vst v63  }
0x2fa: {  	_ =	swait.ge [sflag:s8], $0xA000  }
0x2fb: {  	s1 =	sld [smem:$0x7EF]  }
0x2fc: {  	[sflag:s8] =	ssyncset.done $0x0  }
0x2fd: {  	s30 =	sld [smem:$0x7F0];
	[sflag:s8] =	ssyncadd.s32 $0xFFFF6000  }
0x2fe: {  	[tilespmem:s4], [sflag:$0x2] =	stream.indirect.gather [hbm4b:s3+s2], $0x40, s1, s2, $0xb8;
	[tilespmem:$0x15900] =	vst v63  }
0x2ff: {  	s31 =	sld [smem:$0x7F1]  }
0x300: {  	[tilespmem:s11], [sflag:$0x2] =	stream.indirect.gather [hbm4b:s3+s2], $0x40, s30, s2, $0xb8;
	[tilespmem:$0x15900] =	vst v63  }
0x301: {  	s30 =	sld [smem:$0x7F2]  }
0x302: {  	[tilespmem:s12], [sflag:$0x2] =	stream.indirect.gather [hbm4b:s3+s2], $0x40, s31, s2, $0xb8;
	[tilespmem:$0x15900] =	vst v63  }
0x303: {  	s31 =	sld [smem:$0x7F3]  }
0x304: {  	[tilespmem:s13], [sflag:$0x2] =	stream.indirect.gather [hbm4b:s3+s2], $0x40, s30, s2, $0xb8;
	[tilespmem:$0x15900] =	vst v63  }
0x305: {  	_ = 	snop  }
0x306: {  	[tilespmem:s14], [sflag:$0x2] =	stream.indirect.gather [hbm4b:s3+s2], $0x40, s31, s2, $0xb8;
	[tilespmem:$0x15900] =	vst v63  }
0x307: {  	_ =	swait.ge [sflag:s10], $0x2000  }
0x308: {  	[sflag:s10] =	ssyncset.done $0x0  }
0x309: {  	[sflag:s10] =	ssyncadd.s32 $0xFFFFE000  }
0x30a: {  	_ =	swait.ge [sflag:s10], $0x2000  }
0x30b: {  	[sflag:s10] =	ssyncset.done $0x0  }
0x30c: {  	[sflag:s10] =	ssyncadd.s32 $0xFFFFE000  }
0x30d: {  	_ =	swait.ge [sflag:s10], $0x2000  }
0x30e: {  	[sflag:s10] =	ssyncset.done $0x0  }
0x30f: {  	[sflag:s10] =	ssyncadd.s32 $0xFFFFE000  }
0x310: {  	_ =	swait.ge [sflag:s10], $0x2000  }
0x311: {  	[sflag:s10] =	ssyncset.done $0x0  }
0x312: {  	[sflag:s10] =	ssyncadd.s32 $0xFFFFE000  }
0x313: {  	_ =	swait.ge [sflag:s10], $0x2000  }
0x314: {  	[sflag:s10] =	ssyncset.done $0x0  }
0x315: {  	s1 =	rddreg [dreg:$0x8];
	[sflag:s10] =	ssyncadd.s32 $0xFFFFE000  }
0x316: {  	[hbm4b:s1+s6] =	stream.strided.scatter [tilespmem:s5], [sflag:$0x3], $0xA000, s2, s6, $0x38;
	[tilespmem:$0x15900] =	vst v63  }
0x317: {  	_ =	swait.ge [sflag:s7], $0xA000  }
0x318: {  	s30 =	sld [smem:$0x7F4]  }
0x319: {  	[sflag:s7] =	ssyncset.done $0x0  }
0x31a: {  	s31 =	sld [smem:$0x7F5];
	[sflag:s7] =	ssyncadd.s32 $0xFFFF6000  }
0x31b: {  	[tilespmem:s5], [sflag:$0x1] =	stream.indirect.gather [hbm4b:s3+s2], $0x40, s30, s2, $0xb8;
	[tilespmem:$0x15900] =	vst v63  }
0x31c: {  	s30 =	sld [smem:$0x7F6]  }
0x31d: {  	[tilespmem:s15], [sflag:$0x1] =	stream.indirect.gather [hbm4b:s3+s2], $0x40, s31, s2, $0xb8;
	[tilespmem:$0x15900] =	vst v63  }
0x31e: {  	s31 =	sld [smem:$0x7F7]  }
0x31f: {  	[tilespmem:s16], [sflag:$0x1] =	stream.indirect.gather [hbm4b:s3+s2], $0x40, s30, s2, $0xb8;
	[tilespmem:$0x15900] =	vst v63  }
0x320: {  	s30 =	sld [smem:$0x7F8]  }
0x321: {  	[tilespmem:s17], [sflag:$0x1] =	stream.indirect.gather [hbm4b:s3+s2], $0x40, s31, s2, $0xb8;
	[tilespmem:$0x15900] =	vst v63  }
0x322: {  	_ = 	snop  }
0x323: {  	[tilespmem:s18], [sflag:$0x1] =	stream.indirect.gather [hbm4b:s3+s2], $0x40, s30, s2, $0xb8;
	[tilespmem:$0x15900] =	vst v63  }
0x324: {  	_ =	swait.ge [sflag:s9], $0x2000  }
0x325: {  	[sflag:s9] =	ssyncset.done $0x0  }
0x326: {  	[sflag:s9] =	ssyncadd.s32 $0xFFFFE000  }
0x327: {  	_ =	swait.ge [sflag:s9], $0x2000  }
0x328: {  	[sflag:s9] =	ssyncset.done $0x0  }
0x329: {  	[sflag:s9] =	ssyncadd.s32 $0xFFFFE000  }
0x32a: {  	_ =	swait.ge [sflag:s9], $0x2000  }
0x32b: {  	[sflag:s9] =	ssyncset.done $0x0  }
0x32c: {  	[sflag:s9] =	ssyncadd.s32 $0xFFFFE000  }
0x32d: {  	_ =	swait.ge [sflag:s9], $0x2000  }
0x32e: {  	[sflag:s9] =	ssyncset.done $0x0  }
0x32f: {  	[sflag:s9] =	ssyncadd.s32 $0xFFFFE000  }
0x330: {  	_ =	swait.ge [sflag:s9], $0x2000  }
0x331: {  	[sflag:s9] =	ssyncset.done $0x0  }
0x332: {  	s31 =	rddreg [dreg:$0x9];
	[sflag:s9] =	ssyncadd.s32 $0xFFFFE000  }
0x333: {  	[hbm4b:s31+s6] =	stream.strided.scatter [tilespmem:s4], [sflag:$0x4], $0xA000, s2, s6, $0x38;
	[tilespmem:$0x15900] =	vst v63  }
0x334: {  	_ =	swait.ge [sflag:s8], $0xA000  }
0x335: {  	s1 =	sld [smem:$0x7F9]  }
0x336: {  	[sflag:s8] =	ssyncset.done $0x0  }
0x337: {  	s30 =	sld [smem:$0x7FA];
	[sflag:s8] =	ssyncadd.s32 $0xFFFF6000  }
0x338: {  	[tilespmem:s4], [sflag:$0x2] =	stream.indirect.gather [hbm4b:s3+s2], $0x40, s1, s2, $0xb8;
	[tilespmem:$0x15900] =	vst v63  }
0x339: {  	s31 =	sld [smem:$0x7FB]  }
0x33a: {  	[tilespmem:s11], [sflag:$0x2] =	stream.indirect.gather [hbm4b:s3+s2], $0x40, s30, s2, $0xb8;
	[tilespmem:$0x15900] =	vst v63  }
0x33b: {  	s30 =	sld [smem:$0x7FC]  }
0x33c: {  	[tilespmem:s12], [sflag:$0x2] =	stream.indirect.gather [hbm4b:s3+s2], $0x40, s31, s2, $0xb8;
	[tilespmem:$0x15900] =	vst v63  }
0x33d: {  	s31 =	sld [smem:$0x7FD]  }
0x33e: {  	[tilespmem:s13], [sflag:$0x2] =	stream.indirect.gather [hbm4b:s3+s2], $0x40, s30, s2, $0xb8;
	[tilespmem:$0x15900] =	vst v63  }
0x33f: {  	_ = 	snop  }
0x340: {  	[tilespmem:s14], [sflag:$0x2] =	stream.indirect.gather [hbm4b:s3+s2], $0x40, s31, s2, $0xb8;
	[tilespmem:$0x15900] =	vst v63  }
0x341: {  	_ =	swait.ge [sflag:s10], $0x2000  }
0x342: {  	[sflag:s10] =	ssyncset.done $0x0  }
0x343: {  	[sflag:s10] =	ssyncadd.s32 $0xFFFFE000  }
0x344: {  	_ =	swait.ge [sflag:s10], $0x2000  }
0x345: {  	[sflag:s10] =	ssyncset.done $0x0  }
0x346: {  	[sflag:s10] =	ssyncadd.s32 $0xFFFFE000  }
0x347: {  	_ =	swait.ge [sflag:s10], $0x2000  }
0x348: {  	[sflag:s10] =	ssyncset.done $0x0  }
0x349: {  	[sflag:s10] =	ssyncadd.s32 $0xFFFFE000  }
0x34a: {  	_ =	swait.ge [sflag:s10], $0x2000  }
0x34b: {  	[sflag:s10] =	ssyncset.done $0x0  }
0x34c: {  	[sflag:s10] =	ssyncadd.s32 $0xFFFFE000  }
0x34d: {  	_ =	swait.ge [sflag:s10], $0x2000  }
0x34e: {  	[sflag:s10] =	ssyncset.done $0x0  }
0x34f: {  	s1 =	rddreg [dreg:$0xa];
	[sflag:s10] =	ssyncadd.s32 $0xFFFFE000  }
0x350: {  	[hbm4b:s1+s6] =	stream.strided.scatter [tilespmem:s5], [sflag:$0x3], $0xA000, s2, s6, $0x38;
	[tilespmem:$0x15900] =	vst v63  }
0x351: {  	_ =	swait.ge [sflag:s7], $0xA000  }
0x352: {  	[sflag:s7] =	ssyncset.done $0x0  }
0x353: {  	[sflag:s7] =	ssyncadd.s32 $0xFFFF6000  }
0x354: {  	[tilespmem:s5], [sflag:$0x1] =	stream.indirect.gather [hbm4b:s3+s2], $0x40, s25, s2, $0xb8;
	[tilespmem:$0x15900] =	vst v63  }
0x355: {  	_ = 	snop  }
0x356: {  	[tilespmem:s15], [sflag:$0x1] =	stream.indirect.gather [hbm4b:s3+s2], $0x40, s26, s2, $0xb8;
	[tilespmem:$0x15900] =	vst v63  }
0x357: {  	_ = 	snop  }
0x358: {  	[tilespmem:s16], [sflag:$0x1] =	stream.indirect.gather [hbm4b:s3+s2], $0x40, s28, s2, $0xb8;
	[tilespmem:$0x15900] =	vst v63  }
0x359: {  	_ = 	snop  }
0x35a: {  	[tilespmem:s17], [sflag:$0x1] =	stream.indirect.gather [hbm4b:s3+s2], $0x40, s29, s2, $0xb8;
	[tilespmem:$0x15900] =	vst v63  }
0x35b: {  	_ = 	snop  }
0x35c: {  	[tilespmem:s18], [sflag:$0x1] =	stream.indirect.gather [hbm4b:s3+s2], $0x40, s24, s2, $0xb8;
	[tilespmem:$0x15900] =	vst v63  }
0x35d: {  	_ =	swait.ge [sflag:s9], $0x2000  }
0x35e: {  	[sflag:s9] =	ssyncset.done $0x0  }
0x35f: {  	[sflag:s9] =	ssyncadd.s32 $0xFFFFE000  }
0x360: {  	_ =	swait.ge [sflag:s9], $0x2000  }
0x361: {  	[sflag:s9] =	ssyncset.done $0x0  }
0x362: {  	[sflag:s9] =	ssyncadd.s32 $0xFFFFE000  }
0x363: {  	_ =	swait.ge [sflag:s9], $0x2000  }
0x364: {  	[sflag:s9] =	ssyncset.done $0x0  }
0x365: {  	[sflag:s9] =	ssyncadd.s32 $0xFFFFE000  }
0x366: {  	_ =	swait.ge [sflag:s9], $0x2000  }
0x367: {  	[sflag:s9] =	ssyncset.done $0x0  }
0x368: {  	[sflag:s9] =	ssyncadd.s32 $0xFFFFE000  }
0x369: {  	_ =	swait.ge [sflag:s9], $0x2000  }
0x36a: {  	[sflag:s9] =	ssyncset.done $0x0  }
0x36b: {  	s28 =	rddreg [dreg:$0xb];
	[sflag:s9] =	ssyncadd.s32 $0xFFFFE000  }
0x36c: {  	[hbm4b:s28+s6] =	stream.strided.scatter [tilespmem:s4], [sflag:$0x4], $0xA000, s2, s6, $0x38;
	[tilespmem:$0x15900] =	vst v63  }
0x36d: {  	_ =	swait.ge [sflag:s8], $0xA000  }
0x36e: {  	[sflag:s8] =	ssyncset.done $0x0  }
0x36f: {  	[sflag:s8] =	ssyncadd.s32 $0xFFFF6000  }
0x370: {  	[tilespmem:s4], [sflag:$0x2] =	stream.indirect.gather [hbm4b:s3+s2], $0x40, s20, s2, $0xb8;
	[tilespmem:$0x15900] =	vst v63  }
0x371: {  	_ = 	snop  }
0x372: {  	[tilespmem:s11], [sflag:$0x2] =	stream.indirect.gather [hbm4b:s3+s2], $0x40, s21, s2, $0xb8;
	[tilespmem:$0x15900] =	vst v63  }
0x373: {  	_ = 	snop  }
0x374: {  	[tilespmem:s12], [sflag:$0x2] =	stream.indirect.gather [hbm4b:s3+s2], $0x40, s22, s2, $0xb8;
	[tilespmem:$0x15900] =	vst v63  }
0x375: {  	_ = 	snop  }
0x376: {  	[tilespmem:s13], [sflag:$0x2] =	stream.indirect.gather [hbm4b:s3+s2], $0x40, s23, s2, $0xb8;
	[tilespmem:$0x15900] =	vst v63  }
0x377: {  	s29 =	simm.s32 $0x1880  }
0x378: {  	[tilespmem:s14], [sflag:$0x2] =	stream.indirect.gather [hbm4b:s3+s2], $0x40, s29, s2, $0xb8;
	[tilespmem:$0x15900] =	vst v63  }
0x379: {  	_ =	swait.ge [sflag:s10], $0x2000  }
0x37a: {  	[sflag:s10] =	ssyncset.done $0x0  }
0x37b: {  	[sflag:s10] =	ssyncadd.s32 $0xFFFFE000  }
0x37c: {  	_ =	swait.ge [sflag:s10], $0x2000  }
0x37d: {  	[sflag:s10] =	ssyncset.done $0x0  }
0x37e: {  	[sflag:s10] =	ssyncadd.s32 $0xFFFFE000  }
0x37f: {  	_ =	swait.ge [sflag:s10], $0x2000  }
0x380: {  	[sflag:s10] =	ssyncset.done $0x0  }
0x381: {  	[sflag:s10] =	ssyncadd.s32 $0xFFFFE000  }
0x382: {  	_ =	swait.ge [sflag:s10], $0x2000  }
0x383: {  	[sflag:s10] =	ssyncset.done $0x0  }
0x384: {  	[sflag:s10] =	ssyncadd.s32 $0xFFFFE000  }
0x385: {  	_ =	swait.ge [sflag:s10], $0x2000  }
0x386: {  	[sflag:s10] =	ssyncset.done $0x0  }
0x387: {  	s30 =	rddreg [dreg:$0xc];
	[sflag:s10] =	ssyncadd.s32 $0xFFFFE000  }
0x388: {  	[hbm4b:s30+s6] =	stream.strided.scatter [tilespmem:s5], [sflag:$0x3], $0xA000, s2, s6, $0x38;
	[tilespmem:$0x15900] =	vst v63  }
0x389: {  	_ =	swait.ge [sflag:s9], $0x2000  }
0x38a: {  	[sflag:s9] =	ssyncset.done $0x0  }
0x38b: {  	[sflag:s9] =	ssyncadd.s32 $0xFFFFE000  }
0x38c: {  	_ =	swait.ge [sflag:s9], $0x2000  }
0x38d: {  	[sflag:s9] =	ssyncset.done $0x0  }
0x38e: {  	[sflag:s9] =	ssyncadd.s32 $0xFFFFE000  }
0x38f: {  	_ =	swait.ge [sflag:s9], $0x2000  }
0x390: {  	[sflag:s9] =	ssyncset.done $0x0  }
0x391: {  	[sflag:s9] =	ssyncadd.s32 $0xFFFFE000  }
0x392: {  	_ =	swait.ge [sflag:s9], $0x2000  }
0x393: {  	[sflag:s9] =	ssyncset.done $0x0  }
0x394: {  	[sflag:s9] =	ssyncadd.s32 $0xFFFFE000  }
0x395: {  	_ =	swait.ge [sflag:s9], $0x2000  }
0x396: {  	[sflag:s9] =	ssyncset.done $0x0  }
0x397: {  	s31 =	rddreg [dreg:$0xd];
	[sflag:s9] =	ssyncadd.s32 $0xFFFFE000  }
0x398: {  	[hbm4b:s31+s6] =	stream.strided.scatter [tilespmem:s4], [sflag:$0x4], $0xA000, s2, s6, $0x38;
	[tilespmem:$0x15900] =	vst v63  }
0x399: {  	_ =	swait.ge [sflag:s7], $0xA000  }
0x39a: {  	[sflag:s7] =	ssyncset.done $0x0  }
0x39b: {  	[sflag:s7] =	ssyncadd.s32 $0xFFFF6000  }
0x39c: {  	_ =	swait.ge [sflag:s8], $0xA000  }
0x39d: {  	[sflag:s8] =	ssyncset.done $0x0  }
0x39e: {  	[sflag:s8] =	ssyncadd.s32 $0xFFFF6000  }
0x39f: {  	_ =	sfence.sel $0x180000  }
0x3a0: {  	[bflag:$0x0] =	sbarrier.arrive $0xFFFF  }
0x3a1: {  	_ =	strace $0x90000047  }
0x3a2: {  	[bflag:$0x2] =	sbarrier.arrive $0xFFFF  }
0x3a3: {  	p0 =	sne.s32 s19, $0x0;
	s0 =	rddreg [dreg:$0x2]  }
0x3a4: {  	s0 =	sadd.s32 @!p0 $0x100000, s0  }
0x3a5: {  	[sflag:s0] =	ssyncadd.tile.s32 @!p0 $0x1;
	_ =	shalt  }
.LBB2_1:
.Ltmp3:
0x3a6: {  	(pc) =	sbr.rel .LBB2_6-.Ltmp3, $4  }
0x3a7: {  	_ = 	snop  }
0x3a8: {  	s24 =	simm.s32 $0x1600;
	s29 =	simm.s32 $0x1580;
	s28 =	simm.s32 $0x1500  }
0x3a9: {  	s26 =	simm.s32 $0x1480;
	s25 =	simm.s32 $0x1400;
	s23 =	simm.s32 $0x1800  }
0x3aa: {  	s22 =	simm.s32 $0x1780;
	s21 =	simm.s32 $0x1700;
	s20 =	simm.s32 $0x1680  }
.LBB2_3:
.Ltmp4:
0x3ab: {  	(pc) =	sbr.rel .LBB2_6-.Ltmp4, $4  }
0x3ac: {  	s24 =	simm.s32 $0x1600  }
0x3ad: {  	s29 =	simm.s32 $0x1580;
	s28 =	simm.s32 $0x1500;
	s26 =	simm.s32 $0x1480  }
0x3ae: {  	s25 =	simm.s32 $0x1400;
	s23 =	simm.s32 $0x1800;
	s22 =	simm.s32 $0x1780  }
0x3af: {  	s21 =	simm.s32 $0x1700;
	s20 =	simm.s32 $0x1680;
	s19 =	stileid.u32  }
.Lfunc_end2:
_tile_overlayer_lowered:
.L_overlay_start_2:
0x3b0: {  	(tag) =	ssettag $0x2  }
0x3b1: {  	s0 =	rddreg [dreg:$0x0];
	s2 =	stileid.u32  }
0x3b2: {  	s1 =	rddreg [dreg:$0x1];
	p0 =	sne.s32 s2, $0x0  }
0x3b3: {  	s3 =	rddreg [dreg:$0x2];
	[bflag:$0x3] =	sbarrier.arrive $0xFFFF;
	s2 =	simm.s32 @!p0 $0x1C05  }
0x3b4: {  	[timem:s3], [sflag:s2] =	dma.local @!p0 [hbm:s0], s1  }
0x3b5: {  	s0 =	simm.s32 @!p0 $0x5  }
0x3b6: {  	_ =	swait.ge @!p0 [sflag:s0], s1  }
0x3b7: {  	s1 =	ssub.s32 @!p0 $0x0, s1;
	[sflag:s0] =	ssyncset.done @!p0 $0x0  }
0x3b8: {  	[sflag:s0] =	ssyncadd.s32 @!p0 s1  }
0x3b9: {  	[bflag:$0x3] =	sbarrier.arrive $0xFFFF  }
0x3ba: {  	_ =	shalt  }

</sc_bundles>
